<compile_context>
chip_gen: v7x
topology: tpu7x:2x2x1
jax: 0.10.2.dev20260603
libtpu: 0.0.44.dev20260713+nightly
codegen_flags: <defaults>
</compile_context>

<pallas_src>
import jax
import jax.numpy as jnp
from jax import lax
from jax.experimental import pallas as pl
from jax.experimental.pallas import tpu as pltpu
from jax.experimental.pallas import tpu_sc as plsc

N = 10000
E = 320000
D = 128
NC, NS = 2, 16
NW = NC * NS
CH = 128
TOTCH = 2560
NCH = TOTCH // NW
GROUP = 40
EP = TOTCH * CH
NP = 10112
STRIPE = NP // NS
BR = 1000

_mesh = plsc.VectorSubcoreMesh(core_axis_name="c", subcore_axis_name="s",
                               num_cores=NC, num_subcores=NS)


def _sc_scatter_body(z_hbm, src_hbm, dst_hbm, zeros_hbm, out_hbm,
                     src_v, dst_v, rows_v, acc, sem0, sem1):
    c = lax.axis_index("c")
    s = lax.axis_index("s")
    pltpu.sync_copy(zeros_hbm, acc.at[pl.ds(s * STRIPE, STRIPE)])
    plsc.subcore_barrier()

    wid = s * NC + c
    pltpu.sync_copy(src_hbm.at[pl.ds(wid * NCH, NCH)], src_v)
    pltpu.async_copy(z_hbm.at[src_v.at[0]], rows_v.at[0], sem0)
    for p in range(NCH // GROUP):
        pltpu.sync_copy(
            dst_hbm.at[pl.ds(wid * NCH + p * GROUP, GROUP)], dst_v)

        def pair(j, carry, p=p):
            g0 = p * GROUP + 2 * j
            g1 = g0 + 1
            pltpu.async_copy(z_hbm.at[src_v.at[g1]], rows_v.at[1], sem1)
            pltpu.make_async_copy(z_hbm.at[src_v.at[g0]], rows_v.at[0],
                                  sem0).wait()
            pltpu.sync_copy(rows_v.at[0], acc.at[dst_v.at[2 * j]], add=True)

            @pl.when(g0 + 2 < NCH)
            def _():
                pltpu.async_copy(z_hbm.at[src_v.at[g0 + 2]], rows_v.at[0],
                                 sem0)

            pltpu.make_async_copy(z_hbm.at[src_v.at[g1]], rows_v.at[1],
                                  sem1).wait()
            pltpu.sync_copy(rows_v.at[1], acc.at[dst_v.at[2 * j + 1]],
                            add=True)
            return carry

        lax.fori_loop(0, GROUP // 2, pair, 0)
    plsc.subcore_barrier()
    pltpu.sync_copy(acc.at[pl.ds(s * STRIPE, STRIPE)],
                    out_hbm.at[c, pl.ds(s * STRIPE, STRIPE)])


def _build_sc_scatter():
    return pl.kernel(
        _sc_scatter_body,
        out_type=jax.ShapeDtypeStruct((NC, NP, D), jnp.float32),
        mesh=_mesh,
        scratch_types=[
            pltpu.VMEM((NCH, CH), jnp.int32),
            pltpu.VMEM((GROUP, CH), jnp.int32),
            pltpu.VMEM((2, CH, D), jnp.float32),
            pltpu.VMEM_SHARED((NP, D), jnp.float32),
            pltpu.SemaphoreType.DMA,
            pltpu.SemaphoreType.DMA,
        ],
    )


_sc_scatter = _build_sc_scatter()


def _sc_degree_body(dst_hbm, ones_hbm, zeros_hbm, out_hbm, dst_v, ones_v, acc):
    c = lax.axis_index("c")
    s = lax.axis_index("s")
    wid = s * NC + c
    pltpu.sync_copy(zeros_hbm, acc.at[pl.ds(s * STRIPE, STRIPE)])
    pltpu.sync_copy(ones_hbm, ones_v)
    pltpu.sync_copy(dst_hbm.at[pl.ds(wid * NCH, NCH)], dst_v)
    plsc.subcore_barrier()

    def chunk(i, carry):
        pltpu.sync_copy(ones_v, acc.at[dst_v.at[i]], add=True)
        return carry

    lax.fori_loop(0, NCH, chunk, 0)
    plsc.subcore_barrier()
    pltpu.sync_copy(acc.at[pl.ds(s * STRIPE, STRIPE)],
                    out_hbm.at[c, pl.ds(s * STRIPE, STRIPE)])


def _build_sc_degree():
    return pl.kernel(
        _sc_degree_body,
        out_type=jax.ShapeDtypeStruct((NC, NP, D), jnp.float32),
        mesh=_mesh,
        scratch_types=[
            pltpu.VMEM((NCH, CH), jnp.int32),
            pltpu.VMEM((CH, D), jnp.float32),
            pltpu.VMEM_SHARED((NP, D), jnp.float32),
        ],
    )


_sc_degree = _build_sc_degree()


def _dot(a, b):
    return jnp.dot(a, b, preferred_element_type=jnp.float32)


def _tc_first_body(x_r, wl_r, wr_r, b_r, z_o, r_o):
    h = x_r[...]
    z_o[...] = _dot(h, wl_r[...])
    r_o[...] = _dot(h, wr_r[...]) + b_r[...]


def _tc_mid_body(aa_r, ab_r, da_r, db_r, rp_r, wl_r, wr_r, b_r, z_o, r_o):
    deg = da_r[0, :, 0:1] + db_r[0, :, 0:1]
    inv = 1.0 / jnp.maximum(deg, 1.0)
    h = (aa_r[0] + ab_r[0]) * inv + rp_r[...]
    h = jnp.where(h > 0, h, 0.1 * h)
    z_o[...] = _dot(h, wl_r[...])
    r_o[...] = _dot(h, wr_r[...]) + b_r[...]


def _tc_final_body(aa_r, ab_r, da_r, db_r, rp_r, out_o):
    deg = da_r[0, :, 0:1] + db_r[0, :, 0:1]
    inv = 1.0 / jnp.maximum(deg, 1.0)
    out_o[...] = (aa_r[0] + ab_r[0]) * inv + rp_r[...]


_row_spec = pl.BlockSpec((BR, D), lambda i: (i, 0))
_w_spec = pl.BlockSpec((D, D), lambda i: (0, 0))
_b_spec = pl.BlockSpec((1, D), lambda i: (0, 0))


def _acc_spec(core):
    return pl.BlockSpec((1, BR, D), lambda i: (core, i, 0))


def _deg_spec(core):
    return pl.BlockSpec((1, BR, D), lambda i: (core, i, 0))


_tc_first = pl.pallas_call(
    _tc_first_body,
    grid=(N // BR,),
    in_specs=[_row_spec, _w_spec, _w_spec, _b_spec],
    out_specs=[_row_spec, _row_spec],
    out_shape=[jax.ShapeDtypeStruct((N, D), jnp.float32)] * 2,
)

_tc_mid = pl.pallas_call(
    _tc_mid_body,
    grid=(N // BR,),
    in_specs=[_acc_spec(0), _acc_spec(1), _deg_spec(0), _deg_spec(1),
              _row_spec, _w_spec, _w_spec, _b_spec],
    out_specs=[_row_spec, _row_spec],
    out_shape=[jax.ShapeDtypeStruct((N, D), jnp.float32)] * 2,
)

_tc_final = pl.pallas_call(
    _tc_final_body,
    grid=(N // BR,),
    in_specs=[_acc_spec(0), _acc_spec(1), _deg_spec(0), _deg_spec(1), _row_spec],
    out_specs=_row_spec,
    out_shape=jax.ShapeDtypeStruct((N, D), jnp.float32),
)


def kernel(x, edge_index, Wl0, Wr0, b0, Wl1, Wr1, b1, Wl2, Wr2, b2,
           Wl3, Wr3, b3):
    src = edge_index[0].astype(jnp.int32)
    dst = edge_index[1].astype(jnp.int32)
    pad = EP - E
    trash = N + jnp.arange(pad, dtype=jnp.int32) % (NP - N)
    fake_src = jnp.arange(pad, dtype=jnp.int32) % N
    srcp = jnp.concatenate([src, fake_src]).reshape(TOTCH, CH)
    dstp = jnp.concatenate([dst, trash]).reshape(TOTCH, CH)
    zeros_l = jnp.zeros((STRIPE, D), jnp.float32)
    ones_d = jnp.ones((CH, D), jnp.float32)

    deg2 = _sc_degree(dstp, ones_d, zeros_l)
    z, r = _tc_first(x, Wl0, Wr0, b0.reshape(1, D))
    for wl, wr, b in ((Wl1, Wr1, b1), (Wl2, Wr2, b2), (Wl3, Wr3, b3)):
        acc2 = _sc_scatter(z, srcp, dstp, zeros_l)
        z, r = _tc_mid(acc2, acc2, deg2, deg2, r, wl, wr, b.reshape(1, D))
    acc2 = _sc_scatter(z, srcp, dstp, zeros_l)
    return _tc_final(acc2, acc2, deg2, deg2, r)

# --- scband reference (transcript-rebuilt; emitter-appended) ---
"""Pipeline reference for scband-graph-sage-21114059227292 (READ-ONLY COPY).

The authoritative reference and input builder live on the scoring server;
editing this copy changes nothing except your own understanding.
"""

import jax, jax.numpy as jnp
import numpy as np

N_NODES = 10000
N_EDGES = 320000
D = 128


def _sage_conv(x, src, dst, Wl, Wr, b, n_nodes):
    # PyG SAGEConv with mean aggregation:
    # out = lin_l(mean_{j in N(i)} x_j) + lin_r(x_i)
    msgs = x[src]
    agg = jax.ops.segment_sum(msgs, dst, num_segments=n_nodes)
    deg = jax.ops.segment_sum(jnp.ones((src.shape[0], 1), dtype=x.dtype), dst, num_segments=n_nodes)
    agg = agg / jnp.maximum(deg, 1.0)
    return agg @ Wl + x @ Wr + b


def setup_inputs(seed: int = 0) -> dict:
    key = jax.random.key(seed)
    ks = jax.random.split(key, 16)
    x = jax.random.normal(ks[0], (N_NODES, D), dtype=jnp.float32)
    edge_index = jax.random.randint(ks[1], (2, N_EDGES), 0, N_NODES, dtype=jnp.int64)
    inp = {"x": x, "edge_index": edge_index}
    # 4 SAGEConv layers: conv1, convs[0], convs[1], conv2 (all 128 -> 128)
    for li in range(4):
        inp[f"Wl{li}"] = jax.random.normal(ks[2 + 3 * li], (D, D), dtype=jnp.float32) * 0.05
        inp[f"Wr{li}"] = jax.random.normal(ks[3 + 3 * li], (D, D), dtype=jnp.float32) * 0.05
        inp[f"b{li}"] = jnp.zeros((D,), dtype=jnp.float32)
    return inp


def reference(x, edge_index, Wl0, Wr0, b0, Wl1, Wr1, b1, Wl2, Wr2, b2, Wl3, Wr3, b3):
    src = edge_index[0]
    dst = edge_index[1]
    n = x.shape[0]
    # conv1 + LeakyReLU(0.1)
    h = _sage_conv(x, src, dst, Wl0, Wr0, b0, n)
    h = jax.nn.leaky_relu(h, negative_slope=0.1)
    # convs[0] + LeakyReLU(0.1)
    h = _sage_conv(h, src, dst, Wl1, Wr1, b1, n)
    h = jax.nn.leaky_relu(h, negative_slope=0.1)
    # convs[1] + LeakyReLU(0.1)
    h = _sage_conv(h, src, dst, Wl2, Wr2, b2, n)
    h = jax.nn.leaky_relu(h, negative_slope=0.1)
    # conv2 (no activation)
    h = _sage_conv(h, src, dst, Wl3, Wr3, b3, n)
    return h

if __name__ == "__main__":
    import jax
    _d = setup_inputs()
    print(jax.jit(kernel)(*tuple(_d.values())))

</pallas_src>

<mosaic_0001>
#map = affine_map<(d0, d1) -> (0, 0)>
#map1 = affine_map<(d0, d1) -> (0, 0, 0)>
module attributes {stable_mosaic.version = 14 : i64} {
  func.func @_sc_degree_body(%arg0: i32, %arg1: i32, %arg2: memref<2560x128xi32, #tpu.memory_space<hbm>>, %arg3: memref<128x128xf32, #tpu.memory_space<hbm>>, %arg4: memref<632x128xf32, #tpu.memory_space<hbm>>, %arg5: memref<2x10112x128xf32, #tpu.memory_space<hbm>>, %arg6: memref<80x128xi32, #tpu.memory_space<vmem>>, %arg7: memref<128x128xf32, #tpu.memory_space<vmem>>, %arg8: memref<10112x128xf32, #tpu.memory_space<vmem_shared>>) attributes {dimension_semantics = [#tpu.dimension_semantics<core_parallel>, #tpu.dimension_semantics<subcore_parallel>], iteration_bounds = array<i64: 2, 16>, scalar_prefetch = 0 : i64, scratch_operands = 3 : i64, tpu.core_type = #tpu.core_type<sc_vector_subcore>, window_params = [{transform_indices = #map}, {transform_indices = #map}, {transform_indices = #map}, {transform_indices = #map1}]} {
    %mul3A = arith.constant 2 : i32
    %mul3A_0 = arith.muli %arg1, %mul3A : i32
    %add3A = arith.addi %mul3A_0, %arg0 : i32
    %mul3A_1 = arith.constant 632 : i32
    %mul3A_2 = arith.muli %arg1, %mul3A_1 : i32
    "tpu.region"() ({
      %run_scoped3A = tpu.sem_alloc : memref<!tpu.dma_semaphore, #tpu.memory_space<semaphore_mem>>
      %dma_start3A = arith.constant 0 : i32
      %dma_start3A_15 = tpu.memref_slice %arg8[%mul3A_2, %dma_start3A] : memref<10112x128xf32, #tpu.memory_space<vmem_shared>> -> memref<632x128xf32, #tpu.memory_space<vmem_shared>>
      tpu.enqueue_dma source(%arg4 : memref<632x128xf32, #tpu.memory_space<hbm>>) target(%dma_start3A_15 : memref<632x128xf32, #tpu.memory_space<vmem_shared>>) target_semaphore(%run_scoped3A : memref<!tpu.dma_semaphore, #tpu.memory_space<semaphore_mem>>)
      %dma_wait3A = arith.constant 0 : i32
      %dma_wait3A_16 = tpu.memref_slice %arg8[%mul3A_2, %dma_wait3A] : memref<10112x128xf32, #tpu.memory_space<vmem_shared>> -> memref<632x128xf32, #tpu.memory_space<vmem_shared>>
      tpu.wait_dma2 semaphore(%run_scoped3A : memref<!tpu.dma_semaphore, #tpu.memory_space<semaphore_mem>>) src(%arg4 : memref<632x128xf32, #tpu.memory_space<hbm>>) dst(%dma_wait3A_16 : memref<632x128xf32, #tpu.memory_space<vmem_shared>>)
      tpu.yield
    }) : () -> ()
    "tpu.region"() ({
      %run_scoped3A = tpu.sem_alloc : memref<!tpu.dma_semaphore, #tpu.memory_space<semaphore_mem>>
      tpu.enqueue_dma source(%arg3 : memref<128x128xf32, #tpu.memory_space<hbm>>) target(%arg7 : memref<128x128xf32, #tpu.memory_space<vmem>>) target_semaphore(%run_scoped3A : memref<!tpu.dma_semaphore, #tpu.memory_space<semaphore_mem>>)
      tpu.wait_dma2 semaphore(%run_scoped3A : memref<!tpu.dma_semaphore, #tpu.memory_space<semaphore_mem>>) src(%arg3 : memref<128x128xf32, #tpu.memory_space<hbm>>) dst(%arg7 : memref<128x128xf32, #tpu.memory_space<vmem>>)
      tpu.yield
    }) : () -> ()
    %mul3A_3 = arith.constant 80 : i32
    %mul3A_4 = arith.muli %add3A, %mul3A_3 : i32
    "tpu.region"() ({
      %run_scoped3A = tpu.sem_alloc : memref<!tpu.dma_semaphore, #tpu.memory_space<semaphore_mem>>
      %dma_start3A = arith.constant 0 : i32
      %dma_start3A_15 = tpu.memref_slice %arg2[%mul3A_4, %dma_start3A] : memref<2560x128xi32, #tpu.memory_space<hbm>> -> memref<80x128xi32, #tpu.memory_space<hbm>>
      %dma_start3A_16 = arith.constant 0 : i32
      %dma_start3A_17 = tpu.memref_slice %arg2[%mul3A_4, %dma_start3A_16] : memref<2560x128xi32, #tpu.memory_space<hbm>> -> memref<80x128xi32, #tpu.memory_space<hbm>>
      tpu.enqueue_dma source(%dma_start3A_17 : memref<80x128xi32, #tpu.memory_space<hbm>>) target(%arg6 : memref<80x128xi32, #tpu.memory_space<vmem>>) target_semaphore(%run_scoped3A : memref<!tpu.dma_semaphore, #tpu.memory_space<semaphore_mem>>)
      %dma_wait3A = arith.constant 0 : i32
      %dma_wait3A_18 = tpu.memref_slice %arg2[%mul3A_4, %dma_wait3A] : memref<2560x128xi32, #tpu.memory_space<hbm>> -> memref<80x128xi32, #tpu.memory_space<hbm>>
      %dma_wait3A_19 = arith.constant 0 : i32
      %dma_wait3A_20 = tpu.memref_slice %arg2[%mul3A_4, %dma_wait3A_19] : memref<2560x128xi32, #tpu.memory_space<hbm>> -> memref<80x128xi32, #tpu.memory_space<hbm>>
      tpu.wait_dma2 semaphore(%run_scoped3A : memref<!tpu.dma_semaphore, #tpu.memory_space<semaphore_mem>>) src(%dma_wait3A_20 : memref<80x128xi32, #tpu.memory_space<hbm>>) dst(%arg6 : memref<80x128xi32, #tpu.memory_space<vmem>>)
      tpu.yield
    }) : () -> ()
    %barrier3A = arith.constant 0 : index
    tpu.barrier barrier_id(%barrier3A)
    %scan3A = arith.constant 0 : i32
    %scan3A_5 = arith.constant 0 : i32
    %scan3A_6 = arith.constant 80 : i32
    %scan3A_7 = arith.addi %scan3A_5, %scan3A_6 : i32
    %scan3A_8 = arith.constant 1 : i32
    scf.for %scan3A_15 = %scan3A_5 to %scan3A_7 step %scan3A_8  : i32 {
      "tpu.region"() ({
        %run_scoped3A = tpu.sem_alloc : memref<!tpu.dma_semaphore, #tpu.memory_space<semaphore_mem>>
        %dma_start3A = arith.constant 0 : i32
        %dma_start3A_16 = tpu.memref_slice %arg6[%scan3A_15, %dma_start3A] : memref<80x128xi32, #tpu.memory_space<vmem>> -> memref<1x128xi32, #tpu.memory_space<vmem>>
        %dma_start3A_17 = tpu.memref_squeeze %dma_start3A_16 : memref<1x128xi32, #tpu.memory_space<vmem>> -> memref<128xi32, #tpu.memory_space<vmem>>
        %dma_start3A_18 = arith.constant 0 : i32
        %dma_start3A_19 = arith.constant 0 : i32
        %dma_start3A_20 = tpu.memref_slice %arg8[%dma_start3A_18, %dma_start3A_19] : memref<10112x128xf32, #tpu.memory_space<vmem_shared>> -> memref<10112x128xf32, #tpu.memory_space<vmem_shared>>
        tpu.enqueue_indirect_dma source(%arg7 : memref<128x128xf32, #tpu.memory_space<vmem>>) target(%dma_start3A_20 : memref<10112x128xf32, #tpu.memory_space<vmem_shared>>) offsets(%dma_start3A_17 : memref<128xi32, #tpu.memory_space<vmem>>) semaphore(%run_scoped3A : memref<!tpu.dma_semaphore, #tpu.memory_space<semaphore_mem>>) {add = true}
        %dma_wait3A = arith.constant 0 : i32
        %dma_wait3A_21 = tpu.memref_slice %arg6[%scan3A_15, %dma_wait3A] : memref<80x128xi32, #tpu.memory_space<vmem>> -> memref<1x128xi32, #tpu.memory_space<vmem>>
        %dma_wait3A_22 = tpu.memref_squeeze %dma_wait3A_21 : memref<1x128xi32, #tpu.memory_space<vmem>> -> memref<128xi32, #tpu.memory_space<vmem>>
        %dma_wait3A_23 = arith.constant 0 : i32
        %dma_wait3A_24 = arith.constant 0 : i32
        %dma_wait3A_25 = tpu.memref_slice %arg8[%dma_wait3A_23, %dma_wait3A_24] : memref<10112x128xf32, #tpu.memory_space<vmem_shared>> -> memref<10112x128xf32, #tpu.memory_space<vmem_shared>>
        tpu.wait_indirect_dma semaphore(%run_scoped3A : memref<!tpu.dma_semaphore, #tpu.memory_space<semaphore_mem>>) src(%arg7 : memref<128x128xf32, #tpu.memory_space<vmem>>) dst(%dma_wait3A_25 : memref<10112x128xf32, #tpu.memory_space<vmem_shared>>)
        tpu.yield
      }) : () -> ()
    }
    %scan3A_9 = arith.constant 80 : i32
    %barrier3A_10 = arith.constant 0 : index
    tpu.barrier barrier_id(%barrier3A_10)
    %mul3A_11 = arith.constant 632 : i32
    %mul3A_12 = arith.muli %arg1, %mul3A_11 : i32
    %mul3A_13 = arith.constant 632 : i32
    %mul3A_14 = arith.muli %arg1, %mul3A_13 : i32
    "tpu.region"() ({
      %run_scoped3A = tpu.sem_alloc : memref<!tpu.dma_semaphore, #tpu.memory_space<semaphore_mem>>
      %dma_start3A = arith.constant 0 : i32
      %dma_start3A_15 = tpu.memref_slice %arg5[%arg0, %mul3A_14, %dma_start3A] : memref<2x10112x128xf32, #tpu.memory_space<hbm>> -> memref<1x632x128xf32, #tpu.memory_space<hbm>>
      %dma_start3A_16 = tpu.memref_squeeze %dma_start3A_15 : memref<1x632x128xf32, #tpu.memory_space<hbm>> -> memref<632x128xf32, #tpu.memory_space<hbm>>
      %dma_start3A_17 = arith.constant 0 : i32
      %dma_start3A_18 = tpu.memref_slice %arg8[%mul3A_12, %dma_start3A_17] : memref<10112x128xf32, #tpu.memory_space<vmem_shared>> -> memref<632x128xf32, #tpu.memory_space<vmem_shared>>
      tpu.enqueue_dma source(%dma_start3A_18 : memref<632x128xf32, #tpu.memory_space<vmem_shared>>) target(%dma_start3A_16 : memref<632x128xf32, #tpu.memory_space<hbm>>) target_semaphore(%run_scoped3A : memref<!tpu.dma_semaphore, #tpu.memory_space<semaphore_mem>>)
      %dma_wait3A = arith.constant 0 : i32
      %dma_wait3A_19 = tpu.memref_slice %arg5[%arg0, %mul3A_14, %dma_wait3A] : memref<2x10112x128xf32, #tpu.memory_space<hbm>> -> memref<1x632x128xf32, #tpu.memory_space<hbm>>
      %dma_wait3A_20 = tpu.memref_squeeze %dma_wait3A_19 : memref<1x632x128xf32, #tpu.memory_space<hbm>> -> memref<632x128xf32, #tpu.memory_space<hbm>>
      %dma_wait3A_21 = arith.constant 0 : i32
      %dma_wait3A_22 = tpu.memref_slice %arg8[%mul3A_12, %dma_wait3A_21] : memref<10112x128xf32, #tpu.memory_space<vmem_shared>> -> memref<632x128xf32, #tpu.memory_space<vmem_shared>>
      tpu.wait_dma2 semaphore(%run_scoped3A : memref<!tpu.dma_semaphore, #tpu.memory_space<semaphore_mem>>) src(%dma_wait3A_22 : memref<632x128xf32, #tpu.memory_space<vmem_shared>>) dst(%dma_wait3A_20 : memref<632x128xf32, #tpu.memory_space<hbm>>)
      tpu.yield
    }) : () -> ()
    return
  }
}

#map = affine_map<(d0, d1) -> (0, 0)>
#map1 = affine_map<(d0, d1) -> (0, 0, 0)>
module attributes {stable_mosaic.version = 14 : i64} {
  func.func @_sc_scatter_body(%arg0: i32, %arg1: i32, %arg2: memref<10000x128xf32, #tpu.memory_space<hbm>>, %arg3: memref<2560x128xi32, #tpu.memory_space<hbm>>, %arg4: memref<2560x128xi32, #tpu.memory_space<hbm>>, %arg5: memref<632x128xf32, #tpu.memory_space<hbm>>, %arg6: memref<2x10112x128xf32, #tpu.memory_space<hbm>>, %arg7: memref<80x128xi32, #tpu.memory_space<vmem>>, %arg8: memref<40x128xi32, #tpu.memory_space<vmem>>, %arg9: memref<2x128x128xf32, #tpu.memory_space<vmem>>, %arg10: memref<10112x128xf32, #tpu.memory_space<vmem_shared>>, %arg11: memref<!tpu.dma_semaphore, #tpu.memory_space<semaphore_mem>>, %arg12: memref<!tpu.dma_semaphore, #tpu.memory_space<semaphore_mem>>) attributes {dimension_semantics = [#tpu.dimension_semantics<core_parallel>, #tpu.dimension_semantics<subcore_parallel>], iteration_bounds = array<i64: 2, 16>, scalar_prefetch = 0 : i64, scratch_operands = 6 : i64, tpu.core_type = #tpu.core_type<sc_vector_subcore>, window_params = [{transform_indices = #map}, {transform_indices = #map}, {transform_indices = #map}, {transform_indices = #map}, {transform_indices = #map1}]} {
    %mul3A = arith.constant 632 : i32
    %mul3A_0 = arith.muli %arg1, %mul3A : i32
    "tpu.region"() ({
      %run_scoped3A = tpu.sem_alloc : memref<!tpu.dma_semaphore, #tpu.memory_space<semaphore_mem>>
      %dma_start3A_40 = arith.constant 0 : i32
      %dma_start3A_41 = tpu.memref_slice %arg10[%mul3A_0, %dma_start3A_40] : memref<10112x128xf32, #tpu.memory_space<vmem_shared>> -> memref<632x128xf32, #tpu.memory_space<vmem_shared>>
      tpu.enqueue_dma source(%arg5 : memref<632x128xf32, #tpu.memory_space<hbm>>) target(%dma_start3A_41 : memref<632x128xf32, #tpu.memory_space<vmem_shared>>) target_semaphore(%run_scoped3A : memref<!tpu.dma_semaphore, #tpu.memory_space<semaphore_mem>>)
      %dma_wait3A = arith.constant 0 : i32
      %dma_wait3A_42 = tpu.memref_slice %arg10[%mul3A_0, %dma_wait3A] : memref<10112x128xf32, #tpu.memory_space<vmem_shared>> -> memref<632x128xf32, #tpu.memory_space<vmem_shared>>
      tpu.wait_dma2 semaphore(%run_scoped3A : memref<!tpu.dma_semaphore, #tpu.memory_space<semaphore_mem>>) src(%arg5 : memref<632x128xf32, #tpu.memory_space<hbm>>) dst(%dma_wait3A_42 : memref<632x128xf32, #tpu.memory_space<vmem_shared>>)
      tpu.yield
    }) : () -> ()
    %barrier3A = arith.constant 0 : index
    tpu.barrier barrier_id(%barrier3A)
    %mul3A_1 = arith.constant 2 : i32
    %mul3A_2 = arith.muli %arg1, %mul3A_1 : i32
    %add3A = arith.addi %mul3A_2, %arg0 : i32
    %mul3A_3 = arith.constant 80 : i32
    %mul3A_4 = arith.muli %add3A, %mul3A_3 : i32
    "tpu.region"() ({
      %run_scoped3A = tpu.sem_alloc : memref<!tpu.dma_semaphore, #tpu.memory_space<semaphore_mem>>
      %dma_start3A_40 = arith.constant 0 : i32
      %dma_start3A_41 = tpu.memref_slice %arg3[%mul3A_4, %dma_start3A_40] : memref<2560x128xi32, #tpu.memory_space<hbm>> -> memref<80x128xi32, #tpu.memory_space<hbm>>
      %dma_start3A_42 = arith.constant 0 : i32
      %dma_start3A_43 = tpu.memref_slice %arg3[%mul3A_4, %dma_start3A_42] : memref<2560x128xi32, #tpu.memory_space<hbm>> -> memref<80x128xi32, #tpu.memory_space<hbm>>
      tpu.enqueue_dma source(%dma_start3A_43 : memref<80x128xi32, #tpu.memory_space<hbm>>) target(%arg7 : memref<80x128xi32, #tpu.memory_space<vmem>>) target_semaphore(%run_scoped3A : memref<!tpu.dma_semaphore, #tpu.memory_space<semaphore_mem>>)
      %dma_wait3A = arith.constant 0 : i32
      %dma_wait3A_44 = tpu.memref_slice %arg3[%mul3A_4, %dma_wait3A] : memref<2560x128xi32, #tpu.memory_space<hbm>> -> memref<80x128xi32, #tpu.memory_space<hbm>>
      %dma_wait3A_45 = arith.constant 0 : i32
      %dma_wait3A_46 = tpu.memref_slice %arg3[%mul3A_4, %dma_wait3A_45] : memref<2560x128xi32, #tpu.memory_space<hbm>> -> memref<80x128xi32, #tpu.memory_space<hbm>>
      tpu.wait_dma2 semaphore(%run_scoped3A : memref<!tpu.dma_semaphore, #tpu.memory_space<semaphore_mem>>) src(%dma_wait3A_46 : memref<80x128xi32, #tpu.memory_space<hbm>>) dst(%arg7 : memref<80x128xi32, #tpu.memory_space<vmem>>)
      tpu.yield
    }) : () -> ()
    %dma_start3A = arith.constant 0 : i32
    %dma_start3A_5 = arith.constant 0 : i32
    %dma_start3A_6 = arith.constant 0 : i32
    %dma_start3A_7 = arith.constant 0 : i32
    %dma_start3A_8 = tpu.memref_slice %arg9[%dma_start3A_5, %dma_start3A_6, %dma_start3A_7] : memref<2x128x128xf32, #tpu.memory_space<vmem>> -> memref<1x128x128xf32, #tpu.memory_space<vmem>>
    %dma_start3A_9 = tpu.memref_squeeze %dma_start3A_8 : memref<1x128x128xf32, #tpu.memory_space<vmem>> -> memref<128x128xf32, #tpu.memory_space<vmem>>
    %dma_start3A_10 = arith.constant 0 : i32
    %dma_start3A_11 = tpu.memref_slice %arg7[%dma_start3A, %dma_start3A_10] : memref<80x128xi32, #tpu.memory_space<vmem>> -> memref<1x128xi32, #tpu.memory_space<vmem>>
    %dma_start3A_12 = tpu.memref_squeeze %dma_start3A_11 : memref<1x128xi32, #tpu.memory_space<vmem>> -> memref<128xi32, #tpu.memory_space<vmem>>
    %dma_start3A_13 = arith.constant 0 : i32
    %dma_start3A_14 = arith.constant 0 : i32
    %dma_start3A_15 = tpu.memref_slice %arg2[%dma_start3A_13, %dma_start3A_14] : memref<10000x128xf32, #tpu.memory_space<hbm>> -> memref<10000x128xf32, #tpu.memory_space<hbm>>
    tpu.enqueue_indirect_dma source(%dma_start3A_15 : memref<10000x128xf32, #tpu.memory_space<hbm>>) target(%dma_start3A_9 : memref<128x128xf32, #tpu.memory_space<vmem>>) offsets(%dma_start3A_12 : memref<128xi32, #tpu.memory_space<vmem>>) semaphore(%arg11 : memref<!tpu.dma_semaphore, #tpu.memory_space<semaphore_mem>>)
    %mul3A_16 = arith.constant 80 : i32
    %mul3A_17 = arith.muli %add3A, %mul3A_16 : i32
    %add3A_18 = arith.constant 0 : i32
    %add3A_19 = arith.addi %mul3A_17, %add3A_18 : i32
    "tpu.region"() ({
      %run_scoped3A = tpu.sem_alloc : memref<!tpu.dma_semaphore, #tpu.memory_space<semaphore_mem>>
      %dma_start3A_40 = arith.constant 0 : i32
      %dma_start3A_41 = tpu.memref_slice %arg4[%add3A_19, %dma_start3A_40] : memref<2560x128xi32, #tpu.memory_space<hbm>> -> memref<40x128xi32, #tpu.memory_space<hbm>>
      %dma_start3A_42 = arith.constant 0 : i32
      %dma_start3A_43 = tpu.memref_slice %arg4[%add3A_19, %dma_start3A_42] : memref<2560x128xi32, #tpu.memory_space<hbm>> -> memref<40x128xi32, #tpu.memory_space<hbm>>
      tpu.enqueue_dma source(%dma_start3A_43 : memref<40x128xi32, #tpu.memory_space<hbm>>) target(%arg8 : memref<40x128xi32, #tpu.memory_space<vmem>>) target_semaphore(%run_scoped3A : memref<!tpu.dma_semaphore, #tpu.memory_space<semaphore_mem>>)
      %dma_wait3A = arith.constant 0 : i32
      %dma_wait3A_44 = tpu.memref_slice %arg4[%add3A_19, %dma_wait3A] : memref<2560x128xi32, #tpu.memory_space<hbm>> -> memref<40x128xi32, #tpu.memory_space<hbm>>
      %dma_wait3A_45 = arith.constant 0 : i32
      %dma_wait3A_46 = tpu.memref_slice %arg4[%add3A_19, %dma_wait3A_45] : memref<2560x128xi32, #tpu.memory_space<hbm>> -> memref<40x128xi32, #tpu.memory_space<hbm>>
      tpu.wait_dma2 semaphore(%run_scoped3A : memref<!tpu.dma_semaphore, #tpu.memory_space<semaphore_mem>>) src(%dma_wait3A_46 : memref<40x128xi32, #tpu.memory_space<hbm>>) dst(%arg8 : memref<40x128xi32, #tpu.memory_space<vmem>>)
      tpu.yield
    }) : () -> ()
    %scan3A = arith.constant 0 : i32
    %scan3A_20 = arith.constant 0 : i32
    %scan3A_21 = arith.constant 20 : i32
    %scan3A_22 = arith.addi %scan3A_20, %scan3A_21 : i32
    %scan3A_23 = arith.constant 1 : i32
    scf.for %scan3A_40 = %scan3A_20 to %scan3A_22 step %scan3A_23  : i32 {
      %mul3A_41 = arith.constant 2 : i32
      %mul3A_42 = arith.muli %mul3A_41, %scan3A_40 : i32
      %add3A_43 = arith.constant 0 : i32
      %add3A_44 = arith.addi %add3A_43, %mul3A_42 : i32
      %add3A_45 = arith.constant 1 : i32
      %add3A_46 = arith.addi %add3A_44, %add3A_45 : i32
      %dma_start3A_47 = arith.constant 1 : i32
      %dma_start3A_48 = arith.constant 0 : i32
      %dma_start3A_49 = arith.constant 0 : i32
      %dma_start3A_50 = tpu.memref_slice %arg9[%dma_start3A_47, %dma_start3A_48, %dma_start3A_49] : memref<2x128x128xf32, #tpu.memory_space<vmem>> -> memref<1x128x128xf32, #tpu.memory_space<vmem>>
      %dma_start3A_51 = tpu.memref_squeeze %dma_start3A_50 : memref<1x128x128xf32, #tpu.memory_space<vmem>> -> memref<128x128xf32, #tpu.memory_space<vmem>>
      %dma_start3A_52 = arith.constant 0 : i32
      %dma_start3A_53 = tpu.memref_slice %arg7[%add3A_46, %dma_start3A_52] : memref<80x128xi32, #tpu.memory_space<vmem>> -> memref<1x128xi32, #tpu.memory_space<vmem>>
      %dma_start3A_54 = tpu.memref_squeeze %dma_start3A_53 : memref<1x128xi32, #tpu.memory_space<vmem>> -> memref<128xi32, #tpu.memory_space<vmem>>
      %dma_start3A_55 = arith.constant 0 : i32
      %dma_start3A_56 = arith.constant 0 : i32
      %dma_start3A_57 = tpu.memref_slice %arg2[%dma_start3A_55, %dma_start3A_56] : memref<10000x128xf32, #tpu.memory_space<hbm>> -> memref<10000x128xf32, #tpu.memory_space<hbm>>
      tpu.enqueue_indirect_dma source(%dma_start3A_57 : memref<10000x128xf32, #tpu.memory_space<hbm>>) target(%dma_start3A_51 : memref<128x128xf32, #tpu.memory_space<vmem>>) offsets(%dma_start3A_54 : memref<128xi32, #tpu.memory_space<vmem>>) semaphore(%arg12 : memref<!tpu.dma_semaphore, #tpu.memory_space<semaphore_mem>>)
      %dma_wait3A = arith.constant 0 : i32
      %dma_wait3A_58 = arith.constant 0 : i32
      %dma_wait3A_59 = arith.constant 0 : i32
      %dma_wait3A_60 = tpu.memref_slice %arg9[%dma_wait3A, %dma_wait3A_58, %dma_wait3A_59] : memref<2x128x128xf32, #tpu.memory_space<vmem>> -> memref<1x128x128xf32, #tpu.memory_space<vmem>>
      %dma_wait3A_61 = tpu.memref_squeeze %dma_wait3A_60 : memref<1x128x128xf32, #tpu.memory_space<vmem>> -> memref<128x128xf32, #tpu.memory_space<vmem>>
      %dma_wait3A_62 = arith.constant 0 : i32
      %dma_wait3A_63 = tpu.memref_slice %arg7[%add3A_44, %dma_wait3A_62] : memref<80x128xi32, #tpu.memory_space<vmem>> -> memref<1x128xi32, #tpu.memory_space<vmem>>
      %dma_wait3A_64 = tpu.memref_squeeze %dma_wait3A_63 : memref<1x128xi32, #tpu.memory_space<vmem>> -> memref<128xi32, #tpu.memory_space<vmem>>
      %dma_wait3A_65 = arith.constant 0 : i32
      %dma_wait3A_66 = arith.constant 0 : i32
      %dma_wait3A_67 = tpu.memref_slice %arg2[%dma_wait3A_65, %dma_wait3A_66] : memref<10000x128xf32, #tpu.memory_space<hbm>> -> memref<10000x128xf32, #tpu.memory_space<hbm>>
      tpu.wait_indirect_dma semaphore(%arg11 : memref<!tpu.dma_semaphore, #tpu.memory_space<semaphore_mem>>) src(%dma_wait3A_67 : memref<10000x128xf32, #tpu.memory_space<hbm>>) dst(%dma_wait3A_61 : memref<128x128xf32, #tpu.memory_space<vmem>>)
      %mul3A_68 = arith.constant 2 : i32
      %mul3A_69 = arith.muli %mul3A_68, %scan3A_40 : i32
      %run_scoped3A = arith.constant 0 : i32
      "tpu.region"() ({
        %run_scoped3A_90 = tpu.sem_alloc : memref<!tpu.dma_semaphore, #tpu.memory_space<semaphore_mem>>
        %dma_start3A_91 = arith.constant 0 : i32
        %dma_start3A_92 = arith.constant 0 : i32
        %dma_start3A_93 = tpu.memref_slice %arg9[%run_scoped3A, %dma_start3A_91, %dma_start3A_92] : memref<2x128x128xf32, #tpu.memory_space<vmem>> -> memref<1x128x128xf32, #tpu.memory_space<vmem>>
        %dma_start3A_94 = tpu.memref_squeeze %dma_start3A_93 : memref<1x128x128xf32, #tpu.memory_space<vmem>> -> memref<128x128xf32, #tpu.memory_space<vmem>>
        %dma_start3A_95 = arith.constant 0 : i32
        %dma_start3A_96 = tpu.memref_slice %arg8[%mul3A_69, %dma_start3A_95] : memref<40x128xi32, #tpu.memory_space<vmem>> -> memref<1x128xi32, #tpu.memory_space<vmem>>
        %dma_start3A_97 = tpu.memref_squeeze %dma_start3A_96 : memref<1x128xi32, #tpu.memory_space<vmem>> -> memref<128xi32, #tpu.memory_space<vmem>>
        %dma_start3A_98 = arith.constant 0 : i32
        %dma_start3A_99 = arith.constant 0 : i32
        %dma_start3A_100 = tpu.memref_slice %arg10[%dma_start3A_98, %dma_start3A_99] : memref<10112x128xf32, #tpu.memory_space<vmem_shared>> -> memref<10112x128xf32, #tpu.memory_space<vmem_shared>>
        tpu.enqueue_indirect_dma source(%dma_start3A_94 : memref<128x128xf32, #tpu.memory_space<vmem>>) target(%dma_start3A_100 : memref<10112x128xf32, #tpu.memory_space<vmem_shared>>) offsets(%dma_start3A_97 : memref<128xi32, #tpu.memory_space<vmem>>) semaphore(%run_scoped3A_90 : memref<!tpu.dma_semaphore, #tpu.memory_space<semaphore_mem>>) {add = true}
        %dma_wait3A_101 = arith.constant 0 : i32
        %dma_wait3A_102 = arith.constant 0 : i32
        %dma_wait3A_103 = tpu.memref_slice %arg9[%run_scoped3A, %dma_wait3A_101, %dma_wait3A_102] : memref<2x128x128xf32, #tpu.memory_space<vmem>> -> memref<1x128x128xf32, #tpu.memory_space<vmem>>
        %dma_wait3A_104 = tpu.memref_squeeze %dma_wait3A_103 : memref<1x128x128xf32, #tpu.memory_space<vmem>> -> memref<128x128xf32, #tpu.memory_space<vmem>>
        %dma_wait3A_105 = arith.constant 0 : i32
        %dma_wait3A_106 = tpu.memref_slice %arg8[%mul3A_69, %dma_wait3A_105] : memref<40x128xi32, #tpu.memory_space<vmem>> -> memref<1x128xi32, #tpu.memory_space<vmem>>
        %dma_wait3A_107 = tpu.memref_squeeze %dma_wait3A_106 : memref<1x128xi32, #tpu.memory_space<vmem>> -> memref<128xi32, #tpu.memory_space<vmem>>
        %dma_wait3A_108 = arith.constant 0 : i32
        %dma_wait3A_109 = arith.constant 0 : i32
        %dma_wait3A_110 = tpu.memref_slice %arg10[%dma_wait3A_108, %dma_wait3A_109] : memref<10112x128xf32, #tpu.memory_space<vmem_shared>> -> memref<10112x128xf32, #tpu.memory_space<vmem_shared>>
        tpu.wait_indirect_dma semaphore(%run_scoped3A_90 : memref<!tpu.dma_semaphore, #tpu.memory_space<semaphore_mem>>) src(%dma_wait3A_104 : memref<128x128xf32, #tpu.memory_space<vmem>>) dst(%dma_wait3A_110 : memref<10112x128xf32, #tpu.memory_space<vmem_shared>>)
        tpu.yield
      }) : () -> ()
      %add3A_70 = arith.constant 2 : i32
      %add3A_71 = arith.addi %add3A_44, %add3A_70 : i32
      %lt3A = arith.constant 80 : i32
      %lt3A_72 = arith.cmpi slt, %add3A_71, %lt3A : i32
      %convert_element_type3A = arith.extui %lt3A_72 : i1 to i32
      %cond3A = arith.constant 0 : i32
      %cond3A_73 = arith.cmpi ne, %convert_element_type3A, %cond3A : i32
      scf.if %cond3A_73 {
        %add3A_90 = arith.constant 2 : i32
        %add3A_91 = arith.addi %add3A_44, %add3A_90 : i32
        %dma_start3A_92 = arith.constant 0 : i32
        %dma_start3A_93 = arith.constant 0 : i32
        %dma_start3A_94 = arith.constant 0 : i32
        %dma_start3A_95 = tpu.memref_slice %arg9[%dma_start3A_92, %dma_start3A_93, %dma_start3A_94] : memref<2x128x128xf32, #tpu.memory_space<vmem>> -> memref<1x128x128xf32, #tpu.memory_space<vmem>>
        %dma_start3A_96 = tpu.memref_squeeze %dma_start3A_95 : memref<1x128x128xf32, #tpu.memory_space<vmem>> -> memref<128x128xf32, #tpu.memory_space<vmem>>
        %dma_start3A_97 = arith.constant 0 : i32
        %dma_start3A_98 = tpu.memref_slice %arg7[%add3A_91, %dma_start3A_97] : memref<80x128xi32, #tpu.memory_space<vmem>> -> memref<1x128xi32, #tpu.memory_space<vmem>>
        %dma_start3A_99 = tpu.memref_squeeze %dma_start3A_98 : memref<1x128xi32, #tpu.memory_space<vmem>> -> memref<128xi32, #tpu.memory_space<vmem>>
        %dma_start3A_100 = arith.constant 0 : i32
        %dma_start3A_101 = arith.constant 0 : i32
        %dma_start3A_102 = tpu.memref_slice %arg2[%dma_start3A_100, %dma_start3A_101] : memref<10000x128xf32, #tpu.memory_space<hbm>> -> memref<10000x128xf32, #tpu.memory_space<hbm>>
        tpu.enqueue_indirect_dma source(%dma_start3A_102 : memref<10000x128xf32, #tpu.memory_space<hbm>>) target(%dma_start3A_96 : memref<128x128xf32, #tpu.memory_space<vmem>>) offsets(%dma_start3A_99 : memref<128xi32, #tpu.memory_space<vmem>>) semaphore(%arg11 : memref<!tpu.dma_semaphore, #tpu.memory_space<semaphore_mem>>)
      } else {
      }
      %dma_wait3A_74 = arith.constant 1 : i32
      %dma_wait3A_75 = arith.constant 0 : i32
      %dma_wait3A_76 = arith.constant 0 : i32
      %dma_wait3A_77 = tpu.memref_slice %arg9[%dma_wait3A_74, %dma_wait3A_75, %dma_wait3A_76] : memref<2x128x128xf32, #tpu.memory_space<vmem>> -> memref<1x128x128xf32, #tpu.memory_space<vmem>>
      %dma_wait3A_78 = tpu.memref_squeeze %dma_wait3A_77 : memref<1x128x128xf32, #tpu.memory_space<vmem>> -> memref<128x128xf32, #tpu.memory_space<vmem>>
      %dma_wait3A_79 = arith.constant 0 : i32
      %dma_wait3A_80 = tpu.memref_slice %arg7[%add3A_46, %dma_wait3A_79] : memref<80x128xi32, #tpu.memory_space<vmem>> -> memref<1x128xi32, #tpu.memory_space<vmem>>
      %dma_wait3A_81 = tpu.memref_squeeze %dma_wait3A_80 : memref<1x128xi32, #tpu.memory_space<vmem>> -> memref<128xi32, #tpu.memory_space<vmem>>
      %dma_wait3A_82 = arith.constant 0 : i32
      %dma_wait3A_83 = arith.constant 0 : i32
      %dma_wait3A_84 = tpu.memref_slice %arg2[%dma_wait3A_82, %dma_wait3A_83] : memref<10000x128xf32, #tpu.memory_space<hbm>> -> memref<10000x128xf32, #tpu.memory_space<hbm>>
      tpu.wait_indirect_dma semaphore(%arg12 : memref<!tpu.dma_semaphore, #tpu.memory_space<semaphore_mem>>) src(%dma_wait3A_84 : memref<10000x128xf32, #tpu.memory_space<hbm>>) dst(%dma_wait3A_78 : memref<128x128xf32, #tpu.memory_space<vmem>>)
      %mul3A_85 = arith.constant 2 : i32
      %mul3A_86 = arith.muli %mul3A_85, %scan3A_40 : i32
      %add3A_87 = arith.constant 1 : i32
      %add3A_88 = arith.addi %mul3A_86, %add3A_87 : i32
      %run_scoped3A_89 = arith.constant 1 : i32
      "tpu.region"() ({
        %run_scoped3A_90 = tpu.sem_alloc : memref<!tpu.dma_semaphore, #tpu.memory_space<semaphore_mem>>
        %dma_start3A_91 = arith.constant 0 : i32
        %dma_start3A_92 = arith.constant 0 : i32
        %dma_start3A_93 = tpu.memref_slice %arg9[%run_scoped3A_89, %dma_start3A_91, %dma_start3A_92] : memref<2x128x128xf32, #tpu.memory_space<vmem>> -> memref<1x128x128xf32, #tpu.memory_space<vmem>>
        %dma_start3A_94 = tpu.memref_squeeze %dma_start3A_93 : memref<1x128x128xf32, #tpu.memory_space<vmem>> -> memref<128x128xf32, #tpu.memory_space<vmem>>
        %dma_start3A_95 = arith.constant 0 : i32
        %dma_start3A_96 = tpu.memref_slice %arg8[%add3A_88, %dma_start3A_95] : memref<40x128xi32, #tpu.memory_space<vmem>> -> memref<1x128xi32, #tpu.memory_space<vmem>>
        %dma_start3A_97 = tpu.memref_squeeze %dma_start3A_96 : memref<1x128xi32, #tpu.memory_space<vmem>> -> memref<128xi32, #tpu.memory_space<vmem>>
        %dma_start3A_98 = arith.constant 0 : i32
        %dma_start3A_99 = arith.constant 0 : i32
        %dma_start3A_100 = tpu.memref_slice %arg10[%dma_start3A_98, %dma_start3A_99] : memref<10112x128xf32, #tpu.memory_space<vmem_shared>> -> memref<10112x128xf32, #tpu.memory_space<vmem_shared>>
        tpu.enqueue_indirect_dma source(%dma_start3A_94 : memref<128x128xf32, #tpu.memory_space<vmem>>) target(%dma_start3A_100 : memref<10112x128xf32, #tpu.memory_space<vmem_shared>>) offsets(%dma_start3A_97 : memref<128xi32, #tpu.memory_space<vmem>>) semaphore(%run_scoped3A_90 : memref<!tpu.dma_semaphore, #tpu.memory_space<semaphore_mem>>) {add = true}
        %dma_wait3A_101 = arith.constant 0 : i32
        %dma_wait3A_102 = arith.constant 0 : i32
        %dma_wait3A_103 = tpu.memref_slice %arg9[%run_scoped3A_89, %dma_wait3A_101, %dma_wait3A_102] : memref<2x128x128xf32, #tpu.memory_space<vmem>> -> memref<1x128x128xf32, #tpu.memory_space<vmem>>
        %dma_wait3A_104 = tpu.memref_squeeze %dma_wait3A_103 : memref<1x128x128xf32, #tpu.memory_space<vmem>> -> memref<128x128xf32, #tpu.memory_space<vmem>>
        %dma_wait3A_105 = arith.constant 0 : i32
        %dma_wait3A_106 = tpu.memref_slice %arg8[%add3A_88, %dma_wait3A_105] : memref<40x128xi32, #tpu.memory_space<vmem>> -> memref<1x128xi32, #tpu.memory_space<vmem>>
        %dma_wait3A_107 = tpu.memref_squeeze %dma_wait3A_106 : memref<1x128xi32, #tpu.memory_space<vmem>> -> memref<128xi32, #tpu.memory_space<vmem>>
        %dma_wait3A_108 = arith.constant 0 : i32
        %dma_wait3A_109 = arith.constant 0 : i32
        %dma_wait3A_110 = tpu.memref_slice %arg10[%dma_wait3A_108, %dma_wait3A_109] : memref<10112x128xf32, #tpu.memory_space<vmem_shared>> -> memref<10112x128xf32, #tpu.memory_space<vmem_shared>>
        tpu.wait_indirect_dma semaphore(%run_scoped3A_90 : memref<!tpu.dma_semaphore, #tpu.memory_space<semaphore_mem>>) src(%dma_wait3A_104 : memref<128x128xf32, #tpu.memory_space<vmem>>) dst(%dma_wait3A_110 : memref<10112x128xf32, #tpu.memory_space<vmem_shared>>)
        tpu.yield
      }) : () -> ()
    }
    %scan3A_24 = arith.constant 20 : i32
    %mul3A_25 = arith.constant 80 : i32
    %mul3A_26 = arith.muli %add3A, %mul3A_25 : i32
    %add3A_27 = arith.constant 40 : i32
    %add3A_28 = arith.addi %mul3A_26, %add3A_27 : i32
    "tpu.region"() ({
      %run_scoped3A = tpu.sem_alloc : memref<!tpu.dma_semaphore, #tpu.memory_space<semaphore_mem>>
      %dma_start3A_40 = arith.constant 0 : i32
      %dma_start3A_41 = tpu.memref_slice %arg4[%add3A_28, %dma_start3A_40] : memref<2560x128xi32, #tpu.memory_space<hbm>> -> memref<40x128xi32, #tpu.memory_space<hbm>>
      %dma_start3A_42 = arith.constant 0 : i32
      %dma_start3A_43 = tpu.memref_slice %arg4[%add3A_28, %dma_start3A_42] : memref<2560x128xi32, #tpu.memory_space<hbm>> -> memref<40x128xi32, #tpu.memory_space<hbm>>
      tpu.enqueue_dma source(%dma_start3A_43 : memref<40x128xi32, #tpu.memory_space<hbm>>) target(%arg8 : memref<40x128xi32, #tpu.memory_space<vmem>>) target_semaphore(%run_scoped3A : memref<!tpu.dma_semaphore, #tpu.memory_space<semaphore_mem>>)
      %dma_wait3A = arith.constant 0 : i32
      %dma_wait3A_44 = tpu.memref_slice %arg4[%add3A_28, %dma_wait3A] : memref<2560x128xi32, #tpu.memory_space<hbm>> -> memref<40x128xi32, #tpu.memory_space<hbm>>
      %dma_wait3A_45 = arith.constant 0 : i32
      %dma_wait3A_46 = tpu.memref_slice %arg4[%add3A_28, %dma_wait3A_45] : memref<2560x128xi32, #tpu.memory_space<hbm>> -> memref<40x128xi32, #tpu.memory_space<hbm>>
      tpu.wait_dma2 semaphore(%run_scoped3A : memref<!tpu.dma_semaphore, #tpu.memory_space<semaphore_mem>>) src(%dma_wait3A_46 : memref<40x128xi32, #tpu.memory_space<hbm>>) dst(%arg8 : memref<40x128xi32, #tpu.memory_space<vmem>>)
      tpu.yield
    }) : () -> ()
    %scan3A_29 = arith.constant 0 : i32
    %scan3A_30 = arith.constant 0 : i32
    %scan3A_31 = arith.constant 20 : i32
    %scan3A_32 = arith.addi %scan3A_30, %scan3A_31 : i32
    %scan3A_33 = arith.constant 1 : i32
    scf.for %scan3A_40 = %scan3A_30 to %scan3A_32 step %scan3A_33  : i32 {
      %mul3A_41 = arith.constant 2 : i32
      %mul3A_42 = arith.muli %mul3A_41, %scan3A_40 : i32
      %add3A_43 = arith.constant 40 : i32
      %add3A_44 = arith.addi %add3A_43, %mul3A_42 : i32
      %add3A_45 = arith.constant 1 : i32
      %add3A_46 = arith.addi %add3A_44, %add3A_45 : i32
      %dma_start3A_47 = arith.constant 1 : i32
      %dma_start3A_48 = arith.constant 0 : i32
      %dma_start3A_49 = arith.constant 0 : i32
      %dma_start3A_50 = tpu.memref_slice %arg9[%dma_start3A_47, %dma_start3A_48, %dma_start3A_49] : memref<2x128x128xf32, #tpu.memory_space<vmem>> -> memref<1x128x128xf32, #tpu.memory_space<vmem>>
      %dma_start3A_51 = tpu.memref_squeeze %dma_start3A_50 : memref<1x128x128xf32, #tpu.memory_space<vmem>> -> memref<128x128xf32, #tpu.memory_space<vmem>>
      %dma_start3A_52 = arith.constant 0 : i32
      %dma_start3A_53 = tpu.memref_slice %arg7[%add3A_46, %dma_start3A_52] : memref<80x128xi32, #tpu.memory_space<vmem>> -> memref<1x128xi32, #tpu.memory_space<vmem>>
      %dma_start3A_54 = tpu.memref_squeeze %dma_start3A_53 : memref<1x128xi32, #tpu.memory_space<vmem>> -> memref<128xi32, #tpu.memory_space<vmem>>
      %dma_start3A_55 = arith.constant 0 : i32
      %dma_start3A_56 = arith.constant 0 : i32
      %dma_start3A_57 = tpu.memref_slice %arg2[%dma_start3A_55, %dma_start3A_56] : memref<10000x128xf32, #tpu.memory_space<hbm>> -> memref<10000x128xf32, #tpu.memory_space<hbm>>
      tpu.enqueue_indirect_dma source(%dma_start3A_57 : memref<10000x128xf32, #tpu.memory_space<hbm>>) target(%dma_start3A_51 : memref<128x128xf32, #tpu.memory_space<vmem>>) offsets(%dma_start3A_54 : memref<128xi32, #tpu.memory_space<vmem>>) semaphore(%arg12 : memref<!tpu.dma_semaphore, #tpu.memory_space<semaphore_mem>>)
      %dma_wait3A = arith.constant 0 : i32
      %dma_wait3A_58 = arith.constant 0 : i32
      %dma_wait3A_59 = arith.constant 0 : i32
      %dma_wait3A_60 = tpu.memref_slice %arg9[%dma_wait3A, %dma_wait3A_58, %dma_wait3A_59] : memref<2x128x128xf32, #tpu.memory_space<vmem>> -> memref<1x128x128xf32, #tpu.memory_space<vmem>>
      %dma_wait3A_61 = tpu.memref_squeeze %dma_wait3A_60 : memref<1x128x128xf32, #tpu.memory_space<vmem>> -> memref<128x128xf32, #tpu.memory_space<vmem>>
      %dma_wait3A_62 = arith.constant 0 : i32
      %dma_wait3A_63 = tpu.memref_slice %arg7[%add3A_44, %dma_wait3A_62] : memref<80x128xi32, #tpu.memory_space<vmem>> -> memref<1x128xi32, #tpu.memory_space<vmem>>
      %dma_wait3A_64 = tpu.memref_squeeze %dma_wait3A_63 : memref<1x128xi32, #tpu.memory_space<vmem>> -> memref<128xi32, #tpu.memory_space<vmem>>
      %dma_wait3A_65 = arith.constant 0 : i32
      %dma_wait3A_66 = arith.constant 0 : i32
      %dma_wait3A_67 = tpu.memref_slice %arg2[%dma_wait3A_65, %dma_wait3A_66] : memref<10000x128xf32, #tpu.memory_space<hbm>> -> memref<10000x128xf32, #tpu.memory_space<hbm>>
      tpu.wait_indirect_dma semaphore(%arg11 : memref<!tpu.dma_semaphore, #tpu.memory_space<semaphore_mem>>) src(%dma_wait3A_67 : memref<10000x128xf32, #tpu.memory_space<hbm>>) dst(%dma_wait3A_61 : memref<128x128xf32, #tpu.memory_space<vmem>>)
      %mul3A_68 = arith.constant 2 : i32
      %mul3A_69 = arith.muli %mul3A_68, %scan3A_40 : i32
      %run_scoped3A = arith.constant 0 : i32
      "tpu.region"() ({
        %run_scoped3A_90 = tpu.sem_alloc : memref<!tpu.dma_semaphore, #tpu.memory_space<semaphore_mem>>
        %dma_start3A_91 = arith.constant 0 : i32
        %dma_start3A_92 = arith.constant 0 : i32
        %dma_start3A_93 = tpu.memref_slice %arg9[%run_scoped3A, %dma_start3A_91, %dma_start3A_92] : memref<2x128x128xf32, #tpu.memory_space<vmem>> -> memref<1x128x128xf32, #tpu.memory_space<vmem>>
        %dma_start3A_94 = tpu.memref_squeeze %dma_start3A_93 : memref<1x128x128xf32, #tpu.memory_space<vmem>> -> memref<128x128xf32, #tpu.memory_space<vmem>>
        %dma_start3A_95 = arith.constant 0 : i32
        %dma_start3A_96 = tpu.memref_slice %arg8[%mul3A_69, %dma_start3A_95] : memref<40x128xi32, #tpu.memory_space<vmem>> -> memref<1x128xi32, #tpu.memory_space<vmem>>
        %dma_start3A_97 = tpu.memref_squeeze %dma_start3A_96 : memref<1x128xi32, #tpu.memory_space<vmem>> -> memref<128xi32, #tpu.memory_space<vmem>>
        %dma_start3A_98 = arith.constant 0 : i32
        %dma_start3A_99 = arith.constant 0 : i32
        %dma_start3A_100 = tpu.memref_slice %arg10[%dma_start3A_98, %dma_start3A_99] : memref<10112x128xf32, #tpu.memory_space<vmem_shared>> -> memref<10112x128xf32, #tpu.memory_space<vmem_shared>>
        tpu.enqueue_indirect_dma source(%dma_start3A_94 : memref<128x128xf32, #tpu.memory_space<vmem>>) target(%dma_start3A_100 : memref<10112x128xf32, #tpu.memory_space<vmem_shared>>) offsets(%dma_start3A_97 : memref<128xi32, #tpu.memory_space<vmem>>) semaphore(%run_scoped3A_90 : memref<!tpu.dma_semaphore, #tpu.memory_space<semaphore_mem>>) {add = true}
        %dma_wait3A_101 = arith.constant 0 : i32
        %dma_wait3A_102 = arith.constant 0 : i32
        %dma_wait3A_103 = tpu.memref_slice %arg9[%run_scoped3A, %dma_wait3A_101, %dma_wait3A_102] : memref<2x128x128xf32, #tpu.memory_space<vmem>> -> memref<1x128x128xf32, #tpu.memory_space<vmem>>
        %dma_wait3A_104 = tpu.memref_squeeze %dma_wait3A_103 : memref<1x128x128xf32, #tpu.memory_space<vmem>> -> memref<128x128xf32, #tpu.memory_space<vmem>>
        %dma_wait3A_105 = arith.constant 0 : i32
        %dma_wait3A_106 = tpu.memref_slice %arg8[%mul3A_69, %dma_wait3A_105] : memref<40x128xi32, #tpu.memory_space<vmem>> -> memref<1x128xi32, #tpu.memory_space<vmem>>
        %dma_wait3A_107 = tpu.memref_squeeze %dma_wait3A_106 : memref<1x128xi32, #tpu.memory_space<vmem>> -> memref<128xi32, #tpu.memory_space<vmem>>
        %dma_wait3A_108 = arith.constant 0 : i32
        %dma_wait3A_109 = arith.constant 0 : i32
        %dma_wait3A_110 = tpu.memref_slice %arg10[%dma_wait3A_108, %dma_wait3A_109] : memref<10112x128xf32, #tpu.memory_space<vmem_shared>> -> memref<10112x128xf32, #tpu.memory_space<vmem_shared>>
        tpu.wait_indirect_dma semaphore(%run_scoped3A_90 : memref<!tpu.dma_semaphore, #tpu.memory_space<semaphore_mem>>) src(%dma_wait3A_104 : memref<128x128xf32, #tpu.memory_space<vmem>>) dst(%dma_wait3A_110 : memref<10112x128xf32, #tpu.memory_space<vmem_shared>>)
        tpu.yield
      }) : () -> ()
      %add3A_70 = arith.constant 2 : i32
      %add3A_71 = arith.addi %add3A_44, %add3A_70 : i32
      %lt3A = arith.constant 80 : i32
      %lt3A_72 = arith.cmpi slt, %add3A_71, %lt3A : i32
      %convert_element_type3A = arith.extui %lt3A_72 : i1 to i32
      %cond3A = arith.constant 0 : i32
      %cond3A_73 = arith.cmpi ne, %convert_element_type3A, %cond3A : i32
      scf.if %cond3A_73 {
        %add3A_90 = arith.constant 2 : i32
        %add3A_91 = arith.addi %add3A_44, %add3A_90 : i32
        %dma_start3A_92 = arith.constant 0 : i32
        %dma_start3A_93 = arith.constant 0 : i32
        %dma_start3A_94 = arith.constant 0 : i32
        %dma_start3A_95 = tpu.memref_slice %arg9[%dma_start3A_92, %dma_start3A_93, %dma_start3A_94] : memref<2x128x128xf32, #tpu.memory_space<vmem>> -> memref<1x128x128xf32, #tpu.memory_space<vmem>>
        %dma_start3A_96 = tpu.memref_squeeze %dma_start3A_95 : memref<1x128x128xf32, #tpu.memory_space<vmem>> -> memref<128x128xf32, #tpu.memory_space<vmem>>
        %dma_start3A_97 = arith.constant 0 : i32
        %dma_start3A_98 = tpu.memref_slice %arg7[%add3A_91, %dma_start3A_97] : memref<80x128xi32, #tpu.memory_space<vmem>> -> memref<1x128xi32, #tpu.memory_space<vmem>>
        %dma_start3A_99 = tpu.memref_squeeze %dma_start3A_98 : memref<1x128xi32, #tpu.memory_space<vmem>> -> memref<128xi32, #tpu.memory_space<vmem>>
        %dma_start3A_100 = arith.constant 0 : i32
        %dma_start3A_101 = arith.constant 0 : i32
        %dma_start3A_102 = tpu.memref_slice %arg2[%dma_start3A_100, %dma_start3A_101] : memref<10000x128xf32, #tpu.memory_space<hbm>> -> memref<10000x128xf32, #tpu.memory_space<hbm>>
        tpu.enqueue_indirect_dma source(%dma_start3A_102 : memref<10000x128xf32, #tpu.memory_space<hbm>>) target(%dma_start3A_96 : memref<128x128xf32, #tpu.memory_space<vmem>>) offsets(%dma_start3A_99 : memref<128xi32, #tpu.memory_space<vmem>>) semaphore(%arg11 : memref<!tpu.dma_semaphore, #tpu.memory_space<semaphore_mem>>)
      } else {
      }
      %dma_wait3A_74 = arith.constant 1 : i32
      %dma_wait3A_75 = arith.constant 0 : i32
      %dma_wait3A_76 = arith.constant 0 : i32
      %dma_wait3A_77 = tpu.memref_slice %arg9[%dma_wait3A_74, %dma_wait3A_75, %dma_wait3A_76] : memref<2x128x128xf32, #tpu.memory_space<vmem>> -> memref<1x128x128xf32, #tpu.memory_space<vmem>>
      %dma_wait3A_78 = tpu.memref_squeeze %dma_wait3A_77 : memref<1x128x128xf32, #tpu.memory_space<vmem>> -> memref<128x128xf32, #tpu.memory_space<vmem>>
      %dma_wait3A_79 = arith.constant 0 : i32
      %dma_wait3A_80 = tpu.memref_slice %arg7[%add3A_46, %dma_wait3A_79] : memref<80x128xi32, #tpu.memory_space<vmem>> -> memref<1x128xi32, #tpu.memory_space<vmem>>
      %dma_wait3A_81 = tpu.memref_squeeze %dma_wait3A_80 : memref<1x128xi32, #tpu.memory_space<vmem>> -> memref<128xi32, #tpu.memory_space<vmem>>
      %dma_wait3A_82 = arith.constant 0 : i32
      %dma_wait3A_83 = arith.constant 0 : i32
      %dma_wait3A_84 = tpu.memref_slice %arg2[%dma_wait3A_82, %dma_wait3A_83] : memref<10000x128xf32, #tpu.memory_space<hbm>> -> memref<10000x128xf32, #tpu.memory_space<hbm>>
      tpu.wait_indirect_dma semaphore(%arg12 : memref<!tpu.dma_semaphore, #tpu.memory_space<semaphore_mem>>) src(%dma_wait3A_84 : memref<10000x128xf32, #tpu.memory_space<hbm>>) dst(%dma_wait3A_78 : memref<128x128xf32, #tpu.memory_space<vmem>>)
      %mul3A_85 = arith.constant 2 : i32
      %mul3A_86 = arith.muli %mul3A_85, %scan3A_40 : i32
      %add3A_87 = arith.constant 1 : i32
      %add3A_88 = arith.addi %mul3A_86, %add3A_87 : i32
      %run_scoped3A_89 = arith.constant 1 : i32
      "tpu.region"() ({
        %run_scoped3A_90 = tpu.sem_alloc : memref<!tpu.dma_semaphore, #tpu.memory_space<semaphore_mem>>
        %dma_start3A_91 = arith.constant 0 : i32
        %dma_start3A_92 = arith.constant 0 : i32
        %dma_start3A_93 = tpu.memref_slice %arg9[%run_scoped3A_89, %dma_start3A_91, %dma_start3A_92] : memref<2x128x128xf32, #tpu.memory_space<vmem>> -> memref<1x128x128xf32, #tpu.memory_space<vmem>>
        %dma_start3A_94 = tpu.memref_squeeze %dma_start3A_93 : memref<1x128x128xf32, #tpu.memory_space<vmem>> -> memref<128x128xf32, #tpu.memory_space<vmem>>
        %dma_start3A_95 = arith.constant 0 : i32
        %dma_start3A_96 = tpu.memref_slice %arg8[%add3A_88, %dma_start3A_95] : memref<40x128xi32, #tpu.memory_space<vmem>> -> memref<1x128xi32, #tpu.memory_space<vmem>>
        %dma_start3A_97 = tpu.memref_squeeze %dma_start3A_96 : memref<1x128xi32, #tpu.memory_space<vmem>> -> memref<128xi32, #tpu.memory_space<vmem>>
        %dma_start3A_98 = arith.constant 0 : i32
        %dma_start3A_99 = arith.constant 0 : i32
        %dma_start3A_100 = tpu.memref_slice %arg10[%dma_start3A_98, %dma_start3A_99] : memref<10112x128xf32, #tpu.memory_space<vmem_shared>> -> memref<10112x128xf32, #tpu.memory_space<vmem_shared>>
        tpu.enqueue_indirect_dma source(%dma_start3A_94 : memref<128x128xf32, #tpu.memory_space<vmem>>) target(%dma_start3A_100 : memref<10112x128xf32, #tpu.memory_space<vmem_shared>>) offsets(%dma_start3A_97 : memref<128xi32, #tpu.memory_space<vmem>>) semaphore(%run_scoped3A_90 : memref<!tpu.dma_semaphore, #tpu.memory_space<semaphore_mem>>) {add = true}
        %dma_wait3A_101 = arith.constant 0 : i32
        %dma_wait3A_102 = arith.constant 0 : i32
        %dma_wait3A_103 = tpu.memref_slice %arg9[%run_scoped3A_89, %dma_wait3A_101, %dma_wait3A_102] : memref<2x128x128xf32, #tpu.memory_space<vmem>> -> memref<1x128x128xf32, #tpu.memory_space<vmem>>
        %dma_wait3A_104 = tpu.memref_squeeze %dma_wait3A_103 : memref<1x128x128xf32, #tpu.memory_space<vmem>> -> memref<128x128xf32, #tpu.memory_space<vmem>>
        %dma_wait3A_105 = arith.constant 0 : i32
        %dma_wait3A_106 = tpu.memref_slice %arg8[%add3A_88, %dma_wait3A_105] : memref<40x128xi32, #tpu.memory_space<vmem>> -> memref<1x128xi32, #tpu.memory_space<vmem>>
        %dma_wait3A_107 = tpu.memref_squeeze %dma_wait3A_106 : memref<1x128xi32, #tpu.memory_space<vmem>> -> memref<128xi32, #tpu.memory_space<vmem>>
        %dma_wait3A_108 = arith.constant 0 : i32
        %dma_wait3A_109 = arith.constant 0 : i32
        %dma_wait3A_110 = tpu.memref_slice %arg10[%dma_wait3A_108, %dma_wait3A_109] : memref<10112x128xf32, #tpu.memory_space<vmem_shared>> -> memref<10112x128xf32, #tpu.memory_space<vmem_shared>>
        tpu.wait_indirect_dma semaphore(%run_scoped3A_90 : memref<!tpu.dma_semaphore, #tpu.memory_space<semaphore_mem>>) src(%dma_wait3A_104 : memref<128x128xf32, #tpu.memory_space<vmem>>) dst(%dma_wait3A_110 : memref<10112x128xf32, #tpu.memory_space<vmem_shared>>)
        tpu.yield
      }) : () -> ()
    }
    %scan3A_34 = arith.constant 20 : i32
    %barrier3A_35 = arith.constant 0 : index
    tpu.barrier barrier_id(%barrier3A_35)
    %mul3A_36 = arith.constant 632 : i32
    %mul3A_37 = arith.muli %arg1, %mul3A_36 : i32
    %mul3A_38 = arith.constant 632 : i32
    %mul3A_39 = arith.muli %arg1, %mul3A_38 : i32
    "tpu.region"() ({
      %run_scoped3A = tpu.sem_alloc : memref<!tpu.dma_semaphore, #tpu.memory_space<semaphore_mem>>
      %dma_start3A_40 = arith.constant 0 : i32
      %dma_start3A_41 = tpu.memref_slice %arg6[%arg0, %mul3A_39, %dma_start3A_40] : memref<2x10112x128xf32, #tpu.memory_space<hbm>> -> memref<1x632x128xf32, #tpu.memory_space<hbm>>
      %dma_start3A_42 = tpu.memref_squeeze %dma_start3A_41 : memref<1x632x128xf32, #tpu.memory_space<hbm>> -> memref<632x128xf32, #tpu.memory_space<hbm>>
      %dma_start3A_43 = arith.constant 0 : i32
      %dma_start3A_44 = tpu.memref_slice %arg10[%mul3A_37, %dma_start3A_43] : memref<10112x128xf32, #tpu.memory_space<vmem_shared>> -> memref<632x128xf32, #tpu.memory_space<vmem_shared>>
      tpu.enqueue_dma source(%dma_start3A_44 : memref<632x128xf32, #tpu.memory_space<vmem_shared>>) target(%dma_start3A_42 : memref<632x128xf32, #tpu.memory_space<hbm>>) target_semaphore(%run_scoped3A : memref<!tpu.dma_semaphore, #tpu.memory_space<semaphore_mem>>)
      %dma_wait3A = arith.constant 0 : i32
      %dma_wait3A_45 = tpu.memref_slice %arg6[%arg0, %mul3A_39, %dma_wait3A] : memref<2x10112x128xf32, #tpu.memory_space<hbm>> -> memref<1x632x128xf32, #tpu.memory_space<hbm>>
      %dma_wait3A_46 = tpu.memref_squeeze %dma_wait3A_45 : memref<1x632x128xf32, #tpu.memory_space<hbm>> -> memref<632x128xf32, #tpu.memory_space<hbm>>
      %dma_wait3A_47 = arith.constant 0 : i32
      %dma_wait3A_48 = tpu.memref_slice %arg10[%mul3A_37, %dma_wait3A_47] : memref<10112x128xf32, #tpu.memory_space<vmem_shared>> -> memref<632x128xf32, #tpu.memory_space<vmem_shared>>
      tpu.wait_dma2 semaphore(%run_scoped3A : memref<!tpu.dma_semaphore, #tpu.memory_space<semaphore_mem>>) src(%dma_wait3A_48 : memref<632x128xf32, #tpu.memory_space<vmem_shared>>) dst(%dma_wait3A_46 : memref<632x128xf32, #tpu.memory_space<hbm>>)
      tpu.yield
    }) : () -> ()
    return
  }
}

#map = affine_map<(d0, d1) -> (0, 0)>
#map1 = affine_map<(d0, d1) -> (0, 0, 0)>
module attributes {stable_mosaic.version = 14 : i64} {
  func.func @_sc_scatter_body(%arg0: i32, %arg1: i32, %arg2: memref<10000x128xf32, #tpu.memory_space<hbm>>, %arg3: memref<2560x128xi32, #tpu.memory_space<hbm>>, %arg4: memref<2560x128xi32, #tpu.memory_space<hbm>>, %arg5: memref<632x128xf32, #tpu.memory_space<hbm>>, %arg6: memref<2x10112x128xf32, #tpu.memory_space<hbm>>, %arg7: memref<80x128xi32, #tpu.memory_space<vmem>>, %arg8: memref<40x128xi32, #tpu.memory_space<vmem>>, %arg9: memref<2x128x128xf32, #tpu.memory_space<vmem>>, %arg10: memref<10112x128xf32, #tpu.memory_space<vmem_shared>>, %arg11: memref<!tpu.dma_semaphore, #tpu.memory_space<semaphore_mem>>, %arg12: memref<!tpu.dma_semaphore, #tpu.memory_space<semaphore_mem>>) attributes {dimension_semantics = [#tpu.dimension_semantics<core_parallel>, #tpu.dimension_semantics<subcore_parallel>], iteration_bounds = array<i64: 2, 16>, scalar_prefetch = 0 : i64, scratch_operands = 6 : i64, tpu.core_type = #tpu.core_type<sc_vector_subcore>, window_params = [{transform_indices = #map}, {transform_indices = #map}, {transform_indices = #map}, {transform_indices = #map}, {transform_indices = #map1}]} {
    %mul3A = arith.constant 632 : i32
    %mul3A_0 = arith.muli %arg1, %mul3A : i32
    "tpu.region"() ({
      %run_scoped3A = tpu.sem_alloc : memref<!tpu.dma_semaphore, #tpu.memory_space<semaphore_mem>>
      %dma_start3A_40 = arith.constant 0 : i32
      %dma_start3A_41 = tpu.memref_slice %arg10[%mul3A_0, %dma_start3A_40] : memref<10112x128xf32, #tpu.memory_space<vmem_shared>> -> memref<632x128xf32, #tpu.memory_space<vmem_shared>>
      tpu.enqueue_dma source(%arg5 : memref<632x128xf32, #tpu.memory_space<hbm>>) target(%dma_start3A_41 : memref<632x128xf32, #tpu.memory_space<vmem_shared>>) target_semaphore(%run_scoped3A : memref<!tpu.dma_semaphore, #tpu.memory_space<semaphore_mem>>)
      %dma_wait3A = arith.constant 0 : i32
      %dma_wait3A_42 = tpu.memref_slice %arg10[%mul3A_0, %dma_wait3A] : memref<10112x128xf32, #tpu.memory_space<vmem_shared>> -> memref<632x128xf32, #tpu.memory_space<vmem_shared>>
      tpu.wait_dma2 semaphore(%run_scoped3A : memref<!tpu.dma_semaphore, #tpu.memory_space<semaphore_mem>>) src(%arg5 : memref<632x128xf32, #tpu.memory_space<hbm>>) dst(%dma_wait3A_42 : memref<632x128xf32, #tpu.memory_space<vmem_shared>>)
      tpu.yield
    }) : () -> ()
    %barrier3A = arith.constant 0 : index
    tpu.barrier barrier_id(%barrier3A)
    %mul3A_1 = arith.constant 2 : i32
    %mul3A_2 = arith.muli %arg1, %mul3A_1 : i32
    %add3A = arith.addi %mul3A_2, %arg0 : i32
    %mul3A_3 = arith.constant 80 : i32
    %mul3A_4 = arith.muli %add3A, %mul3A_3 : i32
    "tpu.region"() ({
      %run_scoped3A = tpu.sem_alloc : memref<!tpu.dma_semaphore, #tpu.memory_space<semaphore_mem>>
      %dma_start3A_40 = arith.constant 0 : i32
      %dma_start3A_41 = tpu.memref_slice %arg3[%mul3A_4, %dma_start3A_40] : memref<2560x128xi32, #tpu.memory_space<hbm>> -> memref<80x128xi32, #tpu.memory_space<hbm>>
      %dma_start3A_42 = arith.constant 0 : i32
      %dma_start3A_43 = tpu.memref_slice %arg3[%mul3A_4, %dma_start3A_42] : memref<2560x128xi32, #tpu.memory_space<hbm>> -> memref<80x128xi32, #tpu.memory_space<hbm>>
      tpu.enqueue_dma source(%dma_start3A_43 : memref<80x128xi32, #tpu.memory_space<hbm>>) target(%arg7 : memref<80x128xi32, #tpu.memory_space<vmem>>) target_semaphore(%run_scoped3A : memref<!tpu.dma_semaphore, #tpu.memory_space<semaphore_mem>>)
      %dma_wait3A = arith.constant 0 : i32
      %dma_wait3A_44 = tpu.memref_slice %arg3[%mul3A_4, %dma_wait3A] : memref<2560x128xi32, #tpu.memory_space<hbm>> -> memref<80x128xi32, #tpu.memory_space<hbm>>
      %dma_wait3A_45 = arith.constant 0 : i32
      %dma_wait3A_46 = tpu.memref_slice %arg3[%mul3A_4, %dma_wait3A_45] : memref<2560x128xi32, #tpu.memory_space<hbm>> -> memref<80x128xi32, #tpu.memory_space<hbm>>
      tpu.wait_dma2 semaphore(%run_scoped3A : memref<!tpu.dma_semaphore, #tpu.memory_space<semaphore_mem>>) src(%dma_wait3A_46 : memref<80x128xi32, #tpu.memory_space<hbm>>) dst(%arg7 : memref<80x128xi32, #tpu.memory_space<vmem>>)
      tpu.yield
    }) : () -> ()
    %dma_start3A = arith.constant 0 : i32
    %dma_start3A_5 = arith.constant 0 : i32
    %dma_start3A_6 = arith.constant 0 : i32
    %dma_start3A_7 = arith.constant 0 : i32
    %dma_start3A_8 = tpu.memref_slice %arg9[%dma_start3A_5, %dma_start3A_6, %dma_start3A_7] : memref<2x128x128xf32, #tpu.memory_space<vmem>> -> memref<1x128x128xf32, #tpu.memory_space<vmem>>
    %dma_start3A_9 = tpu.memref_squeeze %dma_start3A_8 : memref<1x128x128xf32, #tpu.memory_space<vmem>> -> memref<128x128xf32, #tpu.memory_space<vmem>>
    %dma_start3A_10 = arith.constant 0 : i32
    %dma_start3A_11 = tpu.memref_slice %arg7[%dma_start3A, %dma_start3A_10] : memref<80x128xi32, #tpu.memory_space<vmem>> -> memref<1x128xi32, #tpu.memory_space<vmem>>
    %dma_start3A_12 = tpu.memref_squeeze %dma_start3A_11 : memref<1x128xi32, #tpu.memory_space<vmem>> -> memref<128xi32, #tpu.memory_space<vmem>>
    %dma_start3A_13 = arith.constant 0 : i32
    %dma_start3A_14 = arith.constant 0 : i32
    %dma_start3A_15 = tpu.memref_slice %arg2[%dma_start3A_13, %dma_start3A_14] : memref<10000x128xf32, #tpu.memory_space<hbm>> -> memref<10000x128xf32, #tpu.memory_space<hbm>>
    tpu.enqueue_indirect_dma source(%dma_start3A_15 : memref<10000x128xf32, #tpu.memory_space<hbm>>) target(%dma_start3A_9 : memref<128x128xf32, #tpu.memory_space<vmem>>) offsets(%dma_start3A_12 : memref<128xi32, #tpu.memory_space<vmem>>) semaphore(%arg11 : memref<!tpu.dma_semaphore, #tpu.memory_space<semaphore_mem>>)
    %mul3A_16 = arith.constant 80 : i32
    %mul3A_17 = arith.muli %add3A, %mul3A_16 : i32
    %add3A_18 = arith.constant 0 : i32
    %add3A_19 = arith.addi %mul3A_17, %add3A_18 : i32
    "tpu.region"() ({
      %run_scoped3A = tpu.sem_alloc : memref<!tpu.dma_semaphore, #tpu.memory_space<semaphore_mem>>
      %dma_start3A_40 = arith.constant 0 : i32
      %dma_start3A_41 = tpu.memref_slice %arg4[%add3A_19, %dma_start3A_40] : memref<2560x128xi32, #tpu.memory_space<hbm>> -> memref<40x128xi32, #tpu.memory_space<hbm>>
      %dma_start3A_42 = arith.constant 0 : i32
      %dma_start3A_43 = tpu.memref_slice %arg4[%add3A_19, %dma_start3A_42] : memref<2560x128xi32, #tpu.memory_space<hbm>> -> memref<40x128xi32, #tpu.memory_space<hbm>>
      tpu.enqueue_dma source(%dma_start3A_43 : memref<40x128xi32, #tpu.memory_space<hbm>>) target(%arg8 : memref<40x128xi32, #tpu.memory_space<vmem>>) target_semaphore(%run_scoped3A : memref<!tpu.dma_semaphore, #tpu.memory_space<semaphore_mem>>)
      %dma_wait3A = arith.constant 0 : i32
      %dma_wait3A_44 = tpu.memref_slice %arg4[%add3A_19, %dma_wait3A] : memref<2560x128xi32, #tpu.memory_space<hbm>> -> memref<40x128xi32, #tpu.memory_space<hbm>>
      %dma_wait3A_45 = arith.constant 0 : i32
      %dma_wait3A_46 = tpu.memref_slice %arg4[%add3A_19, %dma_wait3A_45] : memref<2560x128xi32, #tpu.memory_space<hbm>> -> memref<40x128xi32, #tpu.memory_space<hbm>>
      tpu.wait_dma2 semaphore(%run_scoped3A : memref<!tpu.dma_semaphore, #tpu.memory_space<semaphore_mem>>) src(%dma_wait3A_46 : memref<40x128xi32, #tpu.memory_space<hbm>>) dst(%arg8 : memref<40x128xi32, #tpu.memory_space<vmem>>)
      tpu.yield
    }) : () -> ()
    %scan3A = arith.constant 0 : i32
    %scan3A_20 = arith.constant 0 : i32
    %scan3A_21 = arith.constant 20 : i32
    %scan3A_22 = arith.addi %scan3A_20, %scan3A_21 : i32
    %scan3A_23 = arith.constant 1 : i32
    scf.for %scan3A_40 = %scan3A_20 to %scan3A_22 step %scan3A_23  : i32 {
      %mul3A_41 = arith.constant 2 : i32
      %mul3A_42 = arith.muli %mul3A_41, %scan3A_40 : i32
      %add3A_43 = arith.constant 0 : i32
      %add3A_44 = arith.addi %add3A_43, %mul3A_42 : i32
      %add3A_45 = arith.constant 1 : i32
      %add3A_46 = arith.addi %add3A_44, %add3A_45 : i32
      %dma_start3A_47 = arith.constant 1 : i32
      %dma_start3A_48 = arith.constant 0 : i32
      %dma_start3A_49 = arith.constant 0 : i32
      %dma_start3A_50 = tpu.memref_slice %arg9[%dma_start3A_47, %dma_start3A_48, %dma_start3A_49] : memref<2x128x128xf32, #tpu.memory_space<vmem>> -> memref<1x128x128xf32, #tpu.memory_space<vmem>>
      %dma_start3A_51 = tpu.memref_squeeze %dma_start3A_50 : memref<1x128x128xf32, #tpu.memory_space<vmem>> -> memref<128x128xf32, #tpu.memory_space<vmem>>
      %dma_start3A_52 = arith.constant 0 : i32
      %dma_start3A_53 = tpu.memref_slice %arg7[%add3A_46, %dma_start3A_52] : memref<80x128xi32, #tpu.memory_space<vmem>> -> memref<1x128xi32, #tpu.memory_space<vmem>>
      %dma_start3A_54 = tpu.memref_squeeze %dma_start3A_53 : memref<1x128xi32, #tpu.memory_space<vmem>> -> memref<128xi32, #tpu.memory_space<vmem>>
      %dma_start3A_55 = arith.constant 0 : i32
      %dma_start3A_56 = arith.constant 0 : i32
      %dma_start3A_57 = tpu.memref_slice %arg2[%dma_start3A_55, %dma_start3A_56] : memref<10000x128xf32, #tpu.memory_space<hbm>> -> memref<10000x128xf32, #tpu.memory_space<hbm>>
      tpu.enqueue_indirect_dma source(%dma_start3A_57 : memref<10000x128xf32, #tpu.memory_space<hbm>>) target(%dma_start3A_51 : memref<128x128xf32, #tpu.memory_space<vmem>>) offsets(%dma_start3A_54 : memref<128xi32, #tpu.memory_space<vmem>>) semaphore(%arg12 : memref<!tpu.dma_semaphore, #tpu.memory_space<semaphore_mem>>)
      %dma_wait3A = arith.constant 0 : i32
      %dma_wait3A_58 = arith.constant 0 : i32
      %dma_wait3A_59 = arith.constant 0 : i32
      %dma_wait3A_60 = tpu.memref_slice %arg9[%dma_wait3A, %dma_wait3A_58, %dma_wait3A_59] : memref<2x128x128xf32, #tpu.memory_space<vmem>> -> memref<1x128x128xf32, #tpu.memory_space<vmem>>
      %dma_wait3A_61 = tpu.memref_squeeze %dma_wait3A_60 : memref<1x128x128xf32, #tpu.memory_space<vmem>> -> memref<128x128xf32, #tpu.memory_space<vmem>>
      %dma_wait3A_62 = arith.constant 0 : i32
      %dma_wait3A_63 = tpu.memref_slice %arg7[%add3A_44, %dma_wait3A_62] : memref<80x128xi32, #tpu.memory_space<vmem>> -> memref<1x128xi32, #tpu.memory_space<vmem>>
      %dma_wait3A_64 = tpu.memref_squeeze %dma_wait3A_63 : memref<1x128xi32, #tpu.memory_space<vmem>> -> memref<128xi32, #tpu.memory_space<vmem>>
      %dma_wait3A_65 = arith.constant 0 : i32
      %dma_wait3A_66 = arith.constant 0 : i32
      %dma_wait3A_67 = tpu.memref_slice %arg2[%dma_wait3A_65, %dma_wait3A_66] : memref<10000x128xf32, #tpu.memory_space<hbm>> -> memref<10000x128xf32, #tpu.memory_space<hbm>>
      tpu.wait_indirect_dma semaphore(%arg11 : memref<!tpu.dma_semaphore, #tpu.memory_space<semaphore_mem>>) src(%dma_wait3A_67 : memref<10000x128xf32, #tpu.memory_space<hbm>>) dst(%dma_wait3A_61 : memref<128x128xf32, #tpu.memory_space<vmem>>)
      %mul3A_68 = arith.constant 2 : i32
      %mul3A_69 = arith.muli %mul3A_68, %scan3A_40 : i32
      %run_scoped3A = arith.constant 0 : i32
      "tpu.region"() ({
        %run_scoped3A_90 = tpu.sem_alloc : memref<!tpu.dma_semaphore, #tpu.memory_space<semaphore_mem>>
        %dma_start3A_91 = arith.constant 0 : i32
        %dma_start3A_92 = arith.constant 0 : i32
        %dma_start3A_93 = tpu.memref_slice %arg9[%run_scoped3A, %dma_start3A_91, %dma_start3A_92] : memref<2x128x128xf32, #tpu.memory_space<vmem>> -> memref<1x128x128xf32, #tpu.memory_space<vmem>>
        %dma_start3A_94 = tpu.memref_squeeze %dma_start3A_93 : memref<1x128x128xf32, #tpu.memory_space<vmem>> -> memref<128x128xf32, #tpu.memory_space<vmem>>
        %dma_start3A_95 = arith.constant 0 : i32
        %dma_start3A_96 = tpu.memref_slice %arg8[%mul3A_69, %dma_start3A_95] : memref<40x128xi32, #tpu.memory_space<vmem>> -> memref<1x128xi32, #tpu.memory_space<vmem>>
        %dma_start3A_97 = tpu.memref_squeeze %dma_start3A_96 : memref<1x128xi32, #tpu.memory_space<vmem>> -> memref<128xi32, #tpu.memory_space<vmem>>
        %dma_start3A_98 = arith.constant 0 : i32
        %dma_start3A_99 = arith.constant 0 : i32
        %dma_start3A_100 = tpu.memref_slice %arg10[%dma_start3A_98, %dma_start3A_99] : memref<10112x128xf32, #tpu.memory_space<vmem_shared>> -> memref<10112x128xf32, #tpu.memory_space<vmem_shared>>
        tpu.enqueue_indirect_dma source(%dma_start3A_94 : memref<128x128xf32, #tpu.memory_space<vmem>>) target(%dma_start3A_100 : memref<10112x128xf32, #tpu.memory_space<vmem_shared>>) offsets(%dma_start3A_97 : memref<128xi32, #tpu.memory_space<vmem>>) semaphore(%run_scoped3A_90 : memref<!tpu.dma_semaphore, #tpu.memory_space<semaphore_mem>>) {add = true}
        %dma_wait3A_101 = arith.constant 0 : i32
        %dma_wait3A_102 = arith.constant 0 : i32
        %dma_wait3A_103 = tpu.memref_slice %arg9[%run_scoped3A, %dma_wait3A_101, %dma_wait3A_102] : memref<2x128x128xf32, #tpu.memory_space<vmem>> -> memref<1x128x128xf32, #tpu.memory_space<vmem>>
        %dma_wait3A_104 = tpu.memref_squeeze %dma_wait3A_103 : memref<1x128x128xf32, #tpu.memory_space<vmem>> -> memref<128x128xf32, #tpu.memory_space<vmem>>
        %dma_wait3A_105 = arith.constant 0 : i32
        %dma_wait3A_106 = tpu.memref_slice %arg8[%mul3A_69, %dma_wait3A_105] : memref<40x128xi32, #tpu.memory_space<vmem>> -> memref<1x128xi32, #tpu.memory_space<vmem>>
        %dma_wait3A_107 = tpu.memref_squeeze %dma_wait3A_106 : memref<1x128xi32, #tpu.memory_space<vmem>> -> memref<128xi32, #tpu.memory_space<vmem>>
        %dma_wait3A_108 = arith.constant 0 : i32
        %dma_wait3A_109 = arith.constant 0 : i32
        %dma_wait3A_110 = tpu.memref_slice %arg10[%dma_wait3A_108, %dma_wait3A_109] : memref<10112x128xf32, #tpu.memory_space<vmem_shared>> -> memref<10112x128xf32, #tpu.memory_space<vmem_shared>>
        tpu.wait_indirect_dma semaphore(%run_scoped3A_90 : memref<!tpu.dma_semaphore, #tpu.memory_space<semaphore_mem>>) src(%dma_wait3A_104 : memref<128x128xf32, #tpu.memory_space<vmem>>) dst(%dma_wait3A_110 : memref<10112x128xf32, #tpu.memory_space<vmem_shared>>)
        tpu.yield
      }) : () -> ()
      %add3A_70 = arith.constant 2 : i32
      %add3A_71 = arith.addi %add3A_44, %add3A_70 : i32
      %lt3A = arith.constant 80 : i32
      %lt3A_72 = arith.cmpi slt, %add3A_71, %lt3A : i32
      %convert_element_type3A = arith.extui %lt3A_72 : i1 to i32
      %cond3A = arith.constant 0 : i32
      %cond3A_73 = arith.cmpi ne, %convert_element_type3A, %cond3A : i32
      scf.if %cond3A_73 {
        %add3A_90 = arith.constant 2 : i32
        %add3A_91 = arith.addi %add3A_44, %add3A_90 : i32
        %dma_start3A_92 = arith.constant 0 : i32
        %dma_start3A_93 = arith.constant 0 : i32
        %dma_start3A_94 = arith.constant 0 : i32
        %dma_start3A_95 = tpu.memref_slice %arg9[%dma_start3A_92, %dma_start3A_93, %dma_start3A_94] : memref<2x128x128xf32, #tpu.memory_space<vmem>> -> memref<1x128x128xf32, #tpu.memory_space<vmem>>
        %dma_start3A_96 = tpu.memref_squeeze %dma_start3A_95 : memref<1x128x128xf32, #tpu.memory_space<vmem>> -> memref<128x128xf32, #tpu.memory_space<vmem>>
        %dma_start3A_97 = arith.constant 0 : i32
        %dma_start3A_98 = tpu.memref_slice %arg7[%add3A_91, %dma_start3A_97] : memref<80x128xi32, #tpu.memory_space<vmem>> -> memref<1x128xi32, #tpu.memory_space<vmem>>
        %dma_start3A_99 = tpu.memref_squeeze %dma_start3A_98 : memref<1x128xi32, #tpu.memory_space<vmem>> -> memref<128xi32, #tpu.memory_space<vmem>>
        %dma_start3A_100 = arith.constant 0 : i32
        %dma_start3A_101 = arith.constant 0 : i32
        %dma_start3A_102 = tpu.memref_slice %arg2[%dma_start3A_100, %dma_start3A_101] : memref<10000x128xf32, #tpu.memory_space<hbm>> -> memref<10000x128xf32, #tpu.memory_space<hbm>>
        tpu.enqueue_indirect_dma source(%dma_start3A_102 : memref<10000x128xf32, #tpu.memory_space<hbm>>) target(%dma_start3A_96 : memref<128x128xf32, #tpu.memory_space<vmem>>) offsets(%dma_start3A_99 : memref<128xi32, #tpu.memory_space<vmem>>) semaphore(%arg11 : memref<!tpu.dma_semaphore, #tpu.memory_space<semaphore_mem>>)
      } else {
      }
      %dma_wait3A_74 = arith.constant 1 : i32
      %dma_wait3A_75 = arith.constant 0 : i32
      %dma_wait3A_76 = arith.constant 0 : i32
      %dma_wait3A_77 = tpu.memref_slice %arg9[%dma_wait3A_74, %dma_wait3A_75, %dma_wait3A_76] : memref<2x128x128xf32, #tpu.memory_space<vmem>> -> memref<1x128x128xf32, #tpu.memory_space<vmem>>
      %dma_wait3A_78 = tpu.memref_squeeze %dma_wait3A_77 : memref<1x128x128xf32, #tpu.memory_space<vmem>> -> memref<128x128xf32, #tpu.memory_space<vmem>>
      %dma_wait3A_79 = arith.constant 0 : i32
      %dma_wait3A_80 = tpu.memref_slice %arg7[%add3A_46, %dma_wait3A_79] : memref<80x128xi32, #tpu.memory_space<vmem>> -> memref<1x128xi32, #tpu.memory_space<vmem>>
      %dma_wait3A_81 = tpu.memref_squeeze %dma_wait3A_80 : memref<1x128xi32, #tpu.memory_space<vmem>> -> memref<128xi32, #tpu.memory_space<vmem>>
      %dma_wait3A_82 = arith.constant 0 : i32
      %dma_wait3A_83 = arith.constant 0 : i32
      %dma_wait3A_84 = tpu.memref_slice %arg2[%dma_wait3A_82, %dma_wait3A_83] : memref<10000x128xf32, #tpu.memory_space<hbm>> -> memref<10000x128xf32, #tpu.memory_space<hbm>>
      tpu.wait_indirect_dma semaphore(%arg12 : memref<!tpu.dma_semaphore, #tpu.memory_space<semaphore_mem>>) src(%dma_wait3A_84 : memref<10000x128xf32, #tpu.memory_space<hbm>>) dst(%dma_wait3A_78 : memref<128x128xf32, #tpu.memory_space<vmem>>)
      %mul3A_85 = arith.constant 2 : i32
      %mul3A_86 = arith.muli %mul3A_85, %scan3A_40 : i32
      %add3A_87 = arith.constant 1 : i32
      %add3A_88 = arith.addi %mul3A_86, %add3A_87 : i32
      %run_scoped3A_89 = arith.constant 1 : i32
      "tpu.region"() ({
        %run_scoped3A_90 = tpu.sem_alloc : memref<!tpu.dma_semaphore, #tpu.memory_space<semaphore_mem>>
        %dma_start3A_91 = arith.constant 0 : i32
        %dma_start3A_92 = arith.constant 0 : i32
        %dma_start3A_93 = tpu.memref_slice %arg9[%run_scoped3A_89, %dma_start3A_91, %dma_start3A_92] : memref<2x128x128xf32, #tpu.memory_space<vmem>> -> memref<1x128x128xf32, #tpu.memory_space<vmem>>
        %dma_start3A_94 = tpu.memref_squeeze %dma_start3A_93 : memref<1x128x128xf32, #tpu.memory_space<vmem>> -> memref<128x128xf32, #tpu.memory_space<vmem>>
        %dma_start3A_95 = arith.constant 0 : i32
        %dma_start3A_96 = tpu.memref_slice %arg8[%add3A_88, %dma_start3A_95] : memref<40x128xi32, #tpu.memory_space<vmem>> -> memref<1x128xi32, #tpu.memory_space<vmem>>
        %dma_start3A_97 = tpu.memref_squeeze %dma_start3A_96 : memref<1x128xi32, #tpu.memory_space<vmem>> -> memref<128xi32, #tpu.memory_space<vmem>>
        %dma_start3A_98 = arith.constant 0 : i32
        %dma_start3A_99 = arith.constant 0 : i32
        %dma_start3A_100 = tpu.memref_slice %arg10[%dma_start3A_98, %dma_start3A_99] : memref<10112x128xf32, #tpu.memory_space<vmem_shared>> -> memref<10112x128xf32, #tpu.memory_space<vmem_shared>>
        tpu.enqueue_indirect_dma source(%dma_start3A_94 : memref<128x128xf32, #tpu.memory_space<vmem>>) target(%dma_start3A_100 : memref<10112x128xf32, #tpu.memory_space<vmem_shared>>) offsets(%dma_start3A_97 : memref<128xi32, #tpu.memory_space<vmem>>) semaphore(%run_scoped3A_90 : memref<!tpu.dma_semaphore, #tpu.memory_space<semaphore_mem>>) {add = true}
        %dma_wait3A_101 = arith.constant 0 : i32
        %dma_wait3A_102 = arith.constant 0 : i32
        %dma_wait3A_103 = tpu.memref_slice %arg9[%run_scoped3A_89, %dma_wait3A_101, %dma_wait3A_102] : memref<2x128x128xf32, #tpu.memory_space<vmem>> -> memref<1x128x128xf32, #tpu.memory_space<vmem>>
        %dma_wait3A_104 = tpu.memref_squeeze %dma_wait3A_103 : memref<1x128x128xf32, #tpu.memory_space<vmem>> -> memref<128x128xf32, #tpu.memory_space<vmem>>
        %dma_wait3A_105 = arith.constant 0 : i32
        %dma_wait3A_106 = tpu.memref_slice %arg8[%add3A_88, %dma_wait3A_105] : memref<40x128xi32, #tpu.memory_space<vmem>> -> memref<1x128xi32, #tpu.memory_space<vmem>>
        %dma_wait3A_107 = tpu.memref_squeeze %dma_wait3A_106 : memref<1x128xi32, #tpu.memory_space<vmem>> -> memref<128xi32, #tpu.memory_space<vmem>>
        %dma_wait3A_108 = arith.constant 0 : i32
        %dma_wait3A_109 = arith.constant 0 : i32
        %dma_wait3A_110 = tpu.memref_slice %arg10[%dma_wait3A_108, %dma_wait3A_109] : memref<10112x128xf32, #tpu.memory_space<vmem_shared>> -> memref<10112x128xf32, #tpu.memory_space<vmem_shared>>
        tpu.wait_indirect_dma semaphore(%run_scoped3A_90 : memref<!tpu.dma_semaphore, #tpu.memory_space<semaphore_mem>>) src(%dma_wait3A_104 : memref<128x128xf32, #tpu.memory_space<vmem>>) dst(%dma_wait3A_110 : memref<10112x128xf32, #tpu.memory_space<vmem_shared>>)
        tpu.yield
      }) : () -> ()
    }
    %scan3A_24 = arith.constant 20 : i32
    %mul3A_25 = arith.constant 80 : i32
    %mul3A_26 = arith.muli %add3A, %mul3A_25 : i32
    %add3A_27 = arith.constant 40 : i32
    %add3A_28 = arith.addi %mul3A_26, %add3A_27 : i32
    "tpu.region"() ({
      %run_scoped3A = tpu.sem_alloc : memref<!tpu.dma_semaphore, #tpu.memory_space<semaphore_mem>>
      %dma_start3A_40 = arith.constant 0 : i32
      %dma_start3A_41 = tpu.memref_slice %arg4[%add3A_28, %dma_start3A_40] : memref<2560x128xi32, #tpu.memory_space<hbm>> -> memref<40x128xi32, #tpu.memory_space<hbm>>
      %dma_start3A_42 = arith.constant 0 : i32
      %dma_start3A_43 = tpu.memref_slice %arg4[%add3A_28, %dma_start3A_42] : memref<2560x128xi32, #tpu.memory_space<hbm>> -> memref<40x128xi32, #tpu.memory_space<hbm>>
      tpu.enqueue_dma source(%dma_start3A_43 : memref<40x128xi32, #tpu.memory_space<hbm>>) target(%arg8 : memref<40x128xi32, #tpu.memory_space<vmem>>) target_semaphore(%run_scoped3A : memref<!tpu.dma_semaphore, #tpu.memory_space<semaphore_mem>>)
      %dma_wait3A = arith.constant 0 : i32
      %dma_wait3A_44 = tpu.memref_slice %arg4[%add3A_28, %dma_wait3A] : memref<2560x128xi32, #tpu.memory_space<hbm>> -> memref<40x128xi32, #tpu.memory_space<hbm>>
      %dma_wait3A_45 = arith.constant 0 : i32
      %dma_wait3A_46 = tpu.memref_slice %arg4[%add3A_28, %dma_wait3A_45] : memref<2560x128xi32, #tpu.memory_space<hbm>> -> memref<40x128xi32, #tpu.memory_space<hbm>>
      tpu.wait_dma2 semaphore(%run_scoped3A : memref<!tpu.dma_semaphore, #tpu.memory_space<semaphore_mem>>) src(%dma_wait3A_46 : memref<40x128xi32, #tpu.memory_space<hbm>>) dst(%arg8 : memref<40x128xi32, #tpu.memory_space<vmem>>)
      tpu.yield
    }) : () -> ()
    %scan3A_29 = arith.constant 0 : i32
    %scan3A_30 = arith.constant 0 : i32
    %scan3A_31 = arith.constant 20 : i32
    %scan3A_32 = arith.addi %scan3A_30, %scan3A_31 : i32
    %scan3A_33 = arith.constant 1 : i32
    scf.for %scan3A_40 = %scan3A_30 to %scan3A_32 step %scan3A_33  : i32 {
      %mul3A_41 = arith.constant 2 : i32
      %mul3A_42 = arith.muli %mul3A_41, %scan3A_40 : i32
      %add3A_43 = arith.constant 40 : i32
      %add3A_44 = arith.addi %add3A_43, %mul3A_42 : i32
      %add3A_45 = arith.constant 1 : i32
      %add3A_46 = arith.addi %add3A_44, %add3A_45 : i32
      %dma_start3A_47 = arith.constant 1 : i32
      %dma_start3A_48 = arith.constant 0 : i32
      %dma_start3A_49 = arith.constant 0 : i32
      %dma_start3A_50 = tpu.memref_slice %arg9[%dma_start3A_47, %dma_start3A_48, %dma_start3A_49] : memref<2x128x128xf32, #tpu.memory_space<vmem>> -> memref<1x128x128xf32, #tpu.memory_space<vmem>>
      %dma_start3A_51 = tpu.memref_squeeze %dma_start3A_50 : memref<1x128x128xf32, #tpu.memory_space<vmem>> -> memref<128x128xf32, #tpu.memory_space<vmem>>
      %dma_start3A_52 = arith.constant 0 : i32
      %dma_start3A_53 = tpu.memref_slice %arg7[%add3A_46, %dma_start3A_52] : memref<80x128xi32, #tpu.memory_space<vmem>> -> memref<1x128xi32, #tpu.memory_space<vmem>>
      %dma_start3A_54 = tpu.memref_squeeze %dma_start3A_53 : memref<1x128xi32, #tpu.memory_space<vmem>> -> memref<128xi32, #tpu.memory_space<vmem>>
      %dma_start3A_55 = arith.constant 0 : i32
      %dma_start3A_56 = arith.constant 0 : i32
      %dma_start3A_57 = tpu.memref_slice %arg2[%dma_start3A_55, %dma_start3A_56] : memref<10000x128xf32, #tpu.memory_space<hbm>> -> memref<10000x128xf32, #tpu.memory_space<hbm>>
      tpu.enqueue_indirect_dma source(%dma_start3A_57 : memref<10000x128xf32, #tpu.memory_space<hbm>>) target(%dma_start3A_51 : memref<128x128xf32, #tpu.memory_space<vmem>>) offsets(%dma_start3A_54 : memref<128xi32, #tpu.memory_space<vmem>>) semaphore(%arg12 : memref<!tpu.dma_semaphore, #tpu.memory_space<semaphore_mem>>)
      %dma_wait3A = arith.constant 0 : i32
      %dma_wait3A_58 = arith.constant 0 : i32
      %dma_wait3A_59 = arith.constant 0 : i32
      %dma_wait3A_60 = tpu.memref_slice %arg9[%dma_wait3A, %dma_wait3A_58, %dma_wait3A_59] : memref<2x128x128xf32, #tpu.memory_space<vmem>> -> memref<1x128x128xf32, #tpu.memory_space<vmem>>
      %dma_wait3A_61 = tpu.memref_squeeze %dma_wait3A_60 : memref<1x128x128xf32, #tpu.memory_space<vmem>> -> memref<128x128xf32, #tpu.memory_space<vmem>>
      %dma_wait3A_62 = arith.constant 0 : i32
      %dma_wait3A_63 = tpu.memref_slice %arg7[%add3A_44, %dma_wait3A_62] : memref<80x128xi32, #tpu.memory_space<vmem>> -> memref<1x128xi32, #tpu.memory_space<vmem>>
      %dma_wait3A_64 = tpu.memref_squeeze %dma_wait3A_63 : memref<1x128xi32, #tpu.memory_space<vmem>> -> memref<128xi32, #tpu.memory_space<vmem>>
      %dma_wait3A_65 = arith.constant 0 : i32
      %dma_wait3A_66 = arith.constant 0 : i32
      %dma_wait3A_67 = tpu.memref_slice %arg2[%dma_wait3A_65, %dma_wait3A_66] : memref<10000x128xf32, #tpu.memory_space<hbm>> -> memref<10000x128xf32, #tpu.memory_space<hbm>>
      tpu.wait_indirect_dma semaphore(%arg11 : memref<!tpu.dma_semaphore, #tpu.memory_space<semaphore_mem>>) src(%dma_wait3A_67 : memref<10000x128xf32, #tpu.memory_space<hbm>>) dst(%dma_wait3A_61 : memref<128x128xf32, #tpu.memory_space<vmem>>)
      %mul3A_68 = arith.constant 2 : i32
      %mul3A_69 = arith.muli %mul3A_68, %scan3A_40 : i32
      %run_scoped3A = arith.constant 0 : i32
      "tpu.region"() ({
        %run_scoped3A_90 = tpu.sem_alloc : memref<!tpu.dma_semaphore, #tpu.memory_space<semaphore_mem>>
        %dma_start3A_91 = arith.constant 0 : i32
        %dma_start3A_92 = arith.constant 0 : i32
        %dma_start3A_93 = tpu.memref_slice %arg9[%run_scoped3A, %dma_start3A_91, %dma_start3A_92] : memref<2x128x128xf32, #tpu.memory_space<vmem>> -> memref<1x128x128xf32, #tpu.memory_space<vmem>>
        %dma_start3A_94 = tpu.memref_squeeze %dma_start3A_93 : memref<1x128x128xf32, #tpu.memory_space<vmem>> -> memref<128x128xf32, #tpu.memory_space<vmem>>
        %dma_start3A_95 = arith.constant 0 : i32
        %dma_start3A_96 = tpu.memref_slice %arg8[%mul3A_69, %dma_start3A_95] : memref<40x128xi32, #tpu.memory_space<vmem>> -> memref<1x128xi32, #tpu.memory_space<vmem>>
        %dma_start3A_97 = tpu.memref_squeeze %dma_start3A_96 : memref<1x128xi32, #tpu.memory_space<vmem>> -> memref<128xi32, #tpu.memory_space<vmem>>
        %dma_start3A_98 = arith.constant 0 : i32
        %dma_start3A_99 = arith.constant 0 : i32
        %dma_start3A_100 = tpu.memref_slice %arg10[%dma_start3A_98, %dma_start3A_99] : memref<10112x128xf32, #tpu.memory_space<vmem_shared>> -> memref<10112x128xf32, #tpu.memory_space<vmem_shared>>
        tpu.enqueue_indirect_dma source(%dma_start3A_94 : memref<128x128xf32, #tpu.memory_space<vmem>>) target(%dma_start3A_100 : memref<10112x128xf32, #tpu.memory_space<vmem_shared>>) offsets(%dma_start3A_97 : memref<128xi32, #tpu.memory_space<vmem>>) semaphore(%run_scoped3A_90 : memref<!tpu.dma_semaphore, #tpu.memory_space<semaphore_mem>>) {add = true}
        %dma_wait3A_101 = arith.constant 0 : i32
        %dma_wait3A_102 = arith.constant 0 : i32
        %dma_wait3A_103 = tpu.memref_slice %arg9[%run_scoped3A, %dma_wait3A_101, %dma_wait3A_102] : memref<2x128x128xf32, #tpu.memory_space<vmem>> -> memref<1x128x128xf32, #tpu.memory_space<vmem>>
        %dma_wait3A_104 = tpu.memref_squeeze %dma_wait3A_103 : memref<1x128x128xf32, #tpu.memory_space<vmem>> -> memref<128x128xf32, #tpu.memory_space<vmem>>
        %dma_wait3A_105 = arith.constant 0 : i32
        %dma_wait3A_106 = tpu.memref_slice %arg8[%mul3A_69, %dma_wait3A_105] : memref<40x128xi32, #tpu.memory_space<vmem>> -> memref<1x128xi32, #tpu.memory_space<vmem>>
        %dma_wait3A_107 = tpu.memref_squeeze %dma_wait3A_106 : memref<1x128xi32, #tpu.memory_space<vmem>> -> memref<128xi32, #tpu.memory_space<vmem>>
        %dma_wait3A_108 = arith.constant 0 : i32
        %dma_wait3A_109 = arith.constant 0 : i32
        %dma_wait3A_110 = tpu.memref_slice %arg10[%dma_wait3A_108, %dma_wait3A_109] : memref<10112x128xf32, #tpu.memory_space<vmem_shared>> -> memref<10112x128xf32, #tpu.memory_space<vmem_shared>>
        tpu.wait_indirect_dma semaphore(%run_scoped3A_90 : memref<!tpu.dma_semaphore, #tpu.memory_space<semaphore_mem>>) src(%dma_wait3A_104 : memref<128x128xf32, #tpu.memory_space<vmem>>) dst(%dma_wait3A_110 : memref<10112x128xf32, #tpu.memory_space<vmem_shared>>)
        tpu.yield
      }) : () -> ()
      %add3A_70 = arith.constant 2 : i32
      %add3A_71 = arith.addi %add3A_44, %add3A_70 : i32
      %lt3A = arith.constant 80 : i32
      %lt3A_72 = arith.cmpi slt, %add3A_71, %lt3A : i32
      %convert_element_type3A = arith.extui %lt3A_72 : i1 to i32
      %cond3A = arith.constant 0 : i32
      %cond3A_73 = arith.cmpi ne, %convert_element_type3A, %cond3A : i32
      scf.if %cond3A_73 {
        %add3A_90 = arith.constant 2 : i32
        %add3A_91 = arith.addi %add3A_44, %add3A_90 : i32
        %dma_start3A_92 = arith.constant 0 : i32
        %dma_start3A_93 = arith.constant 0 : i32
        %dma_start3A_94 = arith.constant 0 : i32
        %dma_start3A_95 = tpu.memref_slice %arg9[%dma_start3A_92, %dma_start3A_93, %dma_start3A_94] : memref<2x128x128xf32, #tpu.memory_space<vmem>> -> memref<1x128x128xf32, #tpu.memory_space<vmem>>
        %dma_start3A_96 = tpu.memref_squeeze %dma_start3A_95 : memref<1x128x128xf32, #tpu.memory_space<vmem>> -> memref<128x128xf32, #tpu.memory_space<vmem>>
        %dma_start3A_97 = arith.constant 0 : i32
        %dma_start3A_98 = tpu.memref_slice %arg7[%add3A_91, %dma_start3A_97] : memref<80x128xi32, #tpu.memory_space<vmem>> -> memref<1x128xi32, #tpu.memory_space<vmem>>
        %dma_start3A_99 = tpu.memref_squeeze %dma_start3A_98 : memref<1x128xi32, #tpu.memory_space<vmem>> -> memref<128xi32, #tpu.memory_space<vmem>>
        %dma_start3A_100 = arith.constant 0 : i32
        %dma_start3A_101 = arith.constant 0 : i32
        %dma_start3A_102 = tpu.memref_slice %arg2[%dma_start3A_100, %dma_start3A_101] : memref<10000x128xf32, #tpu.memory_space<hbm>> -> memref<10000x128xf32, #tpu.memory_space<hbm>>
        tpu.enqueue_indirect_dma source(%dma_start3A_102 : memref<10000x128xf32, #tpu.memory_space<hbm>>) target(%dma_start3A_96 : memref<128x128xf32, #tpu.memory_space<vmem>>) offsets(%dma_start3A_99 : memref<128xi32, #tpu.memory_space<vmem>>) semaphore(%arg11 : memref<!tpu.dma_semaphore, #tpu.memory_space<semaphore_mem>>)
      } else {
      }
      %dma_wait3A_74 = arith.constant 1 : i32
      %dma_wait3A_75 = arith.constant 0 : i32
      %dma_wait3A_76 = arith.constant 0 : i32
      %dma_wait3A_77 = tpu.memref_slice %arg9[%dma_wait3A_74, %dma_wait3A_75, %dma_wait3A_76] : memref<2x128x128xf32, #tpu.memory_space<vmem>> -> memref<1x128x128xf32, #tpu.memory_space<vmem>>
      %dma_wait3A_78 = tpu.memref_squeeze %dma_wait3A_77 : memref<1x128x128xf32, #tpu.memory_space<vmem>> -> memref<128x128xf32, #tpu.memory_space<vmem>>
      %dma_wait3A_79 = arith.constant 0 : i32
      %dma_wait3A_80 = tpu.memref_slice %arg7[%add3A_46, %dma_wait3A_79] : memref<80x128xi32, #tpu.memory_space<vmem>> -> memref<1x128xi32, #tpu.memory_space<vmem>>
      %dma_wait3A_81 = tpu.memref_squeeze %dma_wait3A_80 : memref<1x128xi32, #tpu.memory_space<vmem>> -> memref<128xi32, #tpu.memory_space<vmem>>
      %dma_wait3A_82 = arith.constant 0 : i32
      %dma_wait3A_83 = arith.constant 0 : i32
      %dma_wait3A_84 = tpu.memref_slice %arg2[%dma_wait3A_82, %dma_wait3A_83] : memref<10000x128xf32, #tpu.memory_space<hbm>> -> memref<10000x128xf32, #tpu.memory_space<hbm>>
      tpu.wait_indirect_dma semaphore(%arg12 : memref<!tpu.dma_semaphore, #tpu.memory_space<semaphore_mem>>) src(%dma_wait3A_84 : memref<10000x128xf32, #tpu.memory_space<hbm>>) dst(%dma_wait3A_78 : memref<128x128xf32, #tpu.memory_space<vmem>>)
      %mul3A_85 = arith.constant 2 : i32
      %mul3A_86 = arith.muli %mul3A_85, %scan3A_40 : i32
      %add3A_87 = arith.constant 1 : i32
      %add3A_88 = arith.addi %mul3A_86, %add3A_87 : i32
      %run_scoped3A_89 = arith.constant 1 : i32
      "tpu.region"() ({
        %run_scoped3A_90 = tpu.sem_alloc : memref<!tpu.dma_semaphore, #tpu.memory_space<semaphore_mem>>
        %dma_start3A_91 = arith.constant 0 : i32
        %dma_start3A_92 = arith.constant 0 : i32
        %dma_start3A_93 = tpu.memref_slice %arg9[%run_scoped3A_89, %dma_start3A_91, %dma_start3A_92] : memref<2x128x128xf32, #tpu.memory_space<vmem>> -> memref<1x128x128xf32, #tpu.memory_space<vmem>>
        %dma_start3A_94 = tpu.memref_squeeze %dma_start3A_93 : memref<1x128x128xf32, #tpu.memory_space<vmem>> -> memref<128x128xf32, #tpu.memory_space<vmem>>
        %dma_start3A_95 = arith.constant 0 : i32
        %dma_start3A_96 = tpu.memref_slice %arg8[%add3A_88, %dma_start3A_95] : memref<40x128xi32, #tpu.memory_space<vmem>> -> memref<1x128xi32, #tpu.memory_space<vmem>>
        %dma_start3A_97 = tpu.memref_squeeze %dma_start3A_96 : memref<1x128xi32, #tpu.memory_space<vmem>> -> memref<128xi32, #tpu.memory_space<vmem>>
        %dma_start3A_98 = arith.constant 0 : i32
        %dma_start3A_99 = arith.constant 0 : i32
        %dma_start3A_100 = tpu.memref_slice %arg10[%dma_start3A_98, %dma_start3A_99] : memref<10112x128xf32, #tpu.memory_space<vmem_shared>> -> memref<10112x128xf32, #tpu.memory_space<vmem_shared>>
        tpu.enqueue_indirect_dma source(%dma_start3A_94 : memref<128x128xf32, #tpu.memory_space<vmem>>) target(%dma_start3A_100 : memref<10112x128xf32, #tpu.memory_space<vmem_shared>>) offsets(%dma_start3A_97 : memref<128xi32, #tpu.memory_space<vmem>>) semaphore(%run_scoped3A_90 : memref<!tpu.dma_semaphore, #tpu.memory_space<semaphore_mem>>) {add = true}
        %dma_wait3A_101 = arith.constant 0 : i32
        %dma_wait3A_102 = arith.constant 0 : i32
        %dma_wait3A_103 = tpu.memref_slice %arg9[%run_scoped3A_89, %dma_wait3A_101, %dma_wait3A_102] : memref<2x128x128xf32, #tpu.memory_space<vmem>> -> memref<1x128x128xf32, #tpu.memory_space<vmem>>
        %dma_wait3A_104 = tpu.memref_squeeze %dma_wait3A_103 : memref<1x128x128xf32, #tpu.memory_space<vmem>> -> memref<128x128xf32, #tpu.memory_space<vmem>>
        %dma_wait3A_105 = arith.constant 0 : i32
        %dma_wait3A_106 = tpu.memref_slice %arg8[%add3A_88, %dma_wait3A_105] : memref<40x128xi32, #tpu.memory_space<vmem>> -> memref<1x128xi32, #tpu.memory_space<vmem>>
        %dma_wait3A_107 = tpu.memref_squeeze %dma_wait3A_106 : memref<1x128xi32, #tpu.memory_space<vmem>> -> memref<128xi32, #tpu.memory_space<vmem>>
        %dma_wait3A_108 = arith.constant 0 : i32
        %dma_wait3A_109 = arith.constant 0 : i32
        %dma_wait3A_110 = tpu.memref_slice %arg10[%dma_wait3A_108, %dma_wait3A_109] : memref<10112x128xf32, #tpu.memory_space<vmem_shared>> -> memref<10112x128xf32, #tpu.memory_space<vmem_shared>>
        tpu.wait_indirect_dma semaphore(%run_scoped3A_90 : memref<!tpu.dma_semaphore, #tpu.memory_space<semaphore_mem>>) src(%dma_wait3A_104 : memref<128x128xf32, #tpu.memory_space<vmem>>) dst(%dma_wait3A_110 : memref<10112x128xf32, #tpu.memory_space<vmem_shared>>)
        tpu.yield
      }) : () -> ()
    }
    %scan3A_34 = arith.constant 20 : i32
    %barrier3A_35 = arith.constant 0 : index
    tpu.barrier barrier_id(%barrier3A_35)
    %mul3A_36 = arith.constant 632 : i32
    %mul3A_37 = arith.muli %arg1, %mul3A_36 : i32
    %mul3A_38 = arith.constant 632 : i32
    %mul3A_39 = arith.muli %arg1, %mul3A_38 : i32
    "tpu.region"() ({
      %run_scoped3A = tpu.sem_alloc : memref<!tpu.dma_semaphore, #tpu.memory_space<semaphore_mem>>
      %dma_start3A_40 = arith.constant 0 : i32
      %dma_start3A_41 = tpu.memref_slice %arg6[%arg0, %mul3A_39, %dma_start3A_40] : memref<2x10112x128xf32, #tpu.memory_space<hbm>> -> memref<1x632x128xf32, #tpu.memory_space<hbm>>
      %dma_start3A_42 = tpu.memref_squeeze %dma_start3A_41 : memref<1x632x128xf32, #tpu.memory_space<hbm>> -> memref<632x128xf32, #tpu.memory_space<hbm>>
      %dma_start3A_43 = arith.constant 0 : i32
      %dma_start3A_44 = tpu.memref_slice %arg10[%mul3A_37, %dma_start3A_43] : memref<10112x128xf32, #tpu.memory_space<vmem_shared>> -> memref<632x128xf32, #tpu.memory_space<vmem_shared>>
      tpu.enqueue_dma source(%dma_start3A_44 : memref<632x128xf32, #tpu.memory_space<vmem_shared>>) target(%dma_start3A_42 : memref<632x128xf32, #tpu.memory_space<hbm>>) target_semaphore(%run_scoped3A : memref<!tpu.dma_semaphore, #tpu.memory_space<semaphore_mem>>)
      %dma_wait3A = arith.constant 0 : i32
      %dma_wait3A_45 = tpu.memref_slice %arg6[%arg0, %mul3A_39, %dma_wait3A] : memref<2x10112x128xf32, #tpu.memory_space<hbm>> -> memref<1x632x128xf32, #tpu.memory_space<hbm>>
      %dma_wait3A_46 = tpu.memref_squeeze %dma_wait3A_45 : memref<1x632x128xf32, #tpu.memory_space<hbm>> -> memref<632x128xf32, #tpu.memory_space<hbm>>
      %dma_wait3A_47 = arith.constant 0 : i32
      %dma_wait3A_48 = tpu.memref_slice %arg10[%mul3A_37, %dma_wait3A_47] : memref<10112x128xf32, #tpu.memory_space<vmem_shared>> -> memref<632x128xf32, #tpu.memory_space<vmem_shared>>
      tpu.wait_dma2 semaphore(%run_scoped3A : memref<!tpu.dma_semaphore, #tpu.memory_space<semaphore_mem>>) src(%dma_wait3A_48 : memref<632x128xf32, #tpu.memory_space<vmem_shared>>) dst(%dma_wait3A_46 : memref<632x128xf32, #tpu.memory_space<hbm>>)
      tpu.yield
    }) : () -> ()
    return
  }
}

#map = affine_map<(d0, d1) -> (0, 0)>
#map1 = affine_map<(d0, d1) -> (0, 0, 0)>
module attributes {stable_mosaic.version = 14 : i64} {
  func.func @_sc_scatter_body(%arg0: i32, %arg1: i32, %arg2: memref<10000x128xf32, #tpu.memory_space<hbm>>, %arg3: memref<2560x128xi32, #tpu.memory_space<hbm>>, %arg4: memref<2560x128xi32, #tpu.memory_space<hbm>>, %arg5: memref<632x128xf32, #tpu.memory_space<hbm>>, %arg6: memref<2x10112x128xf32, #tpu.memory_space<hbm>>, %arg7: memref<80x128xi32, #tpu.memory_space<vmem>>, %arg8: memref<40x128xi32, #tpu.memory_space<vmem>>, %arg9: memref<2x128x128xf32, #tpu.memory_space<vmem>>, %arg10: memref<10112x128xf32, #tpu.memory_space<vmem_shared>>, %arg11: memref<!tpu.dma_semaphore, #tpu.memory_space<semaphore_mem>>, %arg12: memref<!tpu.dma_semaphore, #tpu.memory_space<semaphore_mem>>) attributes {dimension_semantics = [#tpu.dimension_semantics<core_parallel>, #tpu.dimension_semantics<subcore_parallel>], iteration_bounds = array<i64: 2, 16>, scalar_prefetch = 0 : i64, scratch_operands = 6 : i64, tpu.core_type = #tpu.core_type<sc_vector_subcore>, window_params = [{transform_indices = #map}, {transform_indices = #map}, {transform_indices = #map}, {transform_indices = #map}, {transform_indices = #map1}]} {
    %mul3A = arith.constant 632 : i32
    %mul3A_0 = arith.muli %arg1, %mul3A : i32
    "tpu.region"() ({
      %run_scoped3A = tpu.sem_alloc : memref<!tpu.dma_semaphore, #tpu.memory_space<semaphore_mem>>
      %dma_start3A_40 = arith.constant 0 : i32
      %dma_start3A_41 = tpu.memref_slice %arg10[%mul3A_0, %dma_start3A_40] : memref<10112x128xf32, #tpu.memory_space<vmem_shared>> -> memref<632x128xf32, #tpu.memory_space<vmem_shared>>
      tpu.enqueue_dma source(%arg5 : memref<632x128xf32, #tpu.memory_space<hbm>>) target(%dma_start3A_41 : memref<632x128xf32, #tpu.memory_space<vmem_shared>>) target_semaphore(%run_scoped3A : memref<!tpu.dma_semaphore, #tpu.memory_space<semaphore_mem>>)
      %dma_wait3A = arith.constant 0 : i32
      %dma_wait3A_42 = tpu.memref_slice %arg10[%mul3A_0, %dma_wait3A] : memref<10112x128xf32, #tpu.memory_space<vmem_shared>> -> memref<632x128xf32, #tpu.memory_space<vmem_shared>>
      tpu.wait_dma2 semaphore(%run_scoped3A : memref<!tpu.dma_semaphore, #tpu.memory_space<semaphore_mem>>) src(%arg5 : memref<632x128xf32, #tpu.memory_space<hbm>>) dst(%dma_wait3A_42 : memref<632x128xf32, #tpu.memory_space<vmem_shared>>)
      tpu.yield
    }) : () -> ()
    %barrier3A = arith.constant 0 : index
    tpu.barrier barrier_id(%barrier3A)
    %mul3A_1 = arith.constant 2 : i32
    %mul3A_2 = arith.muli %arg1, %mul3A_1 : i32
    %add3A = arith.addi %mul3A_2, %arg0 : i32
    %mul3A_3 = arith.constant 80 : i32
    %mul3A_4 = arith.muli %add3A, %mul3A_3 : i32
    "tpu.region"() ({
      %run_scoped3A = tpu.sem_alloc : memref<!tpu.dma_semaphore, #tpu.memory_space<semaphore_mem>>
      %dma_start3A_40 = arith.constant 0 : i32
      %dma_start3A_41 = tpu.memref_slice %arg3[%mul3A_4, %dma_start3A_40] : memref<2560x128xi32, #tpu.memory_space<hbm>> -> memref<80x128xi32, #tpu.memory_space<hbm>>
      %dma_start3A_42 = arith.constant 0 : i32
      %dma_start3A_43 = tpu.memref_slice %arg3[%mul3A_4, %dma_start3A_42] : memref<2560x128xi32, #tpu.memory_space<hbm>> -> memref<80x128xi32, #tpu.memory_space<hbm>>
      tpu.enqueue_dma source(%dma_start3A_43 : memref<80x128xi32, #tpu.memory_space<hbm>>) target(%arg7 : memref<80x128xi32, #tpu.memory_space<vmem>>) target_semaphore(%run_scoped3A : memref<!tpu.dma_semaphore, #tpu.memory_space<semaphore_mem>>)
      %dma_wait3A = arith.constant 0 : i32
      %dma_wait3A_44 = tpu.memref_slice %arg3[%mul3A_4, %dma_wait3A] : memref<2560x128xi32, #tpu.memory_space<hbm>> -> memref<80x128xi32, #tpu.memory_space<hbm>>
      %dma_wait3A_45 = arith.constant 0 : i32
      %dma_wait3A_46 = tpu.memref_slice %arg3[%mul3A_4, %dma_wait3A_45] : memref<2560x128xi32, #tpu.memory_space<hbm>> -> memref<80x128xi32, #tpu.memory_space<hbm>>
      tpu.wait_dma2 semaphore(%run_scoped3A : memref<!tpu.dma_semaphore, #tpu.memory_space<semaphore_mem>>) src(%dma_wait3A_46 : memref<80x128xi32, #tpu.memory_space<hbm>>) dst(%arg7 : memref<80x128xi32, #tpu.memory_space<vmem>>)
      tpu.yield
    }) : () -> ()
    %dma_start3A = arith.constant 0 : i32
    %dma_start3A_5 = arith.constant 0 : i32
    %dma_start3A_6 = arith.constant 0 : i32
    %dma_start3A_7 = arith.constant 0 : i32
    %dma_start3A_8 = tpu.memref_slice %arg9[%dma_start3A_5, %dma_start3A_6, %dma_start3A_7] : memref<2x128x128xf32, #tpu.memory_space<vmem>> -> memref<1x128x128xf32, #tpu.memory_space<vmem>>
    %dma_start3A_9 = tpu.memref_squeeze %dma_start3A_8 : memref<1x128x128xf32, #tpu.memory_space<vmem>> -> memref<128x128xf32, #tpu.memory_space<vmem>>
    %dma_start3A_10 = arith.constant 0 : i32
    %dma_start3A_11 = tpu.memref_slice %arg7[%dma_start3A, %dma_start3A_10] : memref<80x128xi32, #tpu.memory_space<vmem>> -> memref<1x128xi32, #tpu.memory_space<vmem>>
    %dma_start3A_12 = tpu.memref_squeeze %dma_start3A_11 : memref<1x128xi32, #tpu.memory_space<vmem>> -> memref<128xi32, #tpu.memory_space<vmem>>
    %dma_start3A_13 = arith.constant 0 : i32
    %dma_start3A_14 = arith.constant 0 : i32
    %dma_start3A_15 = tpu.memref_slice %arg2[%dma_start3A_13, %dma_start3A_14] : memref<10000x128xf32, #tpu.memory_space<hbm>> -> memref<10000x128xf32, #tpu.memory_space<hbm>>
    tpu.enqueue_indirect_dma source(%dma_start3A_15 : memref<10000x128xf32, #tpu.memory_space<hbm>>) target(%dma_start3A_9 : memref<128x128xf32, #tpu.memory_space<vmem>>) offsets(%dma_start3A_12 : memref<128xi32, #tpu.memory_space<vmem>>) semaphore(%arg11 : memref<!tpu.dma_semaphore, #tpu.memory_space<semaphore_mem>>)
    %mul3A_16 = arith.constant 80 : i32
    %mul3A_17 = arith.muli %add3A, %mul3A_16 : i32
    %add3A_18 = arith.constant 0 : i32
    %add3A_19 = arith.addi %mul3A_17, %add3A_18 : i32
    "tpu.region"() ({
      %run_scoped3A = tpu.sem_alloc : memref<!tpu.dma_semaphore, #tpu.memory_space<semaphore_mem>>
      %dma_start3A_40 = arith.constant 0 : i32
      %dma_start3A_41 = tpu.memref_slice %arg4[%add3A_19, %dma_start3A_40] : memref<2560x128xi32, #tpu.memory_space<hbm>> -> memref<40x128xi32, #tpu.memory_space<hbm>>
      %dma_start3A_42 = arith.constant 0 : i32
      %dma_start3A_43 = tpu.memref_slice %arg4[%add3A_19, %dma_start3A_42] : memref<2560x128xi32, #tpu.memory_space<hbm>> -> memref<40x128xi32, #tpu.memory_space<hbm>>
      tpu.enqueue_dma source(%dma_start3A_43 : memref<40x128xi32, #tpu.memory_space<hbm>>) target(%arg8 : memref<40x128xi32, #tpu.memory_space<vmem>>) target_semaphore(%run_scoped3A : memref<!tpu.dma_semaphore, #tpu.memory_space<semaphore_mem>>)
      %dma_wait3A = arith.constant 0 : i32
      %dma_wait3A_44 = tpu.memref_slice %arg4[%add3A_19, %dma_wait3A] : memref<2560x128xi32, #tpu.memory_space<hbm>> -> memref<40x128xi32, #tpu.memory_space<hbm>>
      %dma_wait3A_45 = arith.constant 0 : i32
      %dma_wait3A_46 = tpu.memref_slice %arg4[%add3A_19, %dma_wait3A_45] : memref<2560x128xi32, #tpu.memory_space<hbm>> -> memref<40x128xi32, #tpu.memory_space<hbm>>
      tpu.wait_dma2 semaphore(%run_scoped3A : memref<!tpu.dma_semaphore, #tpu.memory_space<semaphore_mem>>) src(%dma_wait3A_46 : memref<40x128xi32, #tpu.memory_space<hbm>>) dst(%arg8 : memref<40x128xi32, #tpu.memory_space<vmem>>)
      tpu.yield
    }) : () -> ()
    %scan3A = arith.constant 0 : i32
    %scan3A_20 = arith.constant 0 : i32
    %scan3A_21 = arith.constant 20 : i32
    %scan3A_22 = arith.addi %scan3A_20, %scan3A_21 : i32
    %scan3A_23 = arith.constant 1 : i32
    scf.for %scan3A_40 = %scan3A_20 to %scan3A_22 step %scan3A_23  : i32 {
      %mul3A_41 = arith.constant 2 : i32
      %mul3A_42 = arith.muli %mul3A_41, %scan3A_40 : i32
      %add3A_43 = arith.constant 0 : i32
      %add3A_44 = arith.addi %add3A_43, %mul3A_42 : i32
      %add3A_45 = arith.constant 1 : i32
      %add3A_46 = arith.addi %add3A_44, %add3A_45 : i32
      %dma_start3A_47 = arith.constant 1 : i32
      %dma_start3A_48 = arith.constant 0 : i32
      %dma_start3A_49 = arith.constant 0 : i32
      %dma_start3A_50 = tpu.memref_slice %arg9[%dma_start3A_47, %dma_start3A_48, %dma_start3A_49] : memref<2x128x128xf32, #tpu.memory_space<vmem>> -> memref<1x128x128xf32, #tpu.memory_space<vmem>>
      %dma_start3A_51 = tpu.memref_squeeze %dma_start3A_50 : memref<1x128x128xf32, #tpu.memory_space<vmem>> -> memref<128x128xf32, #tpu.memory_space<vmem>>
      %dma_start3A_52 = arith.constant 0 : i32
      %dma_start3A_53 = tpu.memref_slice %arg7[%add3A_46, %dma_start3A_52] : memref<80x128xi32, #tpu.memory_space<vmem>> -> memref<1x128xi32, #tpu.memory_space<vmem>>
      %dma_start3A_54 = tpu.memref_squeeze %dma_start3A_53 : memref<1x128xi32, #tpu.memory_space<vmem>> -> memref<128xi32, #tpu.memory_space<vmem>>
      %dma_start3A_55 = arith.constant 0 : i32
      %dma_start3A_56 = arith.constant 0 : i32
      %dma_start3A_57 = tpu.memref_slice %arg2[%dma_start3A_55, %dma_start3A_56] : memref<10000x128xf32, #tpu.memory_space<hbm>> -> memref<10000x128xf32, #tpu.memory_space<hbm>>
      tpu.enqueue_indirect_dma source(%dma_start3A_57 : memref<10000x128xf32, #tpu.memory_space<hbm>>) target(%dma_start3A_51 : memref<128x128xf32, #tpu.memory_space<vmem>>) offsets(%dma_start3A_54 : memref<128xi32, #tpu.memory_space<vmem>>) semaphore(%arg12 : memref<!tpu.dma_semaphore, #tpu.memory_space<semaphore_mem>>)
      %dma_wait3A = arith.constant 0 : i32
      %dma_wait3A_58 = arith.constant 0 : i32
      %dma_wait3A_59 = arith.constant 0 : i32
      %dma_wait3A_60 = tpu.memref_slice %arg9[%dma_wait3A, %dma_wait3A_58, %dma_wait3A_59] : memref<2x128x128xf32, #tpu.memory_space<vmem>> -> memref<1x128x128xf32, #tpu.memory_space<vmem>>
      %dma_wait3A_61 = tpu.memref_squeeze %dma_wait3A_60 : memref<1x128x128xf32, #tpu.memory_space<vmem>> -> memref<128x128xf32, #tpu.memory_space<vmem>>
      %dma_wait3A_62 = arith.constant 0 : i32
      %dma_wait3A_63 = tpu.memref_slice %arg7[%add3A_44, %dma_wait3A_62] : memref<80x128xi32, #tpu.memory_space<vmem>> -> memref<1x128xi32, #tpu.memory_space<vmem>>
      %dma_wait3A_64 = tpu.memref_squeeze %dma_wait3A_63 : memref<1x128xi32, #tpu.memory_space<vmem>> -> memref<128xi32, #tpu.memory_space<vmem>>
      %dma_wait3A_65 = arith.constant 0 : i32
      %dma_wait3A_66 = arith.constant 0 : i32
      %dma_wait3A_67 = tpu.memref_slice %arg2[%dma_wait3A_65, %dma_wait3A_66] : memref<10000x128xf32, #tpu.memory_space<hbm>> -> memref<10000x128xf32, #tpu.memory_space<hbm>>
      tpu.wait_indirect_dma semaphore(%arg11 : memref<!tpu.dma_semaphore, #tpu.memory_space<semaphore_mem>>) src(%dma_wait3A_67 : memref<10000x128xf32, #tpu.memory_space<hbm>>) dst(%dma_wait3A_61 : memref<128x128xf32, #tpu.memory_space<vmem>>)
      %mul3A_68 = arith.constant 2 : i32
      %mul3A_69 = arith.muli %mul3A_68, %scan3A_40 : i32
      %run_scoped3A = arith.constant 0 : i32
      "tpu.region"() ({
        %run_scoped3A_90 = tpu.sem_alloc : memref<!tpu.dma_semaphore, #tpu.memory_space<semaphore_mem>>
        %dma_start3A_91 = arith.constant 0 : i32
        %dma_start3A_92 = arith.constant 0 : i32
        %dma_start3A_93 = tpu.memref_slice %arg9[%run_scoped3A, %dma_start3A_91, %dma_start3A_92] : memref<2x128x128xf32, #tpu.memory_space<vmem>> -> memref<1x128x128xf32, #tpu.memory_space<vmem>>
        %dma_start3A_94 = tpu.memref_squeeze %dma_start3A_93 : memref<1x128x128xf32, #tpu.memory_space<vmem>> -> memref<128x128xf32, #tpu.memory_space<vmem>>
        %dma_start3A_95 = arith.constant 0 : i32
        %dma_start3A_96 = tpu.memref_slice %arg8[%mul3A_69, %dma_start3A_95] : memref<40x128xi32, #tpu.memory_space<vmem>> -> memref<1x128xi32, #tpu.memory_space<vmem>>
        %dma_start3A_97 = tpu.memref_squeeze %dma_start3A_96 : memref<1x128xi32, #tpu.memory_space<vmem>> -> memref<128xi32, #tpu.memory_space<vmem>>
        %dma_start3A_98 = arith.constant 0 : i32
        %dma_start3A_99 = arith.constant 0 : i32
        %dma_start3A_100 = tpu.memref_slice %arg10[%dma_start3A_98, %dma_start3A_99] : memref<10112x128xf32, #tpu.memory_space<vmem_shared>> -> memref<10112x128xf32, #tpu.memory_space<vmem_shared>>
        tpu.enqueue_indirect_dma source(%dma_start3A_94 : memref<128x128xf32, #tpu.memory_space<vmem>>) target(%dma_start3A_100 : memref<10112x128xf32, #tpu.memory_space<vmem_shared>>) offsets(%dma_start3A_97 : memref<128xi32, #tpu.memory_space<vmem>>) semaphore(%run_scoped3A_90 : memref<!tpu.dma_semaphore, #tpu.memory_space<semaphore_mem>>) {add = true}
        %dma_wait3A_101 = arith.constant 0 : i32
        %dma_wait3A_102 = arith.constant 0 : i32
        %dma_wait3A_103 = tpu.memref_slice %arg9[%run_scoped3A, %dma_wait3A_101, %dma_wait3A_102] : memref<2x128x128xf32, #tpu.memory_space<vmem>> -> memref<1x128x128xf32, #tpu.memory_space<vmem>>
        %dma_wait3A_104 = tpu.memref_squeeze %dma_wait3A_103 : memref<1x128x128xf32, #tpu.memory_space<vmem>> -> memref<128x128xf32, #tpu.memory_space<vmem>>
        %dma_wait3A_105 = arith.constant 0 : i32
        %dma_wait3A_106 = tpu.memref_slice %arg8[%mul3A_69, %dma_wait3A_105] : memref<40x128xi32, #tpu.memory_space<vmem>> -> memref<1x128xi32, #tpu.memory_space<vmem>>
        %dma_wait3A_107 = tpu.memref_squeeze %dma_wait3A_106 : memref<1x128xi32, #tpu.memory_space<vmem>> -> memref<128xi32, #tpu.memory_space<vmem>>
        %dma_wait3A_108 = arith.constant 0 : i32
        %dma_wait3A_109 = arith.constant 0 : i32
        %dma_wait3A_110 = tpu.memref_slice %arg10[%dma_wait3A_108, %dma_wait3A_109] : memref<10112x128xf32, #tpu.memory_space<vmem_shared>> -> memref<10112x128xf32, #tpu.memory_space<vmem_shared>>
        tpu.wait_indirect_dma semaphore(%run_scoped3A_90 : memref<!tpu.dma_semaphore, #tpu.memory_space<semaphore_mem>>) src(%dma_wait3A_104 : memref<128x128xf32, #tpu.memory_space<vmem>>) dst(%dma_wait3A_110 : memref<10112x128xf32, #tpu.memory_space<vmem_shared>>)
        tpu.yield
      }) : () -> ()
      %add3A_70 = arith.constant 2 : i32
      %add3A_71 = arith.addi %add3A_44, %add3A_70 : i32
      %lt3A = arith.constant 80 : i32
      %lt3A_72 = arith.cmpi slt, %add3A_71, %lt3A : i32
      %convert_element_type3A = arith.extui %lt3A_72 : i1 to i32
      %cond3A = arith.constant 0 : i32
      %cond3A_73 = arith.cmpi ne, %convert_element_type3A, %cond3A : i32
      scf.if %cond3A_73 {
        %add3A_90 = arith.constant 2 : i32
        %add3A_91 = arith.addi %add3A_44, %add3A_90 : i32
        %dma_start3A_92 = arith.constant 0 : i32
        %dma_start3A_93 = arith.constant 0 : i32
        %dma_start3A_94 = arith.constant 0 : i32
        %dma_start3A_95 = tpu.memref_slice %arg9[%dma_start3A_92, %dma_start3A_93, %dma_start3A_94] : memref<2x128x128xf32, #tpu.memory_space<vmem>> -> memref<1x128x128xf32, #tpu.memory_space<vmem>>
        %dma_start3A_96 = tpu.memref_squeeze %dma_start3A_95 : memref<1x128x128xf32, #tpu.memory_space<vmem>> -> memref<128x128xf32, #tpu.memory_space<vmem>>
        %dma_start3A_97 = arith.constant 0 : i32
        %dma_start3A_98 = tpu.memref_slice %arg7[%add3A_91, %dma_start3A_97] : memref<80x128xi32, #tpu.memory_space<vmem>> -> memref<1x128xi32, #tpu.memory_space<vmem>>
        %dma_start3A_99 = tpu.memref_squeeze %dma_start3A_98 : memref<1x128xi32, #tpu.memory_space<vmem>> -> memref<128xi32, #tpu.memory_space<vmem>>
        %dma_start3A_100 = arith.constant 0 : i32
        %dma_start3A_101 = arith.constant 0 : i32
        %dma_start3A_102 = tpu.memref_slice %arg2[%dma_start3A_100, %dma_start3A_101] : memref<10000x128xf32, #tpu.memory_space<hbm>> -> memref<10000x128xf32, #tpu.memory_space<hbm>>
        tpu.enqueue_indirect_dma source(%dma_start3A_102 : memref<10000x128xf32, #tpu.memory_space<hbm>>) target(%dma_start3A_96 : memref<128x128xf32, #tpu.memory_space<vmem>>) offsets(%dma_start3A_99 : memref<128xi32, #tpu.memory_space<vmem>>) semaphore(%arg11 : memref<!tpu.dma_semaphore, #tpu.memory_space<semaphore_mem>>)
      } else {
      }
      %dma_wait3A_74 = arith.constant 1 : i32
      %dma_wait3A_75 = arith.constant 0 : i32
      %dma_wait3A_76 = arith.constant 0 : i32
      %dma_wait3A_77 = tpu.memref_slice %arg9[%dma_wait3A_74, %dma_wait3A_75, %dma_wait3A_76] : memref<2x128x128xf32, #tpu.memory_space<vmem>> -> memref<1x128x128xf32, #tpu.memory_space<vmem>>
      %dma_wait3A_78 = tpu.memref_squeeze %dma_wait3A_77 : memref<1x128x128xf32, #tpu.memory_space<vmem>> -> memref<128x128xf32, #tpu.memory_space<vmem>>
      %dma_wait3A_79 = arith.constant 0 : i32
      %dma_wait3A_80 = tpu.memref_slice %arg7[%add3A_46, %dma_wait3A_79] : memref<80x128xi32, #tpu.memory_space<vmem>> -> memref<1x128xi32, #tpu.memory_space<vmem>>
      %dma_wait3A_81 = tpu.memref_squeeze %dma_wait3A_80 : memref<1x128xi32, #tpu.memory_space<vmem>> -> memref<128xi32, #tpu.memory_space<vmem>>
      %dma_wait3A_82 = arith.constant 0 : i32
      %dma_wait3A_83 = arith.constant 0 : i32
      %dma_wait3A_84 = tpu.memref_slice %arg2[%dma_wait3A_82, %dma_wait3A_83] : memref<10000x128xf32, #tpu.memory_space<hbm>> -> memref<10000x128xf32, #tpu.memory_space<hbm>>
      tpu.wait_indirect_dma semaphore(%arg12 : memref<!tpu.dma_semaphore, #tpu.memory_space<semaphore_mem>>) src(%dma_wait3A_84 : memref<10000x128xf32, #tpu.memory_space<hbm>>) dst(%dma_wait3A_78 : memref<128x128xf32, #tpu.memory_space<vmem>>)
      %mul3A_85 = arith.constant 2 : i32
      %mul3A_86 = arith.muli %mul3A_85, %scan3A_40 : i32
      %add3A_87 = arith.constant 1 : i32
      %add3A_88 = arith.addi %mul3A_86, %add3A_87 : i32
      %run_scoped3A_89 = arith.constant 1 : i32
      "tpu.region"() ({
        %run_scoped3A_90 = tpu.sem_alloc : memref<!tpu.dma_semaphore, #tpu.memory_space<semaphore_mem>>
        %dma_start3A_91 = arith.constant 0 : i32
        %dma_start3A_92 = arith.constant 0 : i32
        %dma_start3A_93 = tpu.memref_slice %arg9[%run_scoped3A_89, %dma_start3A_91, %dma_start3A_92] : memref<2x128x128xf32, #tpu.memory_space<vmem>> -> memref<1x128x128xf32, #tpu.memory_space<vmem>>
        %dma_start3A_94 = tpu.memref_squeeze %dma_start3A_93 : memref<1x128x128xf32, #tpu.memory_space<vmem>> -> memref<128x128xf32, #tpu.memory_space<vmem>>
        %dma_start3A_95 = arith.constant 0 : i32
        %dma_start3A_96 = tpu.memref_slice %arg8[%add3A_88, %dma_start3A_95] : memref<40x128xi32, #tpu.memory_space<vmem>> -> memref<1x128xi32, #tpu.memory_space<vmem>>
        %dma_start3A_97 = tpu.memref_squeeze %dma_start3A_96 : memref<1x128xi32, #tpu.memory_space<vmem>> -> memref<128xi32, #tpu.memory_space<vmem>>
        %dma_start3A_98 = arith.constant 0 : i32
        %dma_start3A_99 = arith.constant 0 : i32
        %dma_start3A_100 = tpu.memref_slice %arg10[%dma_start3A_98, %dma_start3A_99] : memref<10112x128xf32, #tpu.memory_space<vmem_shared>> -> memref<10112x128xf32, #tpu.memory_space<vmem_shared>>
        tpu.enqueue_indirect_dma source(%dma_start3A_94 : memref<128x128xf32, #tpu.memory_space<vmem>>) target(%dma_start3A_100 : memref<10112x128xf32, #tpu.memory_space<vmem_shared>>) offsets(%dma_start3A_97 : memref<128xi32, #tpu.memory_space<vmem>>) semaphore(%run_scoped3A_90 : memref<!tpu.dma_semaphore, #tpu.memory_space<semaphore_mem>>) {add = true}
        %dma_wait3A_101 = arith.constant 0 : i32
        %dma_wait3A_102 = arith.constant 0 : i32
        %dma_wait3A_103 = tpu.memref_slice %arg9[%run_scoped3A_89, %dma_wait3A_101, %dma_wait3A_102] : memref<2x128x128xf32, #tpu.memory_space<vmem>> -> memref<1x128x128xf32, #tpu.memory_space<vmem>>
        %dma_wait3A_104 = tpu.memref_squeeze %dma_wait3A_103 : memref<1x128x128xf32, #tpu.memory_space<vmem>> -> memref<128x128xf32, #tpu.memory_space<vmem>>
        %dma_wait3A_105 = arith.constant 0 : i32
        %dma_wait3A_106 = tpu.memref_slice %arg8[%add3A_88, %dma_wait3A_105] : memref<40x128xi32, #tpu.memory_space<vmem>> -> memref<1x128xi32, #tpu.memory_space<vmem>>
        %dma_wait3A_107 = tpu.memref_squeeze %dma_wait3A_106 : memref<1x128xi32, #tpu.memory_space<vmem>> -> memref<128xi32, #tpu.memory_space<vmem>>
        %dma_wait3A_108 = arith.constant 0 : i32
        %dma_wait3A_109 = arith.constant 0 : i32
        %dma_wait3A_110 = tpu.memref_slice %arg10[%dma_wait3A_108, %dma_wait3A_109] : memref<10112x128xf32, #tpu.memory_space<vmem_shared>> -> memref<10112x128xf32, #tpu.memory_space<vmem_shared>>
        tpu.wait_indirect_dma semaphore(%run_scoped3A_90 : memref<!tpu.dma_semaphore, #tpu.memory_space<semaphore_mem>>) src(%dma_wait3A_104 : memref<128x128xf32, #tpu.memory_space<vmem>>) dst(%dma_wait3A_110 : memref<10112x128xf32, #tpu.memory_space<vmem_shared>>)
        tpu.yield
      }) : () -> ()
    }
    %scan3A_24 = arith.constant 20 : i32
    %mul3A_25 = arith.constant 80 : i32
    %mul3A_26 = arith.muli %add3A, %mul3A_25 : i32
    %add3A_27 = arith.constant 40 : i32
    %add3A_28 = arith.addi %mul3A_26, %add3A_27 : i32
    "tpu.region"() ({
      %run_scoped3A = tpu.sem_alloc : memref<!tpu.dma_semaphore, #tpu.memory_space<semaphore_mem>>
      %dma_start3A_40 = arith.constant 0 : i32
      %dma_start3A_41 = tpu.memref_slice %arg4[%add3A_28, %dma_start3A_40] : memref<2560x128xi32, #tpu.memory_space<hbm>> -> memref<40x128xi32, #tpu.memory_space<hbm>>
      %dma_start3A_42 = arith.constant 0 : i32
      %dma_start3A_43 = tpu.memref_slice %arg4[%add3A_28, %dma_start3A_42] : memref<2560x128xi32, #tpu.memory_space<hbm>> -> memref<40x128xi32, #tpu.memory_space<hbm>>
      tpu.enqueue_dma source(%dma_start3A_43 : memref<40x128xi32, #tpu.memory_space<hbm>>) target(%arg8 : memref<40x128xi32, #tpu.memory_space<vmem>>) target_semaphore(%run_scoped3A : memref<!tpu.dma_semaphore, #tpu.memory_space<semaphore_mem>>)
      %dma_wait3A = arith.constant 0 : i32
      %dma_wait3A_44 = tpu.memref_slice %arg4[%add3A_28, %dma_wait3A] : memref<2560x128xi32, #tpu.memory_space<hbm>> -> memref<40x128xi32, #tpu.memory_space<hbm>>
      %dma_wait3A_45 = arith.constant 0 : i32
      %dma_wait3A_46 = tpu.memref_slice %arg4[%add3A_28, %dma_wait3A_45] : memref<2560x128xi32, #tpu.memory_space<hbm>> -> memref<40x128xi32, #tpu.memory_space<hbm>>
      tpu.wait_dma2 semaphore(%run_scoped3A : memref<!tpu.dma_semaphore, #tpu.memory_space<semaphore_mem>>) src(%dma_wait3A_46 : memref<40x128xi32, #tpu.memory_space<hbm>>) dst(%arg8 : memref<40x128xi32, #tpu.memory_space<vmem>>)
      tpu.yield
    }) : () -> ()
    %scan3A_29 = arith.constant 0 : i32
    %scan3A_30 = arith.constant 0 : i32
    %scan3A_31 = arith.constant 20 : i32
    %scan3A_32 = arith.addi %scan3A_30, %scan3A_31 : i32
    %scan3A_33 = arith.constant 1 : i32
    scf.for %scan3A_40 = %scan3A_30 to %scan3A_32 step %scan3A_33  : i32 {
      %mul3A_41 = arith.constant 2 : i32
      %mul3A_42 = arith.muli %mul3A_41, %scan3A_40 : i32
      %add3A_43 = arith.constant 40 : i32
      %add3A_44 = arith.addi %add3A_43, %mul3A_42 : i32
      %add3A_45 = arith.constant 1 : i32
      %add3A_46 = arith.addi %add3A_44, %add3A_45 : i32
      %dma_start3A_47 = arith.constant 1 : i32
      %dma_start3A_48 = arith.constant 0 : i32
      %dma_start3A_49 = arith.constant 0 : i32
      %dma_start3A_50 = tpu.memref_slice %arg9[%dma_start3A_47, %dma_start3A_48, %dma_start3A_49] : memref<2x128x128xf32, #tpu.memory_space<vmem>> -> memref<1x128x128xf32, #tpu.memory_space<vmem>>
      %dma_start3A_51 = tpu.memref_squeeze %dma_start3A_50 : memref<1x128x128xf32, #tpu.memory_space<vmem>> -> memref<128x128xf32, #tpu.memory_space<vmem>>
      %dma_start3A_52 = arith.constant 0 : i32
      %dma_start3A_53 = tpu.memref_slice %arg7[%add3A_46, %dma_start3A_52] : memref<80x128xi32, #tpu.memory_space<vmem>> -> memref<1x128xi32, #tpu.memory_space<vmem>>
      %dma_start3A_54 = tpu.memref_squeeze %dma_start3A_53 : memref<1x128xi32, #tpu.memory_space<vmem>> -> memref<128xi32, #tpu.memory_space<vmem>>
      %dma_start3A_55 = arith.constant 0 : i32
      %dma_start3A_56 = arith.constant 0 : i32
      %dma_start3A_57 = tpu.memref_slice %arg2[%dma_start3A_55, %dma_start3A_56] : memref<10000x128xf32, #tpu.memory_space<hbm>> -> memref<10000x128xf32, #tpu.memory_space<hbm>>
      tpu.enqueue_indirect_dma source(%dma_start3A_57 : memref<10000x128xf32, #tpu.memory_space<hbm>>) target(%dma_start3A_51 : memref<128x128xf32, #tpu.memory_space<vmem>>) offsets(%dma_start3A_54 : memref<128xi32, #tpu.memory_space<vmem>>) semaphore(%arg12 : memref<!tpu.dma_semaphore, #tpu.memory_space<semaphore_mem>>)
      %dma_wait3A = arith.constant 0 : i32
      %dma_wait3A_58 = arith.constant 0 : i32
      %dma_wait3A_59 = arith.constant 0 : i32
      %dma_wait3A_60 = tpu.memref_slice %arg9[%dma_wait3A, %dma_wait3A_58, %dma_wait3A_59] : memref<2x128x128xf32, #tpu.memory_space<vmem>> -> memref<1x128x128xf32, #tpu.memory_space<vmem>>
      %dma_wait3A_61 = tpu.memref_squeeze %dma_wait3A_60 : memref<1x128x128xf32, #tpu.memory_space<vmem>> -> memref<128x128xf32, #tpu.memory_space<vmem>>
      %dma_wait3A_62 = arith.constant 0 : i32
      %dma_wait3A_63 = tpu.memref_slice %arg7[%add3A_44, %dma_wait3A_62] : memref<80x128xi32, #tpu.memory_space<vmem>> -> memref<1x128xi32, #tpu.memory_space<vmem>>
      %dma_wait3A_64 = tpu.memref_squeeze %dma_wait3A_63 : memref<1x128xi32, #tpu.memory_space<vmem>> -> memref<128xi32, #tpu.memory_space<vmem>>
      %dma_wait3A_65 = arith.constant 0 : i32
      %dma_wait3A_66 = arith.constant 0 : i32
      %dma_wait3A_67 = tpu.memref_slice %arg2[%dma_wait3A_65, %dma_wait3A_66] : memref<10000x128xf32, #tpu.memory_space<hbm>> -> memref<10000x128xf32, #tpu.memory_space<hbm>>
      tpu.wait_indirect_dma semaphore(%arg11 : memref<!tpu.dma_semaphore, #tpu.memory_space<semaphore_mem>>) src(%dma_wait3A_67 : memref<10000x128xf32, #tpu.memory_space<hbm>>) dst(%dma_wait3A_61 : memref<128x128xf32, #tpu.memory_space<vmem>>)
      %mul3A_68 = arith.constant 2 : i32
      %mul3A_69 = arith.muli %mul3A_68, %scan3A_40 : i32
      %run_scoped3A = arith.constant 0 : i32
      "tpu.region"() ({
        %run_scoped3A_90 = tpu.sem_alloc : memref<!tpu.dma_semaphore, #tpu.memory_space<semaphore_mem>>
        %dma_start3A_91 = arith.constant 0 : i32
        %dma_start3A_92 = arith.constant 0 : i32
        %dma_start3A_93 = tpu.memref_slice %arg9[%run_scoped3A, %dma_start3A_91, %dma_start3A_92] : memref<2x128x128xf32, #tpu.memory_space<vmem>> -> memref<1x128x128xf32, #tpu.memory_space<vmem>>
        %dma_start3A_94 = tpu.memref_squeeze %dma_start3A_93 : memref<1x128x128xf32, #tpu.memory_space<vmem>> -> memref<128x128xf32, #tpu.memory_space<vmem>>
        %dma_start3A_95 = arith.constant 0 : i32
        %dma_start3A_96 = tpu.memref_slice %arg8[%mul3A_69, %dma_start3A_95] : memref<40x128xi32, #tpu.memory_space<vmem>> -> memref<1x128xi32, #tpu.memory_space<vmem>>
        %dma_start3A_97 = tpu.memref_squeeze %dma_start3A_96 : memref<1x128xi32, #tpu.memory_space<vmem>> -> memref<128xi32, #tpu.memory_space<vmem>>
        %dma_start3A_98 = arith.constant 0 : i32
        %dma_start3A_99 = arith.constant 0 : i32
        %dma_start3A_100 = tpu.memref_slice %arg10[%dma_start3A_98, %dma_start3A_99] : memref<10112x128xf32, #tpu.memory_space<vmem_shared>> -> memref<10112x128xf32, #tpu.memory_space<vmem_shared>>
        tpu.enqueue_indirect_dma source(%dma_start3A_94 : memref<128x128xf32, #tpu.memory_space<vmem>>) target(%dma_start3A_100 : memref<10112x128xf32, #tpu.memory_space<vmem_shared>>) offsets(%dma_start3A_97 : memref<128xi32, #tpu.memory_space<vmem>>) semaphore(%run_scoped3A_90 : memref<!tpu.dma_semaphore, #tpu.memory_space<semaphore_mem>>) {add = true}
        %dma_wait3A_101 = arith.constant 0 : i32
        %dma_wait3A_102 = arith.constant 0 : i32
        %dma_wait3A_103 = tpu.memref_slice %arg9[%run_scoped3A, %dma_wait3A_101, %dma_wait3A_102] : memref<2x128x128xf32, #tpu.memory_space<vmem>> -> memref<1x128x128xf32, #tpu.memory_space<vmem>>
        %dma_wait3A_104 = tpu.memref_squeeze %dma_wait3A_103 : memref<1x128x128xf32, #tpu.memory_space<vmem>> -> memref<128x128xf32, #tpu.memory_space<vmem>>
        %dma_wait3A_105 = arith.constant 0 : i32
        %dma_wait3A_106 = tpu.memref_slice %arg8[%mul3A_69, %dma_wait3A_105] : memref<40x128xi32, #tpu.memory_space<vmem>> -> memref<1x128xi32, #tpu.memory_space<vmem>>
        %dma_wait3A_107 = tpu.memref_squeeze %dma_wait3A_106 : memref<1x128xi32, #tpu.memory_space<vmem>> -> memref<128xi32, #tpu.memory_space<vmem>>
        %dma_wait3A_108 = arith.constant 0 : i32
        %dma_wait3A_109 = arith.constant 0 : i32
        %dma_wait3A_110 = tpu.memref_slice %arg10[%dma_wait3A_108, %dma_wait3A_109] : memref<10112x128xf32, #tpu.memory_space<vmem_shared>> -> memref<10112x128xf32, #tpu.memory_space<vmem_shared>>
        tpu.wait_indirect_dma semaphore(%run_scoped3A_90 : memref<!tpu.dma_semaphore, #tpu.memory_space<semaphore_mem>>) src(%dma_wait3A_104 : memref<128x128xf32, #tpu.memory_space<vmem>>) dst(%dma_wait3A_110 : memref<10112x128xf32, #tpu.memory_space<vmem_shared>>)
        tpu.yield
      }) : () -> ()
      %add3A_70 = arith.constant 2 : i32
      %add3A_71 = arith.addi %add3A_44, %add3A_70 : i32
      %lt3A = arith.constant 80 : i32
      %lt3A_72 = arith.cmpi slt, %add3A_71, %lt3A : i32
      %convert_element_type3A = arith.extui %lt3A_72 : i1 to i32
      %cond3A = arith.constant 0 : i32
      %cond3A_73 = arith.cmpi ne, %convert_element_type3A, %cond3A : i32
      scf.if %cond3A_73 {
        %add3A_90 = arith.constant 2 : i32
        %add3A_91 = arith.addi %add3A_44, %add3A_90 : i32
        %dma_start3A_92 = arith.constant 0 : i32
        %dma_start3A_93 = arith.constant 0 : i32
        %dma_start3A_94 = arith.constant 0 : i32
        %dma_start3A_95 = tpu.memref_slice %arg9[%dma_start3A_92, %dma_start3A_93, %dma_start3A_94] : memref<2x128x128xf32, #tpu.memory_space<vmem>> -> memref<1x128x128xf32, #tpu.memory_space<vmem>>
        %dma_start3A_96 = tpu.memref_squeeze %dma_start3A_95 : memref<1x128x128xf32, #tpu.memory_space<vmem>> -> memref<128x128xf32, #tpu.memory_space<vmem>>
        %dma_start3A_97 = arith.constant 0 : i32
        %dma_start3A_98 = tpu.memref_slice %arg7[%add3A_91, %dma_start3A_97] : memref<80x128xi32, #tpu.memory_space<vmem>> -> memref<1x128xi32, #tpu.memory_space<vmem>>
        %dma_start3A_99 = tpu.memref_squeeze %dma_start3A_98 : memref<1x128xi32, #tpu.memory_space<vmem>> -> memref<128xi32, #tpu.memory_space<vmem>>
        %dma_start3A_100 = arith.constant 0 : i32
        %dma_start3A_101 = arith.constant 0 : i32
        %dma_start3A_102 = tpu.memref_slice %arg2[%dma_start3A_100, %dma_start3A_101] : memref<10000x128xf32, #tpu.memory_space<hbm>> -> memref<10000x128xf32, #tpu.memory_space<hbm>>
        tpu.enqueue_indirect_dma source(%dma_start3A_102 : memref<10000x128xf32, #tpu.memory_space<hbm>>) target(%dma_start3A_96 : memref<128x128xf32, #tpu.memory_space<vmem>>) offsets(%dma_start3A_99 : memref<128xi32, #tpu.memory_space<vmem>>) semaphore(%arg11 : memref<!tpu.dma_semaphore, #tpu.memory_space<semaphore_mem>>)
      } else {
      }
      %dma_wait3A_74 = arith.constant 1 : i32
      %dma_wait3A_75 = arith.constant 0 : i32
      %dma_wait3A_76 = arith.constant 0 : i32
      %dma_wait3A_77 = tpu.memref_slice %arg9[%dma_wait3A_74, %dma_wait3A_75, %dma_wait3A_76] : memref<2x128x128xf32, #tpu.memory_space<vmem>> -> memref<1x128x128xf32, #tpu.memory_space<vmem>>
      %dma_wait3A_78 = tpu.memref_squeeze %dma_wait3A_77 : memref<1x128x128xf32, #tpu.memory_space<vmem>> -> memref<128x128xf32, #tpu.memory_space<vmem>>
      %dma_wait3A_79 = arith.constant 0 : i32
      %dma_wait3A_80 = tpu.memref_slice %arg7[%add3A_46, %dma_wait3A_79] : memref<80x128xi32, #tpu.memory_space<vmem>> -> memref<1x128xi32, #tpu.memory_space<vmem>>
      %dma_wait3A_81 = tpu.memref_squeeze %dma_wait3A_80 : memref<1x128xi32, #tpu.memory_space<vmem>> -> memref<128xi32, #tpu.memory_space<vmem>>
      %dma_wait3A_82 = arith.constant 0 : i32
      %dma_wait3A_83 = arith.constant 0 : i32
      %dma_wait3A_84 = tpu.memref_slice %arg2[%dma_wait3A_82, %dma_wait3A_83] : memref<10000x128xf32, #tpu.memory_space<hbm>> -> memref<10000x128xf32, #tpu.memory_space<hbm>>
      tpu.wait_indirect_dma semaphore(%arg12 : memref<!tpu.dma_semaphore, #tpu.memory_space<semaphore_mem>>) src(%dma_wait3A_84 : memref<10000x128xf32, #tpu.memory_space<hbm>>) dst(%dma_wait3A_78 : memref<128x128xf32, #tpu.memory_space<vmem>>)
      %mul3A_85 = arith.constant 2 : i32
      %mul3A_86 = arith.muli %mul3A_85, %scan3A_40 : i32
      %add3A_87 = arith.constant 1 : i32
      %add3A_88 = arith.addi %mul3A_86, %add3A_87 : i32
      %run_scoped3A_89 = arith.constant 1 : i32
      "tpu.region"() ({
        %run_scoped3A_90 = tpu.sem_alloc : memref<!tpu.dma_semaphore, #tpu.memory_space<semaphore_mem>>
        %dma_start3A_91 = arith.constant 0 : i32
        %dma_start3A_92 = arith.constant 0 : i32
        %dma_start3A_93 = tpu.memref_slice %arg9[%run_scoped3A_89, %dma_start3A_91, %dma_start3A_92] : memref<2x128x128xf32, #tpu.memory_space<vmem>> -> memref<1x128x128xf32, #tpu.memory_space<vmem>>
        %dma_start3A_94 = tpu.memref_squeeze %dma_start3A_93 : memref<1x128x128xf32, #tpu.memory_space<vmem>> -> memref<128x128xf32, #tpu.memory_space<vmem>>
        %dma_start3A_95 = arith.constant 0 : i32
        %dma_start3A_96 = tpu.memref_slice %arg8[%add3A_88, %dma_start3A_95] : memref<40x128xi32, #tpu.memory_space<vmem>> -> memref<1x128xi32, #tpu.memory_space<vmem>>
        %dma_start3A_97 = tpu.memref_squeeze %dma_start3A_96 : memref<1x128xi32, #tpu.memory_space<vmem>> -> memref<128xi32, #tpu.memory_space<vmem>>
        %dma_start3A_98 = arith.constant 0 : i32
        %dma_start3A_99 = arith.constant 0 : i32
        %dma_start3A_100 = tpu.memref_slice %arg10[%dma_start3A_98, %dma_start3A_99] : memref<10112x128xf32, #tpu.memory_space<vmem_shared>> -> memref<10112x128xf32, #tpu.memory_space<vmem_shared>>
        tpu.enqueue_indirect_dma source(%dma_start3A_94 : memref<128x128xf32, #tpu.memory_space<vmem>>) target(%dma_start3A_100 : memref<10112x128xf32, #tpu.memory_space<vmem_shared>>) offsets(%dma_start3A_97 : memref<128xi32, #tpu.memory_space<vmem>>) semaphore(%run_scoped3A_90 : memref<!tpu.dma_semaphore, #tpu.memory_space<semaphore_mem>>) {add = true}
        %dma_wait3A_101 = arith.constant 0 : i32
        %dma_wait3A_102 = arith.constant 0 : i32
        %dma_wait3A_103 = tpu.memref_slice %arg9[%run_scoped3A_89, %dma_wait3A_101, %dma_wait3A_102] : memref<2x128x128xf32, #tpu.memory_space<vmem>> -> memref<1x128x128xf32, #tpu.memory_space<vmem>>
        %dma_wait3A_104 = tpu.memref_squeeze %dma_wait3A_103 : memref<1x128x128xf32, #tpu.memory_space<vmem>> -> memref<128x128xf32, #tpu.memory_space<vmem>>
        %dma_wait3A_105 = arith.constant 0 : i32
        %dma_wait3A_106 = tpu.memref_slice %arg8[%add3A_88, %dma_wait3A_105] : memref<40x128xi32, #tpu.memory_space<vmem>> -> memref<1x128xi32, #tpu.memory_space<vmem>>
        %dma_wait3A_107 = tpu.memref_squeeze %dma_wait3A_106 : memref<1x128xi32, #tpu.memory_space<vmem>> -> memref<128xi32, #tpu.memory_space<vmem>>
        %dma_wait3A_108 = arith.constant 0 : i32
        %dma_wait3A_109 = arith.constant 0 : i32
        %dma_wait3A_110 = tpu.memref_slice %arg10[%dma_wait3A_108, %dma_wait3A_109] : memref<10112x128xf32, #tpu.memory_space<vmem_shared>> -> memref<10112x128xf32, #tpu.memory_space<vmem_shared>>
        tpu.wait_indirect_dma semaphore(%run_scoped3A_90 : memref<!tpu.dma_semaphore, #tpu.memory_space<semaphore_mem>>) src(%dma_wait3A_104 : memref<128x128xf32, #tpu.memory_space<vmem>>) dst(%dma_wait3A_110 : memref<10112x128xf32, #tpu.memory_space<vmem_shared>>)
        tpu.yield
      }) : () -> ()
    }
    %scan3A_34 = arith.constant 20 : i32
    %barrier3A_35 = arith.constant 0 : index
    tpu.barrier barrier_id(%barrier3A_35)
    %mul3A_36 = arith.constant 632 : i32
    %mul3A_37 = arith.muli %arg1, %mul3A_36 : i32
    %mul3A_38 = arith.constant 632 : i32
    %mul3A_39 = arith.muli %arg1, %mul3A_38 : i32
    "tpu.region"() ({
      %run_scoped3A = tpu.sem_alloc : memref<!tpu.dma_semaphore, #tpu.memory_space<semaphore_mem>>
      %dma_start3A_40 = arith.constant 0 : i32
      %dma_start3A_41 = tpu.memref_slice %arg6[%arg0, %mul3A_39, %dma_start3A_40] : memref<2x10112x128xf32, #tpu.memory_space<hbm>> -> memref<1x632x128xf32, #tpu.memory_space<hbm>>
      %dma_start3A_42 = tpu.memref_squeeze %dma_start3A_41 : memref<1x632x128xf32, #tpu.memory_space<hbm>> -> memref<632x128xf32, #tpu.memory_space<hbm>>
      %dma_start3A_43 = arith.constant 0 : i32
      %dma_start3A_44 = tpu.memref_slice %arg10[%mul3A_37, %dma_start3A_43] : memref<10112x128xf32, #tpu.memory_space<vmem_shared>> -> memref<632x128xf32, #tpu.memory_space<vmem_shared>>
      tpu.enqueue_dma source(%dma_start3A_44 : memref<632x128xf32, #tpu.memory_space<vmem_shared>>) target(%dma_start3A_42 : memref<632x128xf32, #tpu.memory_space<hbm>>) target_semaphore(%run_scoped3A : memref<!tpu.dma_semaphore, #tpu.memory_space<semaphore_mem>>)
      %dma_wait3A = arith.constant 0 : i32
      %dma_wait3A_45 = tpu.memref_slice %arg6[%arg0, %mul3A_39, %dma_wait3A] : memref<2x10112x128xf32, #tpu.memory_space<hbm>> -> memref<1x632x128xf32, #tpu.memory_space<hbm>>
      %dma_wait3A_46 = tpu.memref_squeeze %dma_wait3A_45 : memref<1x632x128xf32, #tpu.memory_space<hbm>> -> memref<632x128xf32, #tpu.memory_space<hbm>>
      %dma_wait3A_47 = arith.constant 0 : i32
      %dma_wait3A_48 = tpu.memref_slice %arg10[%mul3A_37, %dma_wait3A_47] : memref<10112x128xf32, #tpu.memory_space<vmem_shared>> -> memref<632x128xf32, #tpu.memory_space<vmem_shared>>
      tpu.wait_dma2 semaphore(%run_scoped3A : memref<!tpu.dma_semaphore, #tpu.memory_space<semaphore_mem>>) src(%dma_wait3A_48 : memref<632x128xf32, #tpu.memory_space<vmem_shared>>) dst(%dma_wait3A_46 : memref<632x128xf32, #tpu.memory_space<hbm>>)
      tpu.yield
    }) : () -> ()
    return
  }
}

#map = affine_map<(d0, d1) -> (0, 0)>
#map1 = affine_map<(d0, d1) -> (0, 0, 0)>
module attributes {stable_mosaic.version = 14 : i64} {
  func.func @_sc_scatter_body(%arg0: i32, %arg1: i32, %arg2: memref<10000x128xf32, #tpu.memory_space<hbm>>, %arg3: memref<2560x128xi32, #tpu.memory_space<hbm>>, %arg4: memref<2560x128xi32, #tpu.memory_space<hbm>>, %arg5: memref<632x128xf32, #tpu.memory_space<hbm>>, %arg6: memref<2x10112x128xf32, #tpu.memory_space<hbm>>, %arg7: memref<80x128xi32, #tpu.memory_space<vmem>>, %arg8: memref<40x128xi32, #tpu.memory_space<vmem>>, %arg9: memref<2x128x128xf32, #tpu.memory_space<vmem>>, %arg10: memref<10112x128xf32, #tpu.memory_space<vmem_shared>>, %arg11: memref<!tpu.dma_semaphore, #tpu.memory_space<semaphore_mem>>, %arg12: memref<!tpu.dma_semaphore, #tpu.memory_space<semaphore_mem>>) attributes {dimension_semantics = [#tpu.dimension_semantics<core_parallel>, #tpu.dimension_semantics<subcore_parallel>], iteration_bounds = array<i64: 2, 16>, scalar_prefetch = 0 : i64, scratch_operands = 6 : i64, tpu.core_type = #tpu.core_type<sc_vector_subcore>, window_params = [{transform_indices = #map}, {transform_indices = #map}, {transform_indices = #map}, {transform_indices = #map}, {transform_indices = #map1}]} {
    %mul3A = arith.constant 632 : i32
    %mul3A_0 = arith.muli %arg1, %mul3A : i32
    "tpu.region"() ({
      %run_scoped3A = tpu.sem_alloc : memref<!tpu.dma_semaphore, #tpu.memory_space<semaphore_mem>>
      %dma_start3A_40 = arith.constant 0 : i32
      %dma_start3A_41 = tpu.memref_slice %arg10[%mul3A_0, %dma_start3A_40] : memref<10112x128xf32, #tpu.memory_space<vmem_shared>> -> memref<632x128xf32, #tpu.memory_space<vmem_shared>>
      tpu.enqueue_dma source(%arg5 : memref<632x128xf32, #tpu.memory_space<hbm>>) target(%dma_start3A_41 : memref<632x128xf32, #tpu.memory_space<vmem_shared>>) target_semaphore(%run_scoped3A : memref<!tpu.dma_semaphore, #tpu.memory_space<semaphore_mem>>)
      %dma_wait3A = arith.constant 0 : i32
      %dma_wait3A_42 = tpu.memref_slice %arg10[%mul3A_0, %dma_wait3A] : memref<10112x128xf32, #tpu.memory_space<vmem_shared>> -> memref<632x128xf32, #tpu.memory_space<vmem_shared>>
      tpu.wait_dma2 semaphore(%run_scoped3A : memref<!tpu.dma_semaphore, #tpu.memory_space<semaphore_mem>>) src(%arg5 : memref<632x128xf32, #tpu.memory_space<hbm>>) dst(%dma_wait3A_42 : memref<632x128xf32, #tpu.memory_space<vmem_shared>>)
      tpu.yield
    }) : () -> ()
    %barrier3A = arith.constant 0 : index
    tpu.barrier barrier_id(%barrier3A)
    %mul3A_1 = arith.constant 2 : i32
    %mul3A_2 = arith.muli %arg1, %mul3A_1 : i32
    %add3A = arith.addi %mul3A_2, %arg0 : i32
    %mul3A_3 = arith.constant 80 : i32
    %mul3A_4 = arith.muli %add3A, %mul3A_3 : i32
    "tpu.region"() ({
      %run_scoped3A = tpu.sem_alloc : memref<!tpu.dma_semaphore, #tpu.memory_space<semaphore_mem>>
      %dma_start3A_40 = arith.constant 0 : i32
      %dma_start3A_41 = tpu.memref_slice %arg3[%mul3A_4, %dma_start3A_40] : memref<2560x128xi32, #tpu.memory_space<hbm>> -> memref<80x128xi32, #tpu.memory_space<hbm>>
      %dma_start3A_42 = arith.constant 0 : i32
      %dma_start3A_43 = tpu.memref_slice %arg3[%mul3A_4, %dma_start3A_42] : memref<2560x128xi32, #tpu.memory_space<hbm>> -> memref<80x128xi32, #tpu.memory_space<hbm>>
      tpu.enqueue_dma source(%dma_start3A_43 : memref<80x128xi32, #tpu.memory_space<hbm>>) target(%arg7 : memref<80x128xi32, #tpu.memory_space<vmem>>) target_semaphore(%run_scoped3A : memref<!tpu.dma_semaphore, #tpu.memory_space<semaphore_mem>>)
      %dma_wait3A = arith.constant 0 : i32
      %dma_wait3A_44 = tpu.memref_slice %arg3[%mul3A_4, %dma_wait3A] : memref<2560x128xi32, #tpu.memory_space<hbm>> -> memref<80x128xi32, #tpu.memory_space<hbm>>
      %dma_wait3A_45 = arith.constant 0 : i32
      %dma_wait3A_46 = tpu.memref_slice %arg3[%mul3A_4, %dma_wait3A_45] : memref<2560x128xi32, #tpu.memory_space<hbm>> -> memref<80x128xi32, #tpu.memory_space<hbm>>
      tpu.wait_dma2 semaphore(%run_scoped3A : memref<!tpu.dma_semaphore, #tpu.memory_space<semaphore_mem>>) src(%dma_wait3A_46 : memref<80x128xi32, #tpu.memory_space<hbm>>) dst(%arg7 : memref<80x128xi32, #tpu.memory_space<vmem>>)
      tpu.yield
    }) : () -> ()
    %dma_start3A = arith.constant 0 : i32
    %dma_start3A_5 = arith.constant 0 : i32
    %dma_start3A_6 = arith.constant 0 : i32
    %dma_start3A_7 = arith.constant 0 : i32
    %dma_start3A_8 = tpu.memref_slice %arg9[%dma_start3A_5, %dma_start3A_6, %dma_start3A_7] : memref<2x128x128xf32, #tpu.memory_space<vmem>> -> memref<1x128x128xf32, #tpu.memory_space<vmem>>
    %dma_start3A_9 = tpu.memref_squeeze %dma_start3A_8 : memref<1x128x128xf32, #tpu.memory_space<vmem>> -> memref<128x128xf32, #tpu.memory_space<vmem>>
    %dma_start3A_10 = arith.constant 0 : i32
    %dma_start3A_11 = tpu.memref_slice %arg7[%dma_start3A, %dma_start3A_10] : memref<80x128xi32, #tpu.memory_space<vmem>> -> memref<1x128xi32, #tpu.memory_space<vmem>>
    %dma_start3A_12 = tpu.memref_squeeze %dma_start3A_11 : memref<1x128xi32, #tpu.memory_space<vmem>> -> memref<128xi32, #tpu.memory_space<vmem>>
    %dma_start3A_13 = arith.constant 0 : i32
    %dma_start3A_14 = arith.constant 0 : i32
    %dma_start3A_15 = tpu.memref_slice %arg2[%dma_start3A_13, %dma_start3A_14] : memref<10000x128xf32, #tpu.memory_space<hbm>> -> memref<10000x128xf32, #tpu.memory_space<hbm>>
    tpu.enqueue_indirect_dma source(%dma_start3A_15 : memref<10000x128xf32, #tpu.memory_space<hbm>>) target(%dma_start3A_9 : memref<128x128xf32, #tpu.memory_space<vmem>>) offsets(%dma_start3A_12 : memref<128xi32, #tpu.memory_space<vmem>>) semaphore(%arg11 : memref<!tpu.dma_semaphore, #tpu.memory_space<semaphore_mem>>)
    %mul3A_16 = arith.constant 80 : i32
    %mul3A_17 = arith.muli %add3A, %mul3A_16 : i32
    %add3A_18 = arith.constant 0 : i32
    %add3A_19 = arith.addi %mul3A_17, %add3A_18 : i32
    "tpu.region"() ({
      %run_scoped3A = tpu.sem_alloc : memref<!tpu.dma_semaphore, #tpu.memory_space<semaphore_mem>>
      %dma_start3A_40 = arith.constant 0 : i32
      %dma_start3A_41 = tpu.memref_slice %arg4[%add3A_19, %dma_start3A_40] : memref<2560x128xi32, #tpu.memory_space<hbm>> -> memref<40x128xi32, #tpu.memory_space<hbm>>
      %dma_start3A_42 = arith.constant 0 : i32
      %dma_start3A_43 = tpu.memref_slice %arg4[%add3A_19, %dma_start3A_42] : memref<2560x128xi32, #tpu.memory_space<hbm>> -> memref<40x128xi32, #tpu.memory_space<hbm>>
      tpu.enqueue_dma source(%dma_start3A_43 : memref<40x128xi32, #tpu.memory_space<hbm>>) target(%arg8 : memref<40x128xi32, #tpu.memory_space<vmem>>) target_semaphore(%run_scoped3A : memref<!tpu.dma_semaphore, #tpu.memory_space<semaphore_mem>>)
      %dma_wait3A = arith.constant 0 : i32
      %dma_wait3A_44 = tpu.memref_slice %arg4[%add3A_19, %dma_wait3A] : memref<2560x128xi32, #tpu.memory_space<hbm>> -> memref<40x128xi32, #tpu.memory_space<hbm>>
      %dma_wait3A_45 = arith.constant 0 : i32
      %dma_wait3A_46 = tpu.memref_slice %arg4[%add3A_19, %dma_wait3A_45] : memref<2560x128xi32, #tpu.memory_space<hbm>> -> memref<40x128xi32, #tpu.memory_space<hbm>>
      tpu.wait_dma2 semaphore(%run_scoped3A : memref<!tpu.dma_semaphore, #tpu.memory_space<semaphore_mem>>) src(%dma_wait3A_46 : memref<40x128xi32, #tpu.memory_space<hbm>>) dst(%arg8 : memref<40x128xi32, #tpu.memory_space<vmem>>)
      tpu.yield
    }) : () -> ()
    %scan3A = arith.constant 0 : i32
    %scan3A_20 = arith.constant 0 : i32
    %scan3A_21 = arith.constant 20 : i32
    %scan3A_22 = arith.addi %scan3A_20, %scan3A_21 : i32
    %scan3A_23 = arith.constant 1 : i32
    scf.for %scan3A_40 = %scan3A_20 to %scan3A_22 step %scan3A_23  : i32 {
      %mul3A_41 = arith.constant 2 : i32
      %mul3A_42 = arith.muli %mul3A_41, %scan3A_40 : i32
      %add3A_43 = arith.constant 0 : i32
      %add3A_44 = arith.addi %add3A_43, %mul3A_42 : i32
      %add3A_45 = arith.constant 1 : i32
      %add3A_46 = arith.addi %add3A_44, %add3A_45 : i32
      %dma_start3A_47 = arith.constant 1 : i32
      %dma_start3A_48 = arith.constant 0 : i32
      %dma_start3A_49 = arith.constant 0 : i32
      %dma_start3A_50 = tpu.memref_slice %arg9[%dma_start3A_47, %dma_start3A_48, %dma_start3A_49] : memref<2x128x128xf32, #tpu.memory_space<vmem>> -> memref<1x128x128xf32, #tpu.memory_space<vmem>>
      %dma_start3A_51 = tpu.memref_squeeze %dma_start3A_50 : memref<1x128x128xf32, #tpu.memory_space<vmem>> -> memref<128x128xf32, #tpu.memory_space<vmem>>
      %dma_start3A_52 = arith.constant 0 : i32
      %dma_start3A_53 = tpu.memref_slice %arg7[%add3A_46, %dma_start3A_52] : memref<80x128xi32, #tpu.memory_space<vmem>> -> memref<1x128xi32, #tpu.memory_space<vmem>>
      %dma_start3A_54 = tpu.memref_squeeze %dma_start3A_53 : memref<1x128xi32, #tpu.memory_space<vmem>> -> memref<128xi32, #tpu.memory_space<vmem>>
      %dma_start3A_55 = arith.constant 0 : i32
      %dma_start3A_56 = arith.constant 0 : i32
      %dma_start3A_57 = tpu.memref_slice %arg2[%dma_start3A_55, %dma_start3A_56] : memref<10000x128xf32, #tpu.memory_space<hbm>> -> memref<10000x128xf32, #tpu.memory_space<hbm>>
      tpu.enqueue_indirect_dma source(%dma_start3A_57 : memref<10000x128xf32, #tpu.memory_space<hbm>>) target(%dma_start3A_51 : memref<128x128xf32, #tpu.memory_space<vmem>>) offsets(%dma_start3A_54 : memref<128xi32, #tpu.memory_space<vmem>>) semaphore(%arg12 : memref<!tpu.dma_semaphore, #tpu.memory_space<semaphore_mem>>)
      %dma_wait3A = arith.constant 0 : i32
      %dma_wait3A_58 = arith.constant 0 : i32
      %dma_wait3A_59 = arith.constant 0 : i32
      %dma_wait3A_60 = tpu.memref_slice %arg9[%dma_wait3A, %dma_wait3A_58, %dma_wait3A_59] : memref<2x128x128xf32, #tpu.memory_space<vmem>> -> memref<1x128x128xf32, #tpu.memory_space<vmem>>
      %dma_wait3A_61 = tpu.memref_squeeze %dma_wait3A_60 : memref<1x128x128xf32, #tpu.memory_space<vmem>> -> memref<128x128xf32, #tpu.memory_space<vmem>>
      %dma_wait3A_62 = arith.constant 0 : i32
      %dma_wait3A_63 = tpu.memref_slice %arg7[%add3A_44, %dma_wait3A_62] : memref<80x128xi32, #tpu.memory_space<vmem>> -> memref<1x128xi32, #tpu.memory_space<vmem>>
      %dma_wait3A_64 = tpu.memref_squeeze %dma_wait3A_63 : memref<1x128xi32, #tpu.memory_space<vmem>> -> memref<128xi32, #tpu.memory_space<vmem>>
      %dma_wait3A_65 = arith.constant 0 : i32
      %dma_wait3A_66 = arith.constant 0 : i32
      %dma_wait3A_67 = tpu.memref_slice %arg2[%dma_wait3A_65, %dma_wait3A_66] : memref<10000x128xf32, #tpu.memory_space<hbm>> -> memref<10000x128xf32, #tpu.memory_space<hbm>>
      tpu.wait_indirect_dma semaphore(%arg11 : memref<!tpu.dma_semaphore, #tpu.memory_space<semaphore_mem>>) src(%dma_wait3A_67 : memref<10000x128xf32, #tpu.memory_space<hbm>>) dst(%dma_wait3A_61 : memref<128x128xf32, #tpu.memory_space<vmem>>)
      %mul3A_68 = arith.constant 2 : i32
      %mul3A_69 = arith.muli %mul3A_68, %scan3A_40 : i32
      %run_scoped3A = arith.constant 0 : i32
      "tpu.region"() ({
        %run_scoped3A_90 = tpu.sem_alloc : memref<!tpu.dma_semaphore, #tpu.memory_space<semaphore_mem>>
        %dma_start3A_91 = arith.constant 0 : i32
        %dma_start3A_92 = arith.constant 0 : i32
        %dma_start3A_93 = tpu.memref_slice %arg9[%run_scoped3A, %dma_start3A_91, %dma_start3A_92] : memref<2x128x128xf32, #tpu.memory_space<vmem>> -> memref<1x128x128xf32, #tpu.memory_space<vmem>>
        %dma_start3A_94 = tpu.memref_squeeze %dma_start3A_93 : memref<1x128x128xf32, #tpu.memory_space<vmem>> -> memref<128x128xf32, #tpu.memory_space<vmem>>
        %dma_start3A_95 = arith.constant 0 : i32
        %dma_start3A_96 = tpu.memref_slice %arg8[%mul3A_69, %dma_start3A_95] : memref<40x128xi32, #tpu.memory_space<vmem>> -> memref<1x128xi32, #tpu.memory_space<vmem>>
        %dma_start3A_97 = tpu.memref_squeeze %dma_start3A_96 : memref<1x128xi32, #tpu.memory_space<vmem>> -> memref<128xi32, #tpu.memory_space<vmem>>
        %dma_start3A_98 = arith.constant 0 : i32
        %dma_start3A_99 = arith.constant 0 : i32
        %dma_start3A_100 = tpu.memref_slice %arg10[%dma_start3A_98, %dma_start3A_99] : memref<10112x128xf32, #tpu.memory_space<vmem_shared>> -> memref<10112x128xf32, #tpu.memory_space<vmem_shared>>
        tpu.enqueue_indirect_dma source(%dma_start3A_94 : memref<128x128xf32, #tpu.memory_space<vmem>>) target(%dma_start3A_100 : memref<10112x128xf32, #tpu.memory_space<vmem_shared>>) offsets(%dma_start3A_97 : memref<128xi32, #tpu.memory_space<vmem>>) semaphore(%run_scoped3A_90 : memref<!tpu.dma_semaphore, #tpu.memory_space<semaphore_mem>>) {add = true}
        %dma_wait3A_101 = arith.constant 0 : i32
        %dma_wait3A_102 = arith.constant 0 : i32
        %dma_wait3A_103 = tpu.memref_slice %arg9[%run_scoped3A, %dma_wait3A_101, %dma_wait3A_102] : memref<2x128x128xf32, #tpu.memory_space<vmem>> -> memref<1x128x128xf32, #tpu.memory_space<vmem>>
        %dma_wait3A_104 = tpu.memref_squeeze %dma_wait3A_103 : memref<1x128x128xf32, #tpu.memory_space<vmem>> -> memref<128x128xf32, #tpu.memory_space<vmem>>
        %dma_wait3A_105 = arith.constant 0 : i32
        %dma_wait3A_106 = tpu.memref_slice %arg8[%mul3A_69, %dma_wait3A_105] : memref<40x128xi32, #tpu.memory_space<vmem>> -> memref<1x128xi32, #tpu.memory_space<vmem>>
        %dma_wait3A_107 = tpu.memref_squeeze %dma_wait3A_106 : memref<1x128xi32, #tpu.memory_space<vmem>> -> memref<128xi32, #tpu.memory_space<vmem>>
        %dma_wait3A_108 = arith.constant 0 : i32
        %dma_wait3A_109 = arith.constant 0 : i32
        %dma_wait3A_110 = tpu.memref_slice %arg10[%dma_wait3A_108, %dma_wait3A_109] : memref<10112x128xf32, #tpu.memory_space<vmem_shared>> -> memref<10112x128xf32, #tpu.memory_space<vmem_shared>>
        tpu.wait_indirect_dma semaphore(%run_scoped3A_90 : memref<!tpu.dma_semaphore, #tpu.memory_space<semaphore_mem>>) src(%dma_wait3A_104 : memref<128x128xf32, #tpu.memory_space<vmem>>) dst(%dma_wait3A_110 : memref<10112x128xf32, #tpu.memory_space<vmem_shared>>)
        tpu.yield
      }) : () -> ()
      %add3A_70 = arith.constant 2 : i32
      %add3A_71 = arith.addi %add3A_44, %add3A_70 : i32
      %lt3A = arith.constant 80 : i32
      %lt3A_72 = arith.cmpi slt, %add3A_71, %lt3A : i32
      %convert_element_type3A = arith.extui %lt3A_72 : i1 to i32
      %cond3A = arith.constant 0 : i32
      %cond3A_73 = arith.cmpi ne, %convert_element_type3A, %cond3A : i32
      scf.if %cond3A_73 {
        %add3A_90 = arith.constant 2 : i32
        %add3A_91 = arith.addi %add3A_44, %add3A_90 : i32
        %dma_start3A_92 = arith.constant 0 : i32
        %dma_start3A_93 = arith.constant 0 : i32
        %dma_start3A_94 = arith.constant 0 : i32
        %dma_start3A_95 = tpu.memref_slice %arg9[%dma_start3A_92, %dma_start3A_93, %dma_start3A_94] : memref<2x128x128xf32, #tpu.memory_space<vmem>> -> memref<1x128x128xf32, #tpu.memory_space<vmem>>
        %dma_start3A_96 = tpu.memref_squeeze %dma_start3A_95 : memref<1x128x128xf32, #tpu.memory_space<vmem>> -> memref<128x128xf32, #tpu.memory_space<vmem>>
        %dma_start3A_97 = arith.constant 0 : i32
        %dma_start3A_98 = tpu.memref_slice %arg7[%add3A_91, %dma_start3A_97] : memref<80x128xi32, #tpu.memory_space<vmem>> -> memref<1x128xi32, #tpu.memory_space<vmem>>
        %dma_start3A_99 = tpu.memref_squeeze %dma_start3A_98 : memref<1x128xi32, #tpu.memory_space<vmem>> -> memref<128xi32, #tpu.memory_space<vmem>>
        %dma_start3A_100 = arith.constant 0 : i32
        %dma_start3A_101 = arith.constant 0 : i32
        %dma_start3A_102 = tpu.memref_slice %arg2[%dma_start3A_100, %dma_start3A_101] : memref<10000x128xf32, #tpu.memory_space<hbm>> -> memref<10000x128xf32, #tpu.memory_space<hbm>>
        tpu.enqueue_indirect_dma source(%dma_start3A_102 : memref<10000x128xf32, #tpu.memory_space<hbm>>) target(%dma_start3A_96 : memref<128x128xf32, #tpu.memory_space<vmem>>) offsets(%dma_start3A_99 : memref<128xi32, #tpu.memory_space<vmem>>) semaphore(%arg11 : memref<!tpu.dma_semaphore, #tpu.memory_space<semaphore_mem>>)
      } else {
      }
      %dma_wait3A_74 = arith.constant 1 : i32
      %dma_wait3A_75 = arith.constant 0 : i32
      %dma_wait3A_76 = arith.constant 0 : i32
      %dma_wait3A_77 = tpu.memref_slice %arg9[%dma_wait3A_74, %dma_wait3A_75, %dma_wait3A_76] : memref<2x128x128xf32, #tpu.memory_space<vmem>> -> memref<1x128x128xf32, #tpu.memory_space<vmem>>
      %dma_wait3A_78 = tpu.memref_squeeze %dma_wait3A_77 : memref<1x128x128xf32, #tpu.memory_space<vmem>> -> memref<128x128xf32, #tpu.memory_space<vmem>>
      %dma_wait3A_79 = arith.constant 0 : i32
      %dma_wait3A_80 = tpu.memref_slice %arg7[%add3A_46, %dma_wait3A_79] : memref<80x128xi32, #tpu.memory_space<vmem>> -> memref<1x128xi32, #tpu.memory_space<vmem>>
      %dma_wait3A_81 = tpu.memref_squeeze %dma_wait3A_80 : memref<1x128xi32, #tpu.memory_space<vmem>> -> memref<128xi32, #tpu.memory_space<vmem>>
      %dma_wait3A_82 = arith.constant 0 : i32
      %dma_wait3A_83 = arith.constant 0 : i32
      %dma_wait3A_84 = tpu.memref_slice %arg2[%dma_wait3A_82, %dma_wait3A_83] : memref<10000x128xf32, #tpu.memory_space<hbm>> -> memref<10000x128xf32, #tpu.memory_space<hbm>>
      tpu.wait_indirect_dma semaphore(%arg12 : memref<!tpu.dma_semaphore, #tpu.memory_space<semaphore_mem>>) src(%dma_wait3A_84 : memref<10000x128xf32, #tpu.memory_space<hbm>>) dst(%dma_wait3A_78 : memref<128x128xf32, #tpu.memory_space<vmem>>)
      %mul3A_85 = arith.constant 2 : i32
      %mul3A_86 = arith.muli %mul3A_85, %scan3A_40 : i32
      %add3A_87 = arith.constant 1 : i32
      %add3A_88 = arith.addi %mul3A_86, %add3A_87 : i32
      %run_scoped3A_89 = arith.constant 1 : i32
      "tpu.region"() ({
        %run_scoped3A_90 = tpu.sem_alloc : memref<!tpu.dma_semaphore, #tpu.memory_space<semaphore_mem>>
        %dma_start3A_91 = arith.constant 0 : i32
        %dma_start3A_92 = arith.constant 0 : i32
        %dma_start3A_93 = tpu.memref_slice %arg9[%run_scoped3A_89, %dma_start3A_91, %dma_start3A_92] : memref<2x128x128xf32, #tpu.memory_space<vmem>> -> memref<1x128x128xf32, #tpu.memory_space<vmem>>
        %dma_start3A_94 = tpu.memref_squeeze %dma_start3A_93 : memref<1x128x128xf32, #tpu.memory_space<vmem>> -> memref<128x128xf32, #tpu.memory_space<vmem>>
        %dma_start3A_95 = arith.constant 0 : i32
        %dma_start3A_96 = tpu.memref_slice %arg8[%add3A_88, %dma_start3A_95] : memref<40x128xi32, #tpu.memory_space<vmem>> -> memref<1x128xi32, #tpu.memory_space<vmem>>
        %dma_start3A_97 = tpu.memref_squeeze %dma_start3A_96 : memref<1x128xi32, #tpu.memory_space<vmem>> -> memref<128xi32, #tpu.memory_space<vmem>>
        %dma_start3A_98 = arith.constant 0 : i32
        %dma_start3A_99 = arith.constant 0 : i32
        %dma_start3A_100 = tpu.memref_slice %arg10[%dma_start3A_98, %dma_start3A_99] : memref<10112x128xf32, #tpu.memory_space<vmem_shared>> -> memref<10112x128xf32, #tpu.memory_space<vmem_shared>>
        tpu.enqueue_indirect_dma source(%dma_start3A_94 : memref<128x128xf32, #tpu.memory_space<vmem>>) target(%dma_start3A_100 : memref<10112x128xf32, #tpu.memory_space<vmem_shared>>) offsets(%dma_start3A_97 : memref<128xi32, #tpu.memory_space<vmem>>) semaphore(%run_scoped3A_90 : memref<!tpu.dma_semaphore, #tpu.memory_space<semaphore_mem>>) {add = true}
        %dma_wait3A_101 = arith.constant 0 : i32
        %dma_wait3A_102 = arith.constant 0 : i32
        %dma_wait3A_103 = tpu.memref_slice %arg9[%run_scoped3A_89, %dma_wait3A_101, %dma_wait3A_102] : memref<2x128x128xf32, #tpu.memory_space<vmem>> -> memref<1x128x128xf32, #tpu.memory_space<vmem>>
        %dma_wait3A_104 = tpu.memref_squeeze %dma_wait3A_103 : memref<1x128x128xf32, #tpu.memory_space<vmem>> -> memref<128x128xf32, #tpu.memory_space<vmem>>
        %dma_wait3A_105 = arith.constant 0 : i32
        %dma_wait3A_106 = tpu.memref_slice %arg8[%add3A_88, %dma_wait3A_105] : memref<40x128xi32, #tpu.memory_space<vmem>> -> memref<1x128xi32, #tpu.memory_space<vmem>>
        %dma_wait3A_107 = tpu.memref_squeeze %dma_wait3A_106 : memref<1x128xi32, #tpu.memory_space<vmem>> -> memref<128xi32, #tpu.memory_space<vmem>>
        %dma_wait3A_108 = arith.constant 0 : i32
        %dma_wait3A_109 = arith.constant 0 : i32
        %dma_wait3A_110 = tpu.memref_slice %arg10[%dma_wait3A_108, %dma_wait3A_109] : memref<10112x128xf32, #tpu.memory_space<vmem_shared>> -> memref<10112x128xf32, #tpu.memory_space<vmem_shared>>
        tpu.wait_indirect_dma semaphore(%run_scoped3A_90 : memref<!tpu.dma_semaphore, #tpu.memory_space<semaphore_mem>>) src(%dma_wait3A_104 : memref<128x128xf32, #tpu.memory_space<vmem>>) dst(%dma_wait3A_110 : memref<10112x128xf32, #tpu.memory_space<vmem_shared>>)
        tpu.yield
      }) : () -> ()
    }
    %scan3A_24 = arith.constant 20 : i32
    %mul3A_25 = arith.constant 80 : i32
    %mul3A_26 = arith.muli %add3A, %mul3A_25 : i32
    %add3A_27 = arith.constant 40 : i32
    %add3A_28 = arith.addi %mul3A_26, %add3A_27 : i32
    "tpu.region"() ({
      %run_scoped3A = tpu.sem_alloc : memref<!tpu.dma_semaphore, #tpu.memory_space<semaphore_mem>>
      %dma_start3A_40 = arith.constant 0 : i32
      %dma_start3A_41 = tpu.memref_slice %arg4[%add3A_28, %dma_start3A_40] : memref<2560x128xi32, #tpu.memory_space<hbm>> -> memref<40x128xi32, #tpu.memory_space<hbm>>
      %dma_start3A_42 = arith.constant 0 : i32
      %dma_start3A_43 = tpu.memref_slice %arg4[%add3A_28, %dma_start3A_42] : memref<2560x128xi32, #tpu.memory_space<hbm>> -> memref<40x128xi32, #tpu.memory_space<hbm>>
      tpu.enqueue_dma source(%dma_start3A_43 : memref<40x128xi32, #tpu.memory_space<hbm>>) target(%arg8 : memref<40x128xi32, #tpu.memory_space<vmem>>) target_semaphore(%run_scoped3A : memref<!tpu.dma_semaphore, #tpu.memory_space<semaphore_mem>>)
      %dma_wait3A = arith.constant 0 : i32
      %dma_wait3A_44 = tpu.memref_slice %arg4[%add3A_28, %dma_wait3A] : memref<2560x128xi32, #tpu.memory_space<hbm>> -> memref<40x128xi32, #tpu.memory_space<hbm>>
      %dma_wait3A_45 = arith.constant 0 : i32
      %dma_wait3A_46 = tpu.memref_slice %arg4[%add3A_28, %dma_wait3A_45] : memref<2560x128xi32, #tpu.memory_space<hbm>> -> memref<40x128xi32, #tpu.memory_space<hbm>>
      tpu.wait_dma2 semaphore(%run_scoped3A : memref<!tpu.dma_semaphore, #tpu.memory_space<semaphore_mem>>) src(%dma_wait3A_46 : memref<40x128xi32, #tpu.memory_space<hbm>>) dst(%arg8 : memref<40x128xi32, #tpu.memory_space<vmem>>)
      tpu.yield
    }) : () -> ()
    %scan3A_29 = arith.constant 0 : i32
    %scan3A_30 = arith.constant 0 : i32
    %scan3A_31 = arith.constant 20 : i32
    %scan3A_32 = arith.addi %scan3A_30, %scan3A_31 : i32
    %scan3A_33 = arith.constant 1 : i32
    scf.for %scan3A_40 = %scan3A_30 to %scan3A_32 step %scan3A_33  : i32 {
      %mul3A_41 = arith.constant 2 : i32
      %mul3A_42 = arith.muli %mul3A_41, %scan3A_40 : i32
      %add3A_43 = arith.constant 40 : i32
      %add3A_44 = arith.addi %add3A_43, %mul3A_42 : i32
      %add3A_45 = arith.constant 1 : i32
      %add3A_46 = arith.addi %add3A_44, %add3A_45 : i32
      %dma_start3A_47 = arith.constant 1 : i32
      %dma_start3A_48 = arith.constant 0 : i32
      %dma_start3A_49 = arith.constant 0 : i32
      %dma_start3A_50 = tpu.memref_slice %arg9[%dma_start3A_47, %dma_start3A_48, %dma_start3A_49] : memref<2x128x128xf32, #tpu.memory_space<vmem>> -> memref<1x128x128xf32, #tpu.memory_space<vmem>>
      %dma_start3A_51 = tpu.memref_squeeze %dma_start3A_50 : memref<1x128x128xf32, #tpu.memory_space<vmem>> -> memref<128x128xf32, #tpu.memory_space<vmem>>
      %dma_start3A_52 = arith.constant 0 : i32
      %dma_start3A_53 = tpu.memref_slice %arg7[%add3A_46, %dma_start3A_52] : memref<80x128xi32, #tpu.memory_space<vmem>> -> memref<1x128xi32, #tpu.memory_space<vmem>>
      %dma_start3A_54 = tpu.memref_squeeze %dma_start3A_53 : memref<1x128xi32, #tpu.memory_space<vmem>> -> memref<128xi32, #tpu.memory_space<vmem>>
      %dma_start3A_55 = arith.constant 0 : i32
      %dma_start3A_56 = arith.constant 0 : i32
      %dma_start3A_57 = tpu.memref_slice %arg2[%dma_start3A_55, %dma_start3A_56] : memref<10000x128xf32, #tpu.memory_space<hbm>> -> memref<10000x128xf32, #tpu.memory_space<hbm>>
      tpu.enqueue_indirect_dma source(%dma_start3A_57 : memref<10000x128xf32, #tpu.memory_space<hbm>>) target(%dma_start3A_51 : memref<128x128xf32, #tpu.memory_space<vmem>>) offsets(%dma_start3A_54 : memref<128xi32, #tpu.memory_space<vmem>>) semaphore(%arg12 : memref<!tpu.dma_semaphore, #tpu.memory_space<semaphore_mem>>)
      %dma_wait3A = arith.constant 0 : i32
      %dma_wait3A_58 = arith.constant 0 : i32
      %dma_wait3A_59 = arith.constant 0 : i32
      %dma_wait3A_60 = tpu.memref_slice %arg9[%dma_wait3A, %dma_wait3A_58, %dma_wait3A_59] : memref<2x128x128xf32, #tpu.memory_space<vmem>> -> memref<1x128x128xf32, #tpu.memory_space<vmem>>
      %dma_wait3A_61 = tpu.memref_squeeze %dma_wait3A_60 : memref<1x128x128xf32, #tpu.memory_space<vmem>> -> memref<128x128xf32, #tpu.memory_space<vmem>>
      %dma_wait3A_62 = arith.constant 0 : i32
      %dma_wait3A_63 = tpu.memref_slice %arg7[%add3A_44, %dma_wait3A_62] : memref<80x128xi32, #tpu.memory_space<vmem>> -> memref<1x128xi32, #tpu.memory_space<vmem>>
      %dma_wait3A_64 = tpu.memref_squeeze %dma_wait3A_63 : memref<1x128xi32, #tpu.memory_space<vmem>> -> memref<128xi32, #tpu.memory_space<vmem>>
      %dma_wait3A_65 = arith.constant 0 : i32
      %dma_wait3A_66 = arith.constant 0 : i32
      %dma_wait3A_67 = tpu.memref_slice %arg2[%dma_wait3A_65, %dma_wait3A_66] : memref<10000x128xf32, #tpu.memory_space<hbm>> -> memref<10000x128xf32, #tpu.memory_space<hbm>>
      tpu.wait_indirect_dma semaphore(%arg11 : memref<!tpu.dma_semaphore, #tpu.memory_space<semaphore_mem>>) src(%dma_wait3A_67 : memref<10000x128xf32, #tpu.memory_space<hbm>>) dst(%dma_wait3A_61 : memref<128x128xf32, #tpu.memory_space<vmem>>)
      %mul3A_68 = arith.constant 2 : i32
      %mul3A_69 = arith.muli %mul3A_68, %scan3A_40 : i32
      %run_scoped3A = arith.constant 0 : i32
      "tpu.region"() ({
        %run_scoped3A_90 = tpu.sem_alloc : memref<!tpu.dma_semaphore, #tpu.memory_space<semaphore_mem>>
        %dma_start3A_91 = arith.constant 0 : i32
        %dma_start3A_92 = arith.constant 0 : i32
        %dma_start3A_93 = tpu.memref_slice %arg9[%run_scoped3A, %dma_start3A_91, %dma_start3A_92] : memref<2x128x128xf32, #tpu.memory_space<vmem>> -> memref<1x128x128xf32, #tpu.memory_space<vmem>>
        %dma_start3A_94 = tpu.memref_squeeze %dma_start3A_93 : memref<1x128x128xf32, #tpu.memory_space<vmem>> -> memref<128x128xf32, #tpu.memory_space<vmem>>
        %dma_start3A_95 = arith.constant 0 : i32
        %dma_start3A_96 = tpu.memref_slice %arg8[%mul3A_69, %dma_start3A_95] : memref<40x128xi32, #tpu.memory_space<vmem>> -> memref<1x128xi32, #tpu.memory_space<vmem>>
        %dma_start3A_97 = tpu.memref_squeeze %dma_start3A_96 : memref<1x128xi32, #tpu.memory_space<vmem>> -> memref<128xi32, #tpu.memory_space<vmem>>
        %dma_start3A_98 = arith.constant 0 : i32
        %dma_start3A_99 = arith.constant 0 : i32
        %dma_start3A_100 = tpu.memref_slice %arg10[%dma_start3A_98, %dma_start3A_99] : memref<10112x128xf32, #tpu.memory_space<vmem_shared>> -> memref<10112x128xf32, #tpu.memory_space<vmem_shared>>
        tpu.enqueue_indirect_dma source(%dma_start3A_94 : memref<128x128xf32, #tpu.memory_space<vmem>>) target(%dma_start3A_100 : memref<10112x128xf32, #tpu.memory_space<vmem_shared>>) offsets(%dma_start3A_97 : memref<128xi32, #tpu.memory_space<vmem>>) semaphore(%run_scoped3A_90 : memref<!tpu.dma_semaphore, #tpu.memory_space<semaphore_mem>>) {add = true}
        %dma_wait3A_101 = arith.constant 0 : i32
        %dma_wait3A_102 = arith.constant 0 : i32
        %dma_wait3A_103 = tpu.memref_slice %arg9[%run_scoped3A, %dma_wait3A_101, %dma_wait3A_102] : memref<2x128x128xf32, #tpu.memory_space<vmem>> -> memref<1x128x128xf32, #tpu.memory_space<vmem>>
        %dma_wait3A_104 = tpu.memref_squeeze %dma_wait3A_103 : memref<1x128x128xf32, #tpu.memory_space<vmem>> -> memref<128x128xf32, #tpu.memory_space<vmem>>
        %dma_wait3A_105 = arith.constant 0 : i32
        %dma_wait3A_106 = tpu.memref_slice %arg8[%mul3A_69, %dma_wait3A_105] : memref<40x128xi32, #tpu.memory_space<vmem>> -> memref<1x128xi32, #tpu.memory_space<vmem>>
        %dma_wait3A_107 = tpu.memref_squeeze %dma_wait3A_106 : memref<1x128xi32, #tpu.memory_space<vmem>> -> memref<128xi32, #tpu.memory_space<vmem>>
        %dma_wait3A_108 = arith.constant 0 : i32
        %dma_wait3A_109 = arith.constant 0 : i32
        %dma_wait3A_110 = tpu.memref_slice %arg10[%dma_wait3A_108, %dma_wait3A_109] : memref<10112x128xf32, #tpu.memory_space<vmem_shared>> -> memref<10112x128xf32, #tpu.memory_space<vmem_shared>>
        tpu.wait_indirect_dma semaphore(%run_scoped3A_90 : memref<!tpu.dma_semaphore, #tpu.memory_space<semaphore_mem>>) src(%dma_wait3A_104 : memref<128x128xf32, #tpu.memory_space<vmem>>) dst(%dma_wait3A_110 : memref<10112x128xf32, #tpu.memory_space<vmem_shared>>)
        tpu.yield
      }) : () -> ()
      %add3A_70 = arith.constant 2 : i32
      %add3A_71 = arith.addi %add3A_44, %add3A_70 : i32
      %lt3A = arith.constant 80 : i32
      %lt3A_72 = arith.cmpi slt, %add3A_71, %lt3A : i32
      %convert_element_type3A = arith.extui %lt3A_72 : i1 to i32
      %cond3A = arith.constant 0 : i32
      %cond3A_73 = arith.cmpi ne, %convert_element_type3A, %cond3A : i32
      scf.if %cond3A_73 {
        %add3A_90 = arith.constant 2 : i32
        %add3A_91 = arith.addi %add3A_44, %add3A_90 : i32
        %dma_start3A_92 = arith.constant 0 : i32
        %dma_start3A_93 = arith.constant 0 : i32
        %dma_start3A_94 = arith.constant 0 : i32
        %dma_start3A_95 = tpu.memref_slice %arg9[%dma_start3A_92, %dma_start3A_93, %dma_start3A_94] : memref<2x128x128xf32, #tpu.memory_space<vmem>> -> memref<1x128x128xf32, #tpu.memory_space<vmem>>
        %dma_start3A_96 = tpu.memref_squeeze %dma_start3A_95 : memref<1x128x128xf32, #tpu.memory_space<vmem>> -> memref<128x128xf32, #tpu.memory_space<vmem>>
        %dma_start3A_97 = arith.constant 0 : i32
        %dma_start3A_98 = tpu.memref_slice %arg7[%add3A_91, %dma_start3A_97] : memref<80x128xi32, #tpu.memory_space<vmem>> -> memref<1x128xi32, #tpu.memory_space<vmem>>
        %dma_start3A_99 = tpu.memref_squeeze %dma_start3A_98 : memref<1x128xi32, #tpu.memory_space<vmem>> -> memref<128xi32, #tpu.memory_space<vmem>>
        %dma_start3A_100 = arith.constant 0 : i32
        %dma_start3A_101 = arith.constant 0 : i32
        %dma_start3A_102 = tpu.memref_slice %arg2[%dma_start3A_100, %dma_start3A_101] : memref<10000x128xf32, #tpu.memory_space<hbm>> -> memref<10000x128xf32, #tpu.memory_space<hbm>>
        tpu.enqueue_indirect_dma source(%dma_start3A_102 : memref<10000x128xf32, #tpu.memory_space<hbm>>) target(%dma_start3A_96 : memref<128x128xf32, #tpu.memory_space<vmem>>) offsets(%dma_start3A_99 : memref<128xi32, #tpu.memory_space<vmem>>) semaphore(%arg11 : memref<!tpu.dma_semaphore, #tpu.memory_space<semaphore_mem>>)
      } else {
      }
      %dma_wait3A_74 = arith.constant 1 : i32
      %dma_wait3A_75 = arith.constant 0 : i32
      %dma_wait3A_76 = arith.constant 0 : i32
      %dma_wait3A_77 = tpu.memref_slice %arg9[%dma_wait3A_74, %dma_wait3A_75, %dma_wait3A_76] : memref<2x128x128xf32, #tpu.memory_space<vmem>> -> memref<1x128x128xf32, #tpu.memory_space<vmem>>
      %dma_wait3A_78 = tpu.memref_squeeze %dma_wait3A_77 : memref<1x128x128xf32, #tpu.memory_space<vmem>> -> memref<128x128xf32, #tpu.memory_space<vmem>>
      %dma_wait3A_79 = arith.constant 0 : i32
      %dma_wait3A_80 = tpu.memref_slice %arg7[%add3A_46, %dma_wait3A_79] : memref<80x128xi32, #tpu.memory_space<vmem>> -> memref<1x128xi32, #tpu.memory_space<vmem>>
      %dma_wait3A_81 = tpu.memref_squeeze %dma_wait3A_80 : memref<1x128xi32, #tpu.memory_space<vmem>> -> memref<128xi32, #tpu.memory_space<vmem>>
      %dma_wait3A_82 = arith.constant 0 : i32
      %dma_wait3A_83 = arith.constant 0 : i32
      %dma_wait3A_84 = tpu.memref_slice %arg2[%dma_wait3A_82, %dma_wait3A_83] : memref<10000x128xf32, #tpu.memory_space<hbm>> -> memref<10000x128xf32, #tpu.memory_space<hbm>>
      tpu.wait_indirect_dma semaphore(%arg12 : memref<!tpu.dma_semaphore, #tpu.memory_space<semaphore_mem>>) src(%dma_wait3A_84 : memref<10000x128xf32, #tpu.memory_space<hbm>>) dst(%dma_wait3A_78 : memref<128x128xf32, #tpu.memory_space<vmem>>)
      %mul3A_85 = arith.constant 2 : i32
      %mul3A_86 = arith.muli %mul3A_85, %scan3A_40 : i32
      %add3A_87 = arith.constant 1 : i32
      %add3A_88 = arith.addi %mul3A_86, %add3A_87 : i32
      %run_scoped3A_89 = arith.constant 1 : i32
      "tpu.region"() ({
        %run_scoped3A_90 = tpu.sem_alloc : memref<!tpu.dma_semaphore, #tpu.memory_space<semaphore_mem>>
        %dma_start3A_91 = arith.constant 0 : i32
        %dma_start3A_92 = arith.constant 0 : i32
        %dma_start3A_93 = tpu.memref_slice %arg9[%run_scoped3A_89, %dma_start3A_91, %dma_start3A_92] : memref<2x128x128xf32, #tpu.memory_space<vmem>> -> memref<1x128x128xf32, #tpu.memory_space<vmem>>
        %dma_start3A_94 = tpu.memref_squeeze %dma_start3A_93 : memref<1x128x128xf32, #tpu.memory_space<vmem>> -> memref<128x128xf32, #tpu.memory_space<vmem>>
        %dma_start3A_95 = arith.constant 0 : i32
        %dma_start3A_96 = tpu.memref_slice %arg8[%add3A_88, %dma_start3A_95] : memref<40x128xi32, #tpu.memory_space<vmem>> -> memref<1x128xi32, #tpu.memory_space<vmem>>
        %dma_start3A_97 = tpu.memref_squeeze %dma_start3A_96 : memref<1x128xi32, #tpu.memory_space<vmem>> -> memref<128xi32, #tpu.memory_space<vmem>>
        %dma_start3A_98 = arith.constant 0 : i32
        %dma_start3A_99 = arith.constant 0 : i32
        %dma_start3A_100 = tpu.memref_slice %arg10[%dma_start3A_98, %dma_start3A_99] : memref<10112x128xf32, #tpu.memory_space<vmem_shared>> -> memref<10112x128xf32, #tpu.memory_space<vmem_shared>>
        tpu.enqueue_indirect_dma source(%dma_start3A_94 : memref<128x128xf32, #tpu.memory_space<vmem>>) target(%dma_start3A_100 : memref<10112x128xf32, #tpu.memory_space<vmem_shared>>) offsets(%dma_start3A_97 : memref<128xi32, #tpu.memory_space<vmem>>) semaphore(%run_scoped3A_90 : memref<!tpu.dma_semaphore, #tpu.memory_space<semaphore_mem>>) {add = true}
        %dma_wait3A_101 = arith.constant 0 : i32
        %dma_wait3A_102 = arith.constant 0 : i32
        %dma_wait3A_103 = tpu.memref_slice %arg9[%run_scoped3A_89, %dma_wait3A_101, %dma_wait3A_102] : memref<2x128x128xf32, #tpu.memory_space<vmem>> -> memref<1x128x128xf32, #tpu.memory_space<vmem>>
        %dma_wait3A_104 = tpu.memref_squeeze %dma_wait3A_103 : memref<1x128x128xf32, #tpu.memory_space<vmem>> -> memref<128x128xf32, #tpu.memory_space<vmem>>
        %dma_wait3A_105 = arith.constant 0 : i32
        %dma_wait3A_106 = tpu.memref_slice %arg8[%add3A_88, %dma_wait3A_105] : memref<40x128xi32, #tpu.memory_space<vmem>> -> memref<1x128xi32, #tpu.memory_space<vmem>>
        %dma_wait3A_107 = tpu.memref_squeeze %dma_wait3A_106 : memref<1x128xi32, #tpu.memory_space<vmem>> -> memref<128xi32, #tpu.memory_space<vmem>>
        %dma_wait3A_108 = arith.constant 0 : i32
        %dma_wait3A_109 = arith.constant 0 : i32
        %dma_wait3A_110 = tpu.memref_slice %arg10[%dma_wait3A_108, %dma_wait3A_109] : memref<10112x128xf32, #tpu.memory_space<vmem_shared>> -> memref<10112x128xf32, #tpu.memory_space<vmem_shared>>
        tpu.wait_indirect_dma semaphore(%run_scoped3A_90 : memref<!tpu.dma_semaphore, #tpu.memory_space<semaphore_mem>>) src(%dma_wait3A_104 : memref<128x128xf32, #tpu.memory_space<vmem>>) dst(%dma_wait3A_110 : memref<10112x128xf32, #tpu.memory_space<vmem_shared>>)
        tpu.yield
      }) : () -> ()
    }
    %scan3A_34 = arith.constant 20 : i32
    %barrier3A_35 = arith.constant 0 : index
    tpu.barrier barrier_id(%barrier3A_35)
    %mul3A_36 = arith.constant 632 : i32
    %mul3A_37 = arith.muli %arg1, %mul3A_36 : i32
    %mul3A_38 = arith.constant 632 : i32
    %mul3A_39 = arith.muli %arg1, %mul3A_38 : i32
    "tpu.region"() ({
      %run_scoped3A = tpu.sem_alloc : memref<!tpu.dma_semaphore, #tpu.memory_space<semaphore_mem>>
      %dma_start3A_40 = arith.constant 0 : i32
      %dma_start3A_41 = tpu.memref_slice %arg6[%arg0, %mul3A_39, %dma_start3A_40] : memref<2x10112x128xf32, #tpu.memory_space<hbm>> -> memref<1x632x128xf32, #tpu.memory_space<hbm>>
      %dma_start3A_42 = tpu.memref_squeeze %dma_start3A_41 : memref<1x632x128xf32, #tpu.memory_space<hbm>> -> memref<632x128xf32, #tpu.memory_space<hbm>>
      %dma_start3A_43 = arith.constant 0 : i32
      %dma_start3A_44 = tpu.memref_slice %arg10[%mul3A_37, %dma_start3A_43] : memref<10112x128xf32, #tpu.memory_space<vmem_shared>> -> memref<632x128xf32, #tpu.memory_space<vmem_shared>>
      tpu.enqueue_dma source(%dma_start3A_44 : memref<632x128xf32, #tpu.memory_space<vmem_shared>>) target(%dma_start3A_42 : memref<632x128xf32, #tpu.memory_space<hbm>>) target_semaphore(%run_scoped3A : memref<!tpu.dma_semaphore, #tpu.memory_space<semaphore_mem>>)
      %dma_wait3A = arith.constant 0 : i32
      %dma_wait3A_45 = tpu.memref_slice %arg6[%arg0, %mul3A_39, %dma_wait3A] : memref<2x10112x128xf32, #tpu.memory_space<hbm>> -> memref<1x632x128xf32, #tpu.memory_space<hbm>>
      %dma_wait3A_46 = tpu.memref_squeeze %dma_wait3A_45 : memref<1x632x128xf32, #tpu.memory_space<hbm>> -> memref<632x128xf32, #tpu.memory_space<hbm>>
      %dma_wait3A_47 = arith.constant 0 : i32
      %dma_wait3A_48 = tpu.memref_slice %arg10[%mul3A_37, %dma_wait3A_47] : memref<10112x128xf32, #tpu.memory_space<vmem_shared>> -> memref<632x128xf32, #tpu.memory_space<vmem_shared>>
      tpu.wait_dma2 semaphore(%run_scoped3A : memref<!tpu.dma_semaphore, #tpu.memory_space<semaphore_mem>>) src(%dma_wait3A_48 : memref<632x128xf32, #tpu.memory_space<vmem_shared>>) dst(%dma_wait3A_46 : memref<632x128xf32, #tpu.memory_space<hbm>>)
      tpu.yield
    }) : () -> ()
    return
  }
}

module attributes {stable_mosaic.version = 14 : i64} {
  func.func @_tc_first_body(%arg0: i32, %arg1: memref<1000x128xf32, #tpu.memory_space<vmem>>, %arg2: memref<128x128xf32, #tpu.memory_space<vmem>>, %arg3: memref<128x128xf32, #tpu.memory_space<vmem>>, %arg4: memref<1x128xf32, #tpu.memory_space<vmem>>, %arg5: memref<1000x128xf32, #tpu.memory_space<vmem>>, %arg6: memref<1000x128xf32, #tpu.memory_space<vmem>>) attributes {dimension_semantics = [#tpu.dimension_semantics<arbitrary>], iteration_bounds = array<i64: 10>, scalar_prefetch = 0 : i64, scratch_operands = 0 : i64, tpu.core_type = #tpu.core_type<tc>, window_params = [{transform_indices = @transform_0, window_bounds = array<i64: 1000, 128>}, {pipeline_mode = #tpu.pipeline_mode<synchronous>, transform_indices = @transform_1, window_bounds = array<i64: 128, 128>}, {pipeline_mode = #tpu.pipeline_mode<synchronous>, transform_indices = @transform_2, window_bounds = array<i64: 128, 128>}, {pipeline_mode = #tpu.pipeline_mode<synchronous>, transform_indices = @transform_3, window_bounds = array<i64: 1, 128>}, {transform_indices = @transform_4, window_bounds = array<i64: 1000, 128>}, {transform_indices = @transform_5, window_bounds = array<i64: 1000, 128>}]} {
    %get3A = arith.constant 0 : index
    %get3A_0 = arith.constant 0 : index
    %get3A_1 = vector.load %arg1[%get3A, %get3A_0] : memref<1000x128xf32, #tpu.memory_space<vmem>>, vector<1000x128xf32>
    %get3A_2 = arith.constant 0 : index
    %get3A_3 = arith.constant 0 : index
    %get3A_4 = vector.load %arg2[%get3A_2, %get3A_3] : memref<128x128xf32, #tpu.memory_space<vmem>>, vector<128x128xf32>
    %dot_general3A = arith.constant dense<0.000000e+00> : vector<1000x128xf32>
    %dot_general3A_5 = tpu.matmul %get3A_1, %get3A_4, %dot_general3A {dimension_numbers = #tpu.dot_dimension_numbers<[1], [0], [0], [1], [0, 0, 1, 1], [], []>, transpose_lhs_hint = false} : vector<1000x128xf32>, vector<128x128xf32>, vector<1000x128xf32> -> vector<1000x128xf32>
    %swap3A = arith.constant 0 : index
    %swap3A_6 = arith.constant 0 : index
    %swap3A_7 = vector.load %arg5[%swap3A, %swap3A_6] : memref<1000x128xf32, #tpu.memory_space<vmem>>, vector<1000x128xf32>
    tpu.vector_store %arg5[%swap3A, %swap3A_6], %dot_general3A_5 {strides = array<i32>} : memref<1000x128xf32, #tpu.memory_space<vmem>>, vector<1000x128xf32>,
    %get3A_8 = arith.constant 0 : index
    %get3A_9 = arith.constant 0 : index
    %get3A_10 = vector.load %arg3[%get3A_8, %get3A_9] : memref<128x128xf32, #tpu.memory_space<vmem>>, vector<128x128xf32>
    %dot_general3A_11 = arith.constant dense<0.000000e+00> : vector<1000x128xf32>
    %dot_general3A_12 = tpu.matmul %get3A_1, %get3A_10, %dot_general3A_11 {dimension_numbers = #tpu.dot_dimension_numbers<[1], [0], [0], [1], [0, 0, 1, 1], [], []>, transpose_lhs_hint = false} : vector<1000x128xf32>, vector<128x128xf32>, vector<1000x128xf32> -> vector<1000x128xf32>
    %get3A_13 = arith.constant 0 : index
    %get3A_14 = arith.constant 0 : index
    %get3A_15 = vector.load %arg4[%get3A_13, %get3A_14] : memref<1x128xf32, #tpu.memory_space<vmem>>, vector<1x128xf32>
    %add3A = vector.broadcast %get3A_15 : vector<1x128xf32> to vector<1000x128xf32>
    %add3A_16 = arith.addf %dot_general3A_12, %add3A : vector<1000x128xf32>
    %swap3A_17 = arith.constant 0 : index
    %swap3A_18 = arith.constant 0 : index
    %swap3A_19 = vector.load %arg6[%swap3A_17, %swap3A_18] : memref<1000x128xf32, #tpu.memory_space<vmem>>, vector<1000x128xf32>
    tpu.vector_store %arg6[%swap3A_17, %swap3A_18], %add3A_16 {strides = array<i32>} : memref<1000x128xf32, #tpu.memory_space<vmem>>, vector<1000x128xf32>,
    return
  }
  func.func @transform_0(%arg0: i32) -> (i32, i32) {
    %c0_i32 = arith.constant 0 : i32
    %c0_i32_0 = arith.constant 0 : i32
    return %arg0, %c0_i32 : i32, i32
  }
  func.func @transform_1(%arg0: i32) -> (i32, i32) {
    %c0_i32 = arith.constant 0 : i32
    %c0_i32_0 = arith.constant 0 : i32
    %c0_i32_1 = arith.constant 0 : i32
    return %c0_i32, %c0_i32_0 : i32, i32
  }
  func.func @transform_2(%arg0: i32) -> (i32, i32) {
    %c0_i32 = arith.constant 0 : i32
    %c0_i32_0 = arith.constant 0 : i32
    %c0_i32_1 = arith.constant 0 : i32
    return %c0_i32, %c0_i32_0 : i32, i32
  }
  func.func @transform_3(%arg0: i32) -> (i32, i32) {
    %c0_i32 = arith.constant 0 : i32
    %c0_i32_0 = arith.constant 0 : i32
    %c0_i32_1 = arith.constant 0 : i32
    return %c0_i32, %c0_i32_0 : i32, i32
  }
  func.func @transform_4(%arg0: i32) -> (i32, i32) {
    %c0_i32 = arith.constant 0 : i32
    %c0_i32_0 = arith.constant 0 : i32
    return %arg0, %c0_i32 : i32, i32
  }
  func.func @transform_5(%arg0: i32) -> (i32, i32) {
    %c0_i32 = arith.constant 0 : i32
    %c0_i32_0 = arith.constant 0 : i32
    return %arg0, %c0_i32 : i32, i32
  }
}

module attributes {stable_mosaic.version = 14 : i64} {
  func.func @_tc_final_body(%arg0: i32, %arg1: memref<1x1000x128xf32, #tpu.memory_space<vmem>>, %arg2: memref<1x1000x128xf32, #tpu.memory_space<vmem>>, %arg3: memref<1x1000x128xf32, #tpu.memory_space<vmem>>, %arg4: memref<1x1000x128xf32, #tpu.memory_space<vmem>>, %arg5: memref<1000x128xf32, #tpu.memory_space<vmem>>, %arg6: memref<1000x128xf32, #tpu.memory_space<vmem>>) attributes {dimension_semantics = [#tpu.dimension_semantics<arbitrary>], iteration_bounds = array<i64: 10>, scalar_prefetch = 0 : i64, scratch_operands = 0 : i64, tpu.core_type = #tpu.core_type<tc>, window_params = [{transform_indices = @transform_0, window_bounds = array<i64: 1, 1000, 128>}, {transform_indices = @transform_1, window_bounds = array<i64: 1, 1000, 128>}, {transform_indices = @transform_2, window_bounds = array<i64: 1, 1000, 128>}, {transform_indices = @transform_3, window_bounds = array<i64: 1, 1000, 128>}, {transform_indices = @transform_4, window_bounds = array<i64: 1000, 128>}, {transform_indices = @transform_5, window_bounds = array<i64: 1000, 128>}]} {
    %get3A = arith.constant 0 : index
    %get3A_0 = arith.constant 0 : index
    %get3A_1 = arith.constant 0 : index
    %get3A_2 = vector.load %arg3[%get3A, %get3A_0, %get3A_1] : memref<1x1000x128xf32, #tpu.memory_space<vmem>>, vector<1x1000x1xf32>
    %get3A_3 = vector.shape_cast %get3A_2 : vector<1x1000x1xf32> to vector<1000x1xf32>
    %get3A_4 = arith.constant 0 : index
    %get3A_5 = arith.constant 0 : index
    %get3A_6 = arith.constant 0 : index
    %get3A_7 = vector.load %arg4[%get3A_4, %get3A_5, %get3A_6] : memref<1x1000x128xf32, #tpu.memory_space<vmem>>, vector<1x1000x1xf32>
    %get3A_8 = vector.shape_cast %get3A_7 : vector<1x1000x1xf32> to vector<1000x1xf32>
    %add3A = arith.addf %get3A_3, %get3A_8 : vector<1000x1xf32>
    %max3A = arith.constant 1.000000e+00 : f32
    %max3A_9 = vector.broadcast %max3A : f32 to vector<1000x1xf32>
    %max3A_10 = arith.maximumf %add3A, %max3A_9 : vector<1000x1xf32>
    %div3A = arith.constant 1.000000e+00 : f32
    %div3A_11 = vector.broadcast %div3A : f32 to vector<1000x1xf32>
    %div3A_12 = arith.divf %div3A_11, %max3A_10 : vector<1000x1xf32>
    %get3A_13 = arith.constant 0 : index
    %get3A_14 = arith.constant 0 : index
    %get3A_15 = arith.constant 0 : index
    %get3A_16 = vector.load %arg1[%get3A_13, %get3A_14, %get3A_15] : memref<1x1000x128xf32, #tpu.memory_space<vmem>>, vector<1x1000x128xf32>
    %get3A_17 = vector.shape_cast %get3A_16 : vector<1x1000x128xf32> to vector<1000x128xf32>
    %get3A_18 = arith.constant 0 : index
    %get3A_19 = arith.constant 0 : index
    %get3A_20 = arith.constant 0 : index
    %get3A_21 = vector.load %arg2[%get3A_18, %get3A_19, %get3A_20] : memref<1x1000x128xf32, #tpu.memory_space<vmem>>, vector<1x1000x128xf32>
    %get3A_22 = vector.shape_cast %get3A_21 : vector<1x1000x128xf32> to vector<1000x128xf32>
    %add3A_23 = arith.addf %get3A_17, %get3A_22 : vector<1000x128xf32>
    %mul3A = vector.broadcast %div3A_12 : vector<1000x1xf32> to vector<1000x128xf32>
    %mul3A_24 = arith.mulf %add3A_23, %mul3A : vector<1000x128xf32>
    %get3A_25 = arith.constant 0 : index
    %get3A_26 = arith.constant 0 : index
    %get3A_27 = vector.load %arg5[%get3A_25, %get3A_26] : memref<1000x128xf32, #tpu.memory_space<vmem>>, vector<1000x128xf32>
    %add3A_28 = arith.addf %mul3A_24, %get3A_27 : vector<1000x128xf32>
    %swap3A = arith.constant 0 : index
    %swap3A_29 = arith.constant 0 : index
    %swap3A_30 = vector.load %arg6[%swap3A, %swap3A_29] : memref<1000x128xf32, #tpu.memory_space<vmem>>, vector<1000x128xf32>
    tpu.vector_store %arg6[%swap3A, %swap3A_29], %add3A_28 {strides = array<i32>} : memref<1000x128xf32, #tpu.memory_space<vmem>>, vector<1000x128xf32>,
    return
  }
  func.func @transform_0(%arg0: i32) -> (i32, i32, i32) {
    %c0_i32 = arith.constant 0 : i32
    %c0_i32_0 = arith.constant 0 : i32
    %c0_i32_1 = arith.constant 0 : i32
    return %c0_i32, %arg0, %c0_i32_0 : i32, i32, i32
  }
  func.func @transform_1(%arg0: i32) -> (i32, i32, i32) {
    %c1_i32 = arith.constant 1 : i32
    %c0_i32 = arith.constant 0 : i32
    %c0_i32_0 = arith.constant 0 : i32
    return %c1_i32, %arg0, %c0_i32 : i32, i32, i32
  }
  func.func @transform_2(%arg0: i32) -> (i32, i32, i32) {
    %c0_i32 = arith.constant 0 : i32
    %c0_i32_0 = arith.constant 0 : i32
    %c0_i32_1 = arith.constant 0 : i32
    return %c0_i32, %arg0, %c0_i32_0 : i32, i32, i32
  }
  func.func @transform_3(%arg0: i32) -> (i32, i32, i32) {
    %c1_i32 = arith.constant 1 : i32
    %c0_i32 = arith.constant 0 : i32
    %c0_i32_0 = arith.constant 0 : i32
    return %c1_i32, %arg0, %c0_i32 : i32, i32, i32
  }
  func.func @transform_4(%arg0: i32) -> (i32, i32) {
    %c0_i32 = arith.constant 0 : i32
    %c0_i32_0 = arith.constant 0 : i32
    return %arg0, %c0_i32 : i32, i32
  }
  func.func @transform_5(%arg0: i32) -> (i32, i32) {
    %c0_i32 = arith.constant 0 : i32
    %c0_i32_0 = arith.constant 0 : i32
    return %arg0, %c0_i32 : i32, i32
  }
}

module attributes {stable_mosaic.version = 14 : i64} {
  func.func @_tc_mid_body(%arg0: i32, %arg1: memref<1x1000x128xf32, #tpu.memory_space<vmem>>, %arg2: memref<1x1000x128xf32, #tpu.memory_space<vmem>>, %arg3: memref<1x1000x128xf32, #tpu.memory_space<vmem>>, %arg4: memref<1x1000x128xf32, #tpu.memory_space<vmem>>, %arg5: memref<1000x128xf32, #tpu.memory_space<vmem>>, %arg6: memref<128x128xf32, #tpu.memory_space<vmem>>, %arg7: memref<128x128xf32, #tpu.memory_space<vmem>>, %arg8: memref<1x128xf32, #tpu.memory_space<vmem>>, %arg9: memref<1000x128xf32, #tpu.memory_space<vmem>>, %arg10: memref<1000x128xf32, #tpu.memory_space<vmem>>) attributes {dimension_semantics = [#tpu.dimension_semantics<arbitrary>], iteration_bounds = array<i64: 10>, scalar_prefetch = 0 : i64, scratch_operands = 0 : i64, tpu.core_type = #tpu.core_type<tc>, window_params = [{transform_indices = @transform_0, window_bounds = array<i64: 1, 1000, 128>}, {transform_indices = @transform_1, window_bounds = array<i64: 1, 1000, 128>}, {transform_indices = @transform_2, window_bounds = array<i64: 1, 1000, 128>}, {transform_indices = @transform_3, window_bounds = array<i64: 1, 1000, 128>}, {transform_indices = @transform_4, window_bounds = array<i64: 1000, 128>}, {pipeline_mode = #tpu.pipeline_mode<synchronous>, transform_indices = @transform_5, window_bounds = array<i64: 128, 128>}, {pipeline_mode = #tpu.pipeline_mode<synchronous>, transform_indices = @transform_6, window_bounds = array<i64: 128, 128>}, {pipeline_mode = #tpu.pipeline_mode<synchronous>, transform_indices = @transform_7, window_bounds = array<i64: 1, 128>}, {transform_indices = @transform_8, window_bounds = array<i64: 1000, 128>}, {transform_indices = @transform_9, window_bounds = array<i64: 1000, 128>}]} {
    %get3A = arith.constant 0 : index
    %get3A_0 = arith.constant 0 : index
    %get3A_1 = arith.constant 0 : index
    %get3A_2 = vector.load %arg3[%get3A, %get3A_0, %get3A_1] : memref<1x1000x128xf32, #tpu.memory_space<vmem>>, vector<1x1000x1xf32>
    %get3A_3 = vector.shape_cast %get3A_2 : vector<1x1000x1xf32> to vector<1000x1xf32>
    %get3A_4 = arith.constant 0 : index
    %get3A_5 = arith.constant 0 : index
    %get3A_6 = arith.constant 0 : index
    %get3A_7 = vector.load %arg4[%get3A_4, %get3A_5, %get3A_6] : memref<1x1000x128xf32, #tpu.memory_space<vmem>>, vector<1x1000x1xf32>
    %get3A_8 = vector.shape_cast %get3A_7 : vector<1x1000x1xf32> to vector<1000x1xf32>
    %add3A = arith.addf %get3A_3, %get3A_8 : vector<1000x1xf32>
    %max3A = arith.constant 1.000000e+00 : f32
    %max3A_9 = vector.broadcast %max3A : f32 to vector<1000x1xf32>
    %max3A_10 = arith.maximumf %add3A, %max3A_9 : vector<1000x1xf32>
    %div3A = arith.constant 1.000000e+00 : f32
    %div3A_11 = vector.broadcast %div3A : f32 to vector<1000x1xf32>
    %div3A_12 = arith.divf %div3A_11, %max3A_10 : vector<1000x1xf32>
    %get3A_13 = arith.constant 0 : index
    %get3A_14 = arith.constant 0 : index
    %get3A_15 = arith.constant 0 : index
    %get3A_16 = vector.load %arg1[%get3A_13, %get3A_14, %get3A_15] : memref<1x1000x128xf32, #tpu.memory_space<vmem>>, vector<1x1000x128xf32>
    %get3A_17 = vector.shape_cast %get3A_16 : vector<1x1000x128xf32> to vector<1000x128xf32>
    %get3A_18 = arith.constant 0 : index
    %get3A_19 = arith.constant 0 : index
    %get3A_20 = arith.constant 0 : index
    %get3A_21 = vector.load %arg2[%get3A_18, %get3A_19, %get3A_20] : memref<1x1000x128xf32, #tpu.memory_space<vmem>>, vector<1x1000x128xf32>
    %get3A_22 = vector.shape_cast %get3A_21 : vector<1x1000x128xf32> to vector<1000x128xf32>
    %add3A_23 = arith.addf %get3A_17, %get3A_22 : vector<1000x128xf32>
    %mul3A = vector.broadcast %div3A_12 : vector<1000x1xf32> to vector<1000x128xf32>
    %mul3A_24 = arith.mulf %add3A_23, %mul3A : vector<1000x128xf32>
    %get3A_25 = arith.constant 0 : index
    %get3A_26 = arith.constant 0 : index
    %get3A_27 = vector.load %arg5[%get3A_25, %get3A_26] : memref<1000x128xf32, #tpu.memory_space<vmem>>, vector<1000x128xf32>
    %add3A_28 = arith.addf %mul3A_24, %get3A_27 : vector<1000x128xf32>
    %gt3A = arith.constant 0.000000e+00 : f32
    %gt3A_29 = vector.broadcast %gt3A : f32 to vector<1000x128xf32>
    %gt3A_30 = arith.cmpf ogt, %add3A_28, %gt3A_29 : vector<1000x128xf32>
    %mul3A_31 = arith.constant 1.000000e-01 : f32
    %mul3A_32 = vector.broadcast %mul3A_31 : f32 to vector<1000x128xf32>
    %mul3A_33 = arith.mulf %mul3A_32, %add3A_28 : vector<1000x128xf32>
    %select_n3A = arith.select %gt3A_30, %add3A_28, %mul3A_33 : vector<1000x128xi1>, vector<1000x128xf32>
    %get3A_34 = arith.constant 0 : index
    %get3A_35 = arith.constant 0 : index
    %get3A_36 = vector.load %arg6[%get3A_34, %get3A_35] : memref<128x128xf32, #tpu.memory_space<vmem>>, vector<128x128xf32>
    %dot_general3A = arith.constant dense<0.000000e+00> : vector<1000x128xf32>
    %dot_general3A_37 = tpu.matmul %select_n3A, %get3A_36, %dot_general3A {dimension_numbers = #tpu.dot_dimension_numbers<[1], [0], [0], [1], [0, 0, 1, 1], [], []>, transpose_lhs_hint = false} : vector<1000x128xf32>, vector<128x128xf32>, vector<1000x128xf32> -> vector<1000x128xf32>
    %swap3A = arith.constant 0 : index
    %swap3A_38 = arith.constant 0 : index
    %swap3A_39 = vector.load %arg9[%swap3A, %swap3A_38] : memref<1000x128xf32, #tpu.memory_space<vmem>>, vector<1000x128xf32>
    tpu.vector_store %arg9[%swap3A, %swap3A_38], %dot_general3A_37 {strides = array<i32>} : memref<1000x128xf32, #tpu.memory_space<vmem>>, vector<1000x128xf32>,
    %get3A_40 = arith.constant 0 : index
    %get3A_41 = arith.constant 0 : index
    %get3A_42 = vector.load %arg7[%get3A_40, %get3A_41] : memref<128x128xf32, #tpu.memory_space<vmem>>, vector<128x128xf32>
    %dot_general3A_43 = arith.constant dense<0.000000e+00> : vector<1000x128xf32>
    %dot_general3A_44 = tpu.matmul %select_n3A, %get3A_42, %dot_general3A_43 {dimension_numbers = #tpu.dot_dimension_numbers<[1], [0], [0], [1], [0, 0, 1, 1], [], []>, transpose_lhs_hint = false} : vector<1000x128xf32>, vector<128x128xf32>, vector<1000x128xf32> -> vector<1000x128xf32>
    %get3A_45 = arith.constant 0 : index
    %get3A_46 = arith.constant 0 : index
    %get3A_47 = vector.load %arg8[%get3A_45, %get3A_46] : memref<1x128xf32, #tpu.memory_space<vmem>>, vector<1x128xf32>
    %add3A_48 = vector.broadcast %get3A_47 : vector<1x128xf32> to vector<1000x128xf32>
    %add3A_49 = arith.addf %dot_general3A_44, %add3A_48 : vector<1000x128xf32>
    %swap3A_50 = arith.constant 0 : index
    %swap3A_51 = arith.constant 0 : index
    %swap3A_52 = vector.load %arg10[%swap3A_50, %swap3A_51] : memref<1000x128xf32, #tpu.memory_space<vmem>>, vector<1000x128xf32>
    tpu.vector_store %arg10[%swap3A_50, %swap3A_51], %add3A_49 {strides = array<i32>} : memref<1000x128xf32, #tpu.memory_space<vmem>>, vector<1000x128xf32>,
    return
  }
  func.func @transform_0(%arg0: i32) -> (i32, i32, i32) {
    %c0_i32 = arith.constant 0 : i32
    %c0_i32_0 = arith.constant 0 : i32
    %c0_i32_1 = arith.constant 0 : i32
    return %c0_i32, %arg0, %c0_i32_0 : i32, i32, i32
  }
  func.func @transform_1(%arg0: i32) -> (i32, i32, i32) {
    %c1_i32 = arith.constant 1 : i32
    %c0_i32 = arith.constant 0 : i32
    %c0_i32_0 = arith.constant 0 : i32
    return %c1_i32, %arg0, %c0_i32 : i32, i32, i32
  }
  func.func @transform_2(%arg0: i32) -> (i32, i32, i32) {
    %c0_i32 = arith.constant 0 : i32
    %c0_i32_0 = arith.constant 0 : i32
    %c0_i32_1 = arith.constant 0 : i32
    return %c0_i32, %arg0, %c0_i32_0 : i32, i32, i32
  }
  func.func @transform_3(%arg0: i32) -> (i32, i32, i32) {
    %c1_i32 = arith.constant 1 : i32
    %c0_i32 = arith.constant 0 : i32
    %c0_i32_0 = arith.constant 0 : i32
    return %c1_i32, %arg0, %c0_i32 : i32, i32, i32
  }
  func.func @transform_4(%arg0: i32) -> (i32, i32) {
    %c0_i32 = arith.constant 0 : i32
    %c0_i32_0 = arith.constant 0 : i32
    return %arg0, %c0_i32 : i32, i32
  }
  func.func @transform_5(%arg0: i32) -> (i32, i32) {
    %c0_i32 = arith.constant 0 : i32
    %c0_i32_0 = arith.constant 0 : i32
    %c0_i32_1 = arith.constant 0 : i32
    return %c0_i32, %c0_i32_0 : i32, i32
  }
  func.func @transform_6(%arg0: i32) -> (i32, i32) {
    %c0_i32 = arith.constant 0 : i32
    %c0_i32_0 = arith.constant 0 : i32
    %c0_i32_1 = arith.constant 0 : i32
    return %c0_i32, %c0_i32_0 : i32, i32
  }
  func.func @transform_7(%arg0: i32) -> (i32, i32) {
    %c0_i32 = arith.constant 0 : i32
    %c0_i32_0 = arith.constant 0 : i32
    %c0_i32_1 = arith.constant 0 : i32
    return %c0_i32, %c0_i32_0 : i32, i32
  }
  func.func @transform_8(%arg0: i32) -> (i32, i32) {
    %c0_i32 = arith.constant 0 : i32
    %c0_i32_0 = arith.constant 0 : i32
    return %arg0, %c0_i32 : i32, i32
  }
  func.func @transform_9(%arg0: i32) -> (i32, i32) {
    %c0_i32 = arith.constant 0 : i32
    %c0_i32_0 = arith.constant 0 : i32
    return %arg0, %c0_i32 : i32, i32
  }
}

</mosaic_0001>

<sc_bundles>
// kernel: kernel.12.cloned.1.call-start
scs
__scs_entry_jumppad:
0x0: {  	(pc) =	sbr.rel $0x88, $3  }
0x1: {  	(tag) =	ssettag $0x0;
	lr =	simm.s32 $0x1  }
0x2: {  	[smem:$0x3F93] =	sst lr;
	_ =	strace $0xD0000000  }
0x3: {  	_ = 	snop  }
0x4: {  	_ = 	snop  }
0x5: {  	_ = 	snop  }
0x6: {  	_ = 	snop  }
0x7: {  	_ = 	snop  }
__scs_overlays_trampoline_lowered:
0x8: {  	[smem:$0x3FA2] =	sst s0  }
0x9: {  	[smem:$0x3FA3] =	sst s1  }
0xa: {  	[smem:$0x3FA4] =	sst s2  }
0xb: {  	[smem:$0x3FA5] =	sst s3  }
0xc: {  	[smem:$0x3FA6] =	sst s4  }
0xd: {  	[smem:$0x3FA7] =	sst s5  }
0xe: {  	[smem:$0x3FA8] =	sst s6  }
0xf: {  	[smem:$0x3FA9] =	sst s7  }
0x10: {  	[smem:$0x3FAA] =	sst s8  }
0x11: {  	[smem:$0x3FAB] =	sst s9;
	s0 =	simm.s32 @!p0 $0x0  }
0x12: {  	s1 =	sld [smem:$0x3F91];
	s0 =	simm.s32 @p0 $0x1  }
0x13: {  	[smem:$0x3FAC] =	sst s0;
	s0 =	simm.s32 @!p1 $0x0  }
0x14: {  	s2 =	sld [smem:$0x3F90];
	s0 =	simm.s32 @p1 $0x1  }
0x15: {  	[smem:$0x3FAD] =	sst s0;
	s0 =	simm.s32 @!p2 $0x0  }
0x16: {  	s3 =	sld [smem:$0x3FDB];
	s0 =	simm.s32 @p2 $0x1  }
0x17: {  	s4 =	simm.s32 $0x1BF5;
	[smem:$0x3FAF] =	sst s0  }
0x18: {  	s0 =	sld [smem:$0x3F92];
	_ =	swait.ge [sflag:s4], $0x0  }
0x19: {  	s7 =	sld [smem:$0x3F93]  }
0x1a: {  	s8 =	sadd.s32 $0xFFFFE003, lr  }
0x1b: {  	s9 =	sadd.s32 $0xFFFFFEF7, lr;
	s5 =	simm.s32 $0xFFFFFFFF;
	p2 =	slt.u32 s8, $0xFFFFF086  }
0x1c: {  	p1 =	slt.u32 s9, $0xF7A;
	s5 =	simm.s32 @!p2 $0x0  }
0x1d: {  	s5 =	simm.s32 @p1 $0x1;
	p0 =	seq.s32 s7, s2  }
0x1e: {  	s7 =	smul.u32 @!p0 $0xF7A, s2;
	p2 =	seq.s32 @!p0 s5, $0x0  }
0x1f: {  	s9 =	smul.u32 $0xF7A, s1;
	s8 =	simm.s32 @!p0 $0x1BF5;
	p2 =	por !p2, p0  }
0x20: {  	[sflag:s8] =	ssyncset.s32 @!p0 $0xFFFFF086;
	s6 =	sadd.s32 @!p0 s3, s7;
	s7 =	simm.s32 @!p0 $0x108  }
0x21: {  	s3 =	sadd.s32 s3, s9;
	s6 =	sadd.s32 @!p0 $0x88, s6;
	s7 =	simm.s32 @p2 $0x1082  }
0x22: {  	[simem:s7], [sflag:s8] =	dma.local @!p0 [hbm:s6], $0xF7A  }
0x23: {  	s9 =	sor.u32 $0xD0000000, s2;
	s6 =	simm.s32 $0x108;
	_ =	swait.ge @!p0 [sflag:s8], $0x0  }
0x24: {  	s3 =	sadd.s32 $0x88, s3;
	s6 =	simm.s32 @!p1 $0x1082;
	[sflag:s4] =	ssyncset.s32 $0xFFFFF086  }
0x25: {  	[simem:s6], [sflag:s4] =	dma.local [hbm:s3], $0xF7A  }
0x26: {  	[smem:$0x3F93] =	sst s1;
	(tag) =	ssettag s2;
	_ =	strace s9  }
0x27: {  	s1 =	sld [smem:$0x3FA3]  }
0x28: {  	s2 =	sld [smem:$0x3FA4]  }
0x29: {  	s4 =	sld [smem:$0x3FA6]  }
0x2a: {  	p0 =	seq.s32 s5, $0x0;
	s5 =	sld [smem:$0x3FA7]  }
0x2b: {  	s6 =	sld [smem:$0x3FA8]  }
0x2c: {  	s7 =	sld [smem:$0x3FA9]  }
0x2d: {  	s3 =	simm.s32 $0x108;
	s8 =	sld [smem:$0x3FAA]  }
0x2e: {  	s3 =	simm.s32 @!p0 $0x1082;
	s9 =	sld [smem:$0x3FAB]  }
0x2f: {  	lr =	sadd.s32 s0, s3;
	s0 =	sld [smem:$0x3FA2]  }
0x30: {  	s3 =	sld [smem:$0x3FA5]  }
0x31: {  	[smem:$0x3FAE] =	sst s10  }
0x32: {  	s10 =	sld [smem:$0x3FAC];
	_ =	sdelay $0x3  }
0x33: {  	p0 =	seq.s32 s10, $0x1;
	s10 =	sld [smem:$0x3FAE];
	_ =	sdelay $0x3  }
0x34: {  	[smem:$0x3FAE] =	sst s10  }
0x35: {  	s10 =	sld [smem:$0x3FAD];
	_ =	sdelay $0x3  }
0x36: {  	p1 =	seq.s32 s10, $0x1;
	s10 =	sld [smem:$0x3FAE];
	_ =	sdelay $0x3  }
0x37: {  	[smem:$0x3FAE] =	sst s10  }
0x38: {  	s10 =	sld [smem:$0x3FAF]  }
0x39: {  	_ = 	snop;
	(pc) =	sbr.ind lr, $3  }
0x3a: {  	_ = 	snop  }
0x3b: {  	_ = 	snop  }
0x3c: {  	p2 =	seq.s32 s10, $0x1;
	s10 =	sld [smem:$0x3FAE]  }
0x3d: {  	_ =	shalt  }
0x3e: {  	_ =	shalt  }
0x3f: {  	_ =	shalt  }
0x40: {  	_ =	shalt  }
0x41: {  	_ =	shalt  }
0x42: {  	_ =	shalt  }
0x43: {  	_ =	shalt  }
0x44: {  	_ =	shalt  }
0x45: {  	_ =	shalt  }
0x46: {  	_ =	shalt  }
0x47: {  	_ =	shalt  }
0x48: {  	_ =	shalt  }
0x49: {  	_ =	shalt  }
0x4a: {  	_ =	shalt  }
0x4b: {  	_ =	shalt  }
0x4c: {  	_ =	shalt  }
0x4d: {  	_ =	shalt  }
0x4e: {  	_ =	shalt  }
0x4f: {  	_ =	shalt  }
0x50: {  	_ =	shalt  }
0x51: {  	_ =	shalt  }
0x52: {  	_ =	shalt  }
0x53: {  	_ =	shalt  }
0x54: {  	_ =	shalt  }
0x55: {  	_ =	shalt  }
0x56: {  	_ =	shalt  }
0x57: {  	_ =	shalt  }
0x58: {  	_ =	shalt  }
0x59: {  	_ =	shalt  }
0x5a: {  	_ =	shalt  }
0x5b: {  	_ =	shalt  }
0x5c: {  	_ =	shalt  }
0x5d: {  	_ =	shalt  }
0x5e: {  	_ =	shalt  }
0x5f: {  	_ =	shalt  }
0x60: {  	_ =	shalt  }
0x61: {  	_ =	shalt  }
0x62: {  	_ =	shalt  }
0x63: {  	_ =	shalt  }
0x64: {  	_ =	shalt  }
0x65: {  	_ =	shalt  }
0x66: {  	_ =	shalt  }
0x67: {  	_ =	shalt  }
0x68: {  	_ =	shalt  }
0x69: {  	_ =	shalt  }
0x6a: {  	_ =	shalt  }
0x6b: {  	_ =	shalt  }
0x6c: {  	_ =	shalt  }
0x6d: {  	_ =	shalt  }
0x6e: {  	_ =	shalt  }
0x6f: {  	_ =	shalt  }
0x70: {  	_ =	shalt  }
0x71: {  	_ =	shalt  }
0x72: {  	_ =	shalt  }
0x73: {  	_ =	shalt  }
0x74: {  	_ =	shalt  }
0x75: {  	_ =	shalt  }
0x76: {  	_ =	shalt  }
0x77: {  	_ =	shalt  }
0x78: {  	_ =	shalt  }
0x79: {  	_ =	shalt  }
0x7a: {  	_ =	shalt  }
0x7b: {  	_ =	shalt  }
0x7c: {  	_ =	shalt  }
0x7d: {  	_ =	shalt  }
0x7e: {  	_ =	shalt  }
0x7f: {  	_ =	shalt  }
0x80: {  	_ =	shalt  }
0x81: {  	_ =	shalt  }
0x82: {  	_ =	shalt  }
0x83: {  	_ =	shalt  }
0x84: {  	_ =	shalt  }
0x85: {  	_ =	shalt  }
0x86: {  	_ =	shalt  }
0x87: {  	_ =	shalt  }
.Lfunc_end0:
.L_simem_size_0:
called_computation_lowered:
.L_overlay_start_0:
0x88: {  	s2 =	sld [smem:$0x3FD9]  }
0x89: {  	s3 =	sld [smem:$0x3FFE];
	_ =	sdelay $0x1  }
0x8a: {  	s1 =	srdreg.scid  }
0x8b: {  	s0 =	sand.u32 $0x1, s1  }
0x8c: {  	s17 =	sshll.u32 s0, $0xA;
	s2 =	sadd.s32 s3, s2  }
0x8d: {  	s2 =	sadd.s32 s2, s17  }
0x8e: {  	[smem:$0x3FBA] =	sst s2  }
0x8f: {  	_ = 	snop  }
0x90: {  	(tm) =	ssettm $0x1  }
0x91: {  	s18 =	sld [smem:$0x3FFB];
	_ =	sdelay $0x3  }
0x92: {  	_ =	strace s18  }
0x93: {  	s2 =	sld [smem:$0x3FFC];
	_ =	sdelay $0x3  }
0x94: {  	_ =	strace s2  }
0x95: {  	s2 =	sld [smem:$0x3FFD];
	_ =	sdelay $0x3  }
0x96: {  	_ =	strace s2  }
0x97: {  	_ =	strace $0x8FFFFFFF  }
0x98: {  	s19 =	sld [smem:$0x3FDB];
	_ =	sdelay $0x1  }
0x99: {  	s20 =	simm.s32 $_scs_section_size  }
0x9a: {  	s4 =	simm.s32 $_size__tile_overlayer_lowered;
	s5 =	simm.s32 $_tile_overlayer_lowered  }
0x9b: {  	s6 =	simm.s32 $0x1BFF;
	s21 =	sshll.u32 s5, $0x1;
	s3 =	sadd.s32 s20, s19  }
0x9c: {  	s22 =	simm.s32 $0x0;
	s4 =	sshll.u32 s4, $0x1;
	s5 =	sadd.s32 s21, s3  }
0x9d: {  	[timem:s22], [sflag:s6] =	dma.local [hbm:s5], s4  }
0x9e: {  	_ =	swait.ge [sflag:s6], s4  }
0x9f: {  	s4 =	ssub.s32 $0x0, s4;
	[sflag:s6] =	ssyncset.done $0x0  }
0xa0: {  	[sflag:s6] =	ssyncadd.s32 s4;
	_ =	sdelay $0x1  }
0xa1: {  	s23 =	simm.s32 $0x1B8B  }
0xa2: {  	_ =	swait.ge [sflag:s23], $0x1  }
0xa3: {  	[sflag:s23] =	ssyncset.done $0x0  }
0xa4: {  	[sflag:s23] =	ssyncadd.s32 $0xFFFFFFFF  }
0xa5: {  	s4 =	sld [smem:$0x0]  }
0xa6: {  	s5 =	sand.u32 $0xFFFFFFFE, s1  }
0xa7: {  	p0 =	sne.s32 s1, s5  }
0xa8: {  	s5 =	sshll.u32 @p0 s5, $0xE  }
0xa9: {  	s5 =	sadd.s32 @p0 $0x11B8D, s5;
	s6 =	sshll.u32 @p0 s4, $0x11  }
0xaa: {  	s5 =	sor.u32 @p0 s6, s5  }
0xab: {  	[sflag:s5] =	ssyncadd.remote.s32 @p0 $0x1;
	_ =	sdelay $0x1  }
0xac: {  	s5 =	simm.s32 @p0 $0x1B8D  }
0xad: {  	_ =	swait.eq @p0 [sflag:s5], $0x1  }
0xae: {  	[sflag:s5] =	ssyncadd.s32 @p0 $0xFFFFFFFF  }
0xaf: {  	s6 =	sshll.u32 @!p0 s1, $0xE  }
0xb0: {  	s6 =	sor.u32 @!p0 $0x4000, s6;
	s5 =	simm.s32 @!p0 $0x1B8D  }
0xb1: {  	s4 =	sshll.u32 @!p0 s4, $0x11;
	s6 =	sadd.s32 @!p0 $0x11B8D, s6;
	_ =	swait.eq @!p0 [sflag:s5], $0x1  }
0xb2: {  	s4 =	sor.u32 @!p0 s4, s6;
	[sflag:s5] =	ssyncadd.s32 @!p0 $0xFFFFFFFF  }
0xb3: {  	s25 =	simm.s32 $0x1B8E;
	s24 =	sld [smem:$0x3FFE];
	[sflag:s4] =	ssyncadd.remote.s32 @!p0 $0x1  }
0xb4: {  	s26 =	simm.s32 $execute0_lowered;
	[smem:$0x3FD2] =	sst s25  }
0xb5: {  	s5 =	sshll.u32 s26, $0x1;
	_ =	strace $0x80000049;
	[dreg:$0x1] =	wrdreg $0xFFFFFFFF  }
0xb6: {  	s28 =	simm.s32 $_size_execute0_lowered;
	s3 =	sadd.s32 s3, s5;
	[dreg:$0x0] =	wrdreg $0x0  }
0xb7: {  	s5 =	sshll.u32 s28, $0x1;
	[dreg:$0x2] =	wrdreg s3  }
0xb8: {  	[dreg:$0x3] =	wrdreg s5  }
0xb9: {  	[dreg:$0x4] =	wrdreg $0xC0  }
0xba: {  	_ =	task [dreg:s22], $0x5FFFF  }
0xbb: {  	[dreg:$0x1] =	wrdreg $0xFFFFFFFF  }
0xbc: {  	[dreg:$0x0] =	wrdreg $0x60  }
0xbd: {  	[dreg:$0x2] =	wrdreg s24  }
0xbe: {  	[dreg:$0x3] =	wrdreg $0x68000  }
0xbf: {  	[dreg:$0x4] =	wrdreg $0x9  }
0xc0: {  	_ =	task.clear_ibuf [dreg:s22], $0x5FFFF;
	_ =	strace $0x90000049  }
0xc1: {  	s29 =	simm.s32 $0x9;
	_ =	strace $0x8000004B  }
0xc2: {  	_ =	swait.ge [sflag:s29], $0x1  }
0xc3: {  	[sflag:s29] =	ssyncadd.s32 $0xFFFFFFFF  }
0xc4: {  	_ =	strace $0x9000004B  }
0xc5: {  	_ =	sfence  }
0xc6: {  	s30 =	sld [smem:$0x0];
	_ =	sdelay $0x2  }
0xc7: {  	s31 =	sshll.u32 s1, $0xD;
	s1 =	sshrl.u32 s1, $0x2  }
0xc8: {  	s4 =	sand.u32 $0x4000, s31;
	s1 =	sadd.s32 s1, s30  }
0xc9: {  	s0 =	sor.u32 s4, s0;
	s1 =	sshll.u32 s1, $0x11  }
0xca: {  	s0 =	sor.u32 s1, s0  }
0xcb: {  	s0 =	sadd.s32 $0x8F2B, s0  }
0xcc: {  	[sflag:s0] =	ssyncadd.remote.s32 $0x1  }
0xcd: {  	_ =	sfence.sel $0xFFFF  }
0xce: {  	[dreg:$0x0] =	wrdreg $0xFFFFFFFF;
	(pc) =	sbr.abs _section_cstart, $3  }
0xcf: {  	[dreg:$0x1] =	wrdreg $0xFFFFFFFF  }
0xd0: {  	_ =	task.clear_ibuf [dreg:s22], $0x2FFFF;
	_ =	strace $0x9FFFFFFF  }
0xd1: {  	(tm) =	ssettm $0x7FFFFFFF  }
tec
execute0_lowered:
.L_overlay_start_1:
0x0: {  	(tag) =	ssettag $0x1  }
0x1: {  	s1 =	srdreg.scid  }
0x2: {  	s0 =	stileid.u32;
	s7 =	rddreg [dreg:$0x0]  }
0x3: {  	s2 =	rddreg [dreg:$0x1];
	s3 =	simm.s32 $0x0;
	s12 =	simm.s32 $0x2800  }
0x4: {  	s13 =	simm.s32 $0x80;
	s14 =	simm.s32 $0x0;
	s8 =	smul.u32 $0x13C00, s0  }
0x5: {  	s6 =	sand.u32 $0x1, s1;
	s29 =	sshll.u32 s0, $0x1;
	s10 =	smul.u32 $0x4F000, s0  }
0x6: {  	[smem:$0x7FF] =	sst s3;
	s1 =	sor.u32 s6, s29;
	s5 =	smul.u32 $0x13C000, s6  }
0x7: {  	s31 =	sshll.u32 s0, $0x6;
	s6 =	ssub.s32 $0x2, s6;
	s4 =	smul.u32 $0x500, s1  }
0x8: {  	s1 =	rddreg [dreg:$0x2];
	_ =	strace $0x8000004A;
	s30 =	sshrl.u32 s6, $0x1  }
0x9: {  	s10 =	sshrl.u32 s10, $0x2;
	s8 =	sadd.s32 s8, s5;
	s5 =	sadd.s32 $0x17A00, s7  }
0xa: {  	s11 =	ssub.s32 s6, s30;
	s10 =	sadd.s32 s10, s2;
	s6 =	sor.u32 $0x1C01, s31  }
0xb: {  	s9 =	sadd.s32 s4, s7;
	s4 =	sadd.s32 $0x69200, s7;
	s8 =	sshrl.u32 s8, $0x3  }
0xc: {  	s10 =	sshrl.u32 s10, $0x3;
	s8 =	sadd.s32 s8, s7;
	s7 =	sadd.s32 $0xDA00, s9  }
0xd: {  	s9 =	smax.u32 s11, $0x1;
	s11 =	simm.s32 $0x1;
	s8 =	sadd.s32 $0x69A00, s8  }
.LBB2_1:
0xe: {  	[spmem:s10], [sflag:s6] =	dma.local [hbm:s5], $0x2780  }
0xf: {  	_ =	swait.ge [sflag:s11], $0x2780  }
0x10: {  	[sflag:s11] =	ssyncset.done $0x0  }
0x11: {  	[sflag:s11] =	ssyncadd.s32 $0xFFFFD880  }
0x12: {  	[tilespmem:s12], [sflag:$0x1] =	stream.linear.gather [hbm4b:s4+s3], $0x4000, $0x38;
	[tilespmem:$0x1A400] =	vst v63  }
0x13: {  	_ =	swait.ge [sflag:s11], $0x4000  }
0x14: {  	[sflag:s11] =	ssyncset.done $0x0  }
0x15: {  	[sflag:s11] =	ssyncadd.s32 $0xFFFFC000  }
0x16: {  	[tilespmem:s3], [sflag:$0x1] =	stream.linear.gather [hbm4b:s7+s3], $0x2800, $0x38;
	[tilespmem:$0x1A400] =	vst v63  }
0x17: {  	_ =	swait.ge [sflag:s11], $0x2800  }
0x18: {  	[sflag:s11] =	ssyncset.done $0x0  }
0x19: {  	[sflag:s11] =	ssyncadd.s32 $0xFFFFD800  }
0x1a: {  	s15 =	simm.s32 $0x0;
	[bflag:$0x0] =	sbarrier.arrive $0xFFFF  }
0x1b: {  	[spmem:s2] =	stream.indirect.scatter.add.f32 [tilespmem:s12], [sflag:$0x1], $0x80, s15, s13, $0xb8;
	[tilespmem:$0x1A400] =	vst v63  }
0x1c: {  	_ =	swait.ge [sflag:s11], $0x4000  }
0x1d: {  	s15 =	simm.s32 $0x200;
	[sflag:s11] =	ssyncset.done $0x0  }
.LBB2_2:
0x1e: {  	s16 =	sshra.s32 s15, $0x2;
	[sflag:s11] =	ssyncadd.s32 $0xFFFFC000;
	p0 =	sne.s32 s15, $0x9E00  }
0x1f: {  	[spmem:s2] =	stream.indirect.scatter.add.f32 [tilespmem:s12], [sflag:$0x1], $0x80, s16, s13, $0xb8;
	[tilespmem:$0x1A400] =	vst v63  }
.Ltmp0:
0x20: {  	_ = 	snop;
	(pc) =	sbr.rel @p0 .LBB2_2-.Ltmp0, $4  }
0x21: {  	_ = 	snop  }
0x22: {  	s15 =	sadd.s32 $0x200, s15  }
0x23: {  	_ =	swait.ge [sflag:s11], $0x4000  }
0x24: {  	[sflag:s11] =	ssyncset.done $0x0  }
0x25: {  	s14 =	sadd.s32 $0x1, s14  }
0x26: {  	[sflag:s11] =	ssyncadd.s32 $0xFFFFC000;
	p0 =	sne.s32 s14, s9  }
.Ltmp1:
0x27: {  	[bflag:$0x0] =	sbarrier.arrive $0xFFFF;
	(pc) =	sbr.rel @p0 .LBB2_1-.Ltmp1, $4  }
0x28: {  	[hbm:s8], [sflag:s6] =	dma.local [spmem:s10], $0x2780  }
0x29: {  	_ =	swait.ge [sflag:s11], $0x2780  }
0x2a: {  	[sflag:s11] =	ssyncset.done $0x0  }
0x2b: {  	[sflag:s11] =	ssyncadd.s32 $0xFFFFD880  }
0x2c: {  	_ =	sfence.sel $0x180000  }
0x2d: {  	[bflag:$0x0] =	sbarrier.arrive $0xFFFF  }
0x2e: {  	p0 =	sne.s32 s0, $0x0;
	_ =	strace $0x9000004A  }
0x2f: {  	s0 =	sadd.s32 @!p0 $0x100000, s1;
	[bflag:$0x2] =	sbarrier.arrive $0xFFFF  }
0x30: {  	[sflag:s0] =	ssyncadd.tile.s32 @!p0 $0x1;
	_ =	shalt  }
.Lfunc_end2:
_tile_overlayer_lowered:
.L_overlay_start_2:
0x31: {  	(tag) =	ssettag $0x2  }
0x32: {  	s0 =	rddreg [dreg:$0x0];
	s2 =	stileid.u32  }
0x33: {  	s1 =	rddreg [dreg:$0x1];
	p0 =	sne.s32 s2, $0x0  }
0x34: {  	s3 =	rddreg [dreg:$0x2];
	[bflag:$0x3] =	sbarrier.arrive $0xFFFF;
	s2 =	simm.s32 @!p0 $0x1C01  }
0x35: {  	[timem:s3], [sflag:s2] =	dma.local @!p0 [hbm:s0], s1  }
0x36: {  	s0 =	simm.s32 @!p0 $0x1  }
0x37: {  	_ =	swait.ge @!p0 [sflag:s0], s1  }
0x38: {  	s1 =	ssub.s32 @!p0 $0x0, s1;
	[sflag:s0] =	ssyncset.done @!p0 $0x0  }
0x39: {  	[sflag:s0] =	ssyncadd.s32 @!p0 s1  }
0x3a: {  	[bflag:$0x3] =	sbarrier.arrive $0xFFFF  }
0x3b: {  	_ =	shalt  }

// kernel: kernel.15.cloned.1.call-start
scs
__scs_entry_jumppad:
0x0: {  	(pc) =	sbr.rel $0x88, $3  }
0x1: {  	(tag) =	ssettag $0x0;
	lr =	simm.s32 $0x1  }
0x2: {  	[smem:$0x3F93] =	sst lr;
	_ =	strace $0xD0000000  }
0x3: {  	_ = 	snop  }
0x4: {  	_ = 	snop  }
0x5: {  	_ = 	snop  }
0x6: {  	_ = 	snop  }
0x7: {  	_ = 	snop  }
__scs_overlays_trampoline_lowered:
0x8: {  	[smem:$0x3FA2] =	sst s0  }
0x9: {  	[smem:$0x3FA3] =	sst s1  }
0xa: {  	[smem:$0x3FA4] =	sst s2  }
0xb: {  	[smem:$0x3FA5] =	sst s3  }
0xc: {  	[smem:$0x3FA6] =	sst s4  }
0xd: {  	[smem:$0x3FA7] =	sst s5  }
0xe: {  	[smem:$0x3FA8] =	sst s6  }
0xf: {  	[smem:$0x3FA9] =	sst s7  }
0x10: {  	[smem:$0x3FAA] =	sst s8  }
0x11: {  	[smem:$0x3FAB] =	sst s9;
	s0 =	simm.s32 @!p0 $0x0  }
0x12: {  	s1 =	sld [smem:$0x3F91];
	s0 =	simm.s32 @p0 $0x1  }
0x13: {  	[smem:$0x3FAC] =	sst s0;
	s0 =	simm.s32 @!p1 $0x0  }
0x14: {  	s2 =	sld [smem:$0x3F90];
	s0 =	simm.s32 @p1 $0x1  }
0x15: {  	[smem:$0x3FAD] =	sst s0;
	s0 =	simm.s32 @!p2 $0x0  }
0x16: {  	s3 =	sld [smem:$0x3FDB];
	s0 =	simm.s32 @p2 $0x1  }
0x17: {  	s4 =	simm.s32 $0x1BF5;
	[smem:$0x3FAF] =	sst s0  }
0x18: {  	s0 =	sld [smem:$0x3F92];
	_ =	swait.ge [sflag:s4], $0x0  }
0x19: {  	s7 =	sld [smem:$0x3F93]  }
0x1a: {  	s8 =	sadd.s32 $0xFFFFE003, lr  }
0x1b: {  	s9 =	sadd.s32 $0xFFFFFEF7, lr;
	s5 =	simm.s32 $0xFFFFFFFF;
	p2 =	slt.u32 s8, $0xFFFFF086  }
0x1c: {  	p1 =	slt.u32 s9, $0xF7A;
	s5 =	simm.s32 @!p2 $0x0  }
0x1d: {  	s5 =	simm.s32 @p1 $0x1;
	p0 =	seq.s32 s7, s2  }
0x1e: {  	s7 =	smul.u32 @!p0 $0xF7A, s2;
	p2 =	seq.s32 @!p0 s5, $0x0  }
0x1f: {  	s9 =	smul.u32 $0xF7A, s1;
	s8 =	simm.s32 @!p0 $0x1BF5;
	p2 =	por !p2, p0  }
0x20: {  	[sflag:s8] =	ssyncset.s32 @!p0 $0xFFFFF086;
	s6 =	sadd.s32 @!p0 s3, s7;
	s7 =	simm.s32 @!p0 $0x108  }
0x21: {  	s3 =	sadd.s32 s3, s9;
	s6 =	sadd.s32 @!p0 $0x88, s6;
	s7 =	simm.s32 @p2 $0x1082  }
0x22: {  	[simem:s7], [sflag:s8] =	dma.local @!p0 [hbm:s6], $0xF7A  }
0x23: {  	s9 =	sor.u32 $0xD0000000, s2;
	s6 =	simm.s32 $0x108;
	_ =	swait.ge @!p0 [sflag:s8], $0x0  }
0x24: {  	s3 =	sadd.s32 $0x88, s3;
	s6 =	simm.s32 @!p1 $0x1082;
	[sflag:s4] =	ssyncset.s32 $0xFFFFF086  }
0x25: {  	[simem:s6], [sflag:s4] =	dma.local [hbm:s3], $0xF7A  }
0x26: {  	[smem:$0x3F93] =	sst s1;
	(tag) =	ssettag s2;
	_ =	strace s9  }
0x27: {  	s1 =	sld [smem:$0x3FA3]  }
0x28: {  	s2 =	sld [smem:$0x3FA4]  }
0x29: {  	s4 =	sld [smem:$0x3FA6]  }
0x2a: {  	p0 =	seq.s32 s5, $0x0;
	s5 =	sld [smem:$0x3FA7]  }
0x2b: {  	s6 =	sld [smem:$0x3FA8]  }
0x2c: {  	s7 =	sld [smem:$0x3FA9]  }
0x2d: {  	s3 =	simm.s32 $0x108;
	s8 =	sld [smem:$0x3FAA]  }
0x2e: {  	s3 =	simm.s32 @!p0 $0x1082;
	s9 =	sld [smem:$0x3FAB]  }
0x2f: {  	lr =	sadd.s32 s0, s3;
	s0 =	sld [smem:$0x3FA2]  }
0x30: {  	s3 =	sld [smem:$0x3FA5]  }
0x31: {  	[smem:$0x3FAE] =	sst s10  }
0x32: {  	s10 =	sld [smem:$0x3FAC];
	_ =	sdelay $0x3  }
0x33: {  	p0 =	seq.s32 s10, $0x1;
	s10 =	sld [smem:$0x3FAE];
	_ =	sdelay $0x3  }
0x34: {  	[smem:$0x3FAE] =	sst s10  }
0x35: {  	s10 =	sld [smem:$0x3FAD];
	_ =	sdelay $0x3  }
0x36: {  	p1 =	seq.s32 s10, $0x1;
	s10 =	sld [smem:$0x3FAE];
	_ =	sdelay $0x3  }
0x37: {  	[smem:$0x3FAE] =	sst s10  }
0x38: {  	s10 =	sld [smem:$0x3FAF]  }
0x39: {  	_ = 	snop;
	(pc) =	sbr.ind lr, $3  }
0x3a: {  	_ = 	snop  }
0x3b: {  	_ = 	snop  }
0x3c: {  	p2 =	seq.s32 s10, $0x1;
	s10 =	sld [smem:$0x3FAE]  }
0x3d: {  	_ =	shalt  }
0x3e: {  	_ =	shalt  }
0x3f: {  	_ =	shalt  }
0x40: {  	_ =	shalt  }
0x41: {  	_ =	shalt  }
0x42: {  	_ =	shalt  }
0x43: {  	_ =	shalt  }
0x44: {  	_ =	shalt  }
0x45: {  	_ =	shalt  }
0x46: {  	_ =	shalt  }
0x47: {  	_ =	shalt  }
0x48: {  	_ =	shalt  }
0x49: {  	_ =	shalt  }
0x4a: {  	_ =	shalt  }
0x4b: {  	_ =	shalt  }
0x4c: {  	_ =	shalt  }
0x4d: {  	_ =	shalt  }
0x4e: {  	_ =	shalt  }
0x4f: {  	_ =	shalt  }
0x50: {  	_ =	shalt  }
0x51: {  	_ =	shalt  }
0x52: {  	_ =	shalt  }
0x53: {  	_ =	shalt  }
0x54: {  	_ =	shalt  }
0x55: {  	_ =	shalt  }
0x56: {  	_ =	shalt  }
0x57: {  	_ =	shalt  }
0x58: {  	_ =	shalt  }
0x59: {  	_ =	shalt  }
0x5a: {  	_ =	shalt  }
0x5b: {  	_ =	shalt  }
0x5c: {  	_ =	shalt  }
0x5d: {  	_ =	shalt  }
0x5e: {  	_ =	shalt  }
0x5f: {  	_ =	shalt  }
0x60: {  	_ =	shalt  }
0x61: {  	_ =	shalt  }
0x62: {  	_ =	shalt  }
0x63: {  	_ =	shalt  }
0x64: {  	_ =	shalt  }
0x65: {  	_ =	shalt  }
0x66: {  	_ =	shalt  }
0x67: {  	_ =	shalt  }
0x68: {  	_ =	shalt  }
0x69: {  	_ =	shalt  }
0x6a: {  	_ =	shalt  }
0x6b: {  	_ =	shalt  }
0x6c: {  	_ =	shalt  }
0x6d: {  	_ =	shalt  }
0x6e: {  	_ =	shalt  }
0x6f: {  	_ =	shalt  }
0x70: {  	_ =	shalt  }
0x71: {  	_ =	shalt  }
0x72: {  	_ =	shalt  }
0x73: {  	_ =	shalt  }
0x74: {  	_ =	shalt  }
0x75: {  	_ =	shalt  }
0x76: {  	_ =	shalt  }
0x77: {  	_ =	shalt  }
0x78: {  	_ =	shalt  }
0x79: {  	_ =	shalt  }
0x7a: {  	_ =	shalt  }
0x7b: {  	_ =	shalt  }
0x7c: {  	_ =	shalt  }
0x7d: {  	_ =	shalt  }
0x7e: {  	_ =	shalt  }
0x7f: {  	_ =	shalt  }
0x80: {  	_ =	shalt  }
0x81: {  	_ =	shalt  }
0x82: {  	_ =	shalt  }
0x83: {  	_ =	shalt  }
0x84: {  	_ =	shalt  }
0x85: {  	_ =	shalt  }
0x86: {  	_ =	shalt  }
0x87: {  	_ =	shalt  }
.Lfunc_end0:
.L_simem_size_0:
called_computation.1_lowered:
.L_overlay_start_0:
0x88: {  	s2 =	sld [smem:$0x3FD9]  }
0x89: {  	s3 =	sld [smem:$0x3FFE];
	_ =	sdelay $0x1  }
0x8a: {  	s1 =	srdreg.scid  }
0x8b: {  	s0 =	sand.u32 $0x1, s1  }
0x8c: {  	s17 =	sshll.u32 s0, $0xA;
	s2 =	sadd.s32 s3, s2  }
0x8d: {  	s2 =	sadd.s32 s2, s17  }
0x8e: {  	[smem:$0x3FBA] =	sst s2  }
0x8f: {  	_ = 	snop  }
0x90: {  	s2 =	sld [smem:$0x3FD0];
	(tm) =	ssettm $0x1  }
0x91: {  	s18 =	sld [smem:$0x3FFB];
	_ =	sdelay $0x3  }
0x92: {  	_ =	strace s18  }
0x93: {  	s3 =	sld [smem:$0x3FFC];
	_ =	sdelay $0x3  }
0x94: {  	_ =	strace s3  }
0x95: {  	s3 =	sld [smem:$0x3FFD];
	_ =	sdelay $0x3  }
0x96: {  	_ =	strace s3  }
0x97: {  	_ =	strace $0x8FFFFFFF  }
0x98: {  	s19 =	sld [smem:$0x3FDB];
	_ =	sdelay $0x1  }
0x99: {  	s4 =	simm.s32 $_scs_section_size  }
0x9a: {  	s5 =	simm.s32 $_size__tile_overlayer_lowered;
	s6 =	simm.s32 $_tile_overlayer_lowered  }
0x9b: {  	s22 =	simm.s32 $0x1BFF;
	s21 =	sshll.u32 s6, $0x1;
	s3 =	sadd.s32 s4, s19  }
0x9c: {  	s7 =	simm.s32 $0x0;
	s20 =	sshll.u32 s5, $0x1;
	s5 =	sadd.s32 s21, s3  }
0x9d: {  	[timem:s7], [sflag:s22] =	dma.local [hbm:s5], s20  }
0x9e: {  	_ =	swait.ge [sflag:s22], s20  }
0x9f: {  	s4 =	ssub.s32 $0x0, s20;
	[sflag:s22] =	ssyncset.done $0x0  }
0xa0: {  	[sflag:s22] =	ssyncadd.s32 s4;
	_ =	sdelay $0x1  }
0xa1: {  	s23 =	simm.s32 $0x1B8B  }
0xa2: {  	_ =	swait.ge [sflag:s23], $0x1  }
0xa3: {  	[sflag:s23] =	ssyncset.done $0x0  }
0xa4: {  	s25 =	simm.s32 $0x1B8E;
	s24 =	sld [smem:$0x3FFE];
	[sflag:s23] =	ssyncadd.s32 $0xFFFFFFFF  }
0xa5: {  	s26 =	simm.s32 $execute0_lowered;
	[smem:$0x3FD2] =	sst s25  }
0xa6: {  	s5 =	sshll.u32 s26, $0x1;
	_ =	strace $0x80000046;
	[dreg:$0x1] =	wrdreg $0xFFFFFFFF  }
0xa7: {  	s28 =	simm.s32 $_size_execute0_lowered;
	s3 =	sadd.s32 s3, s5;
	[dreg:$0x0] =	wrdreg $0x0  }
0xa8: {  	s5 =	sshll.u32 s28, $0x1;
	[dreg:$0x2] =	wrdreg s3  }
0xa9: {  	[dreg:$0x3] =	wrdreg s5  }
0xaa: {  	[dreg:$0x4] =	wrdreg $0xC0  }
0xab: {  	_ =	task [dreg:s7], $0x5FFFF  }
0xac: {  	[dreg:$0x1] =	wrdreg $0xFFFFFFFF  }
0xad: {  	[dreg:$0x0] =	wrdreg $0x60  }
0xae: {  	[dreg:$0x2] =	wrdreg s2  }
0xaf: {  	[dreg:$0x3] =	wrdreg s24  }
0xb0: {  	[dreg:$0x4] =	wrdreg $0xBC000  }
0xb1: {  	[dreg:$0x5] =	wrdreg $0xA  }
0xb2: {  	_ =	task.clear_ibuf [dreg:s7], $0x6FFFF;
	_ =	strace $0x90000046  }
0xb3: {  	s29 =	simm.s32 $0xA;
	_ =	strace $0x80000048  }
0xb4: {  	_ =	swait.ge [sflag:s29], $0x1  }
0xb5: {  	[sflag:s29] =	ssyncadd.s32 $0xFFFFFFFF  }
0xb6: {  	_ =	strace $0x90000048  }
0xb7: {  	_ =	sfence  }
0xb8: {  	s30 =	sld [smem:$0x0];
	_ =	sdelay $0x2  }
0xb9: {  	s31 =	sshll.u32 s1, $0xD;
	s1 =	sshrl.u32 s1, $0x2  }
0xba: {  	s3 =	sand.u32 $0x4000, s31;
	s1 =	sadd.s32 s1, s30  }
0xbb: {  	s0 =	sor.u32 s3, s0;
	s1 =	sshll.u32 s1, $0x11  }
0xbc: {  	s0 =	sor.u32 s1, s0  }
0xbd: {  	s0 =	sadd.s32 $0x8F2B, s0  }
0xbe: {  	[sflag:s0] =	ssyncadd.remote.s32 $0x1  }
0xbf: {  	_ =	sfence.sel $0xFFFF  }
0xc0: {  	[dreg:$0x0] =	wrdreg $0xFFFFFFFF;
	(pc) =	sbr.abs _section_cstart, $3  }
0xc1: {  	[dreg:$0x1] =	wrdreg $0xFFFFFFFF  }
0xc2: {  	_ =	task.clear_ibuf [dreg:s7], $0x2FFFF;
	_ =	strace $0x9FFFFFFF  }
0xc3: {  	(tm) =	ssettm $0x7FFFFFFF  }
tec
execute0_lowered:
.L_overlay_start_1:
0x0: {  	(tag) =	ssettag $0x1  }
0x1: {  	s2 =	srdreg.scid;
	s1 =	rddreg [dreg:$0x0]  }
0x2: {  	s0 =	stileid.u32;
	s7 =	rddreg [dreg:$0x1]  }
0x3: {  	s3 =	rddreg [dreg:$0x2];
	s4 =	simm.s32 $0x0;
	s16 =	simm.s32 $0x2800  }
0x4: {  	s17 =	simm.s32 $0x7C00;
	s18 =	simm.s32 $0x1;
	s19 =	simm.s32 $0x2  }
0x5: {  	s20 =	simm.s32 $0x2780;
	s21 =	simm.s32 $0x3B00;
	s22 =	simm.s32 $0x3B80  }
0x6: {  	s23 =	simm.s32 $0x0;
	s6 =	sand.u32 $0x1, s2;
	s2 =	rddreg [dreg:$0x3]  }
0x7: {  	s24 =	sshll.u32 s0, $0x1;
	[smem:$0x7FF] =	sst s4;
	s11 =	smul.u32 $0x13C00, s0  }
0x8: {  	s13 =	sadd.s32 $0xDA00, s7;
	s5 =	sadd.s32 $0x17A00, s7;
	s25 =	smul.u32 $0x4F000, s0  }
0x9: {  	s29 =	sshll.u32 s0, $0x6;
	s8 =	sor.u32 s6, s24;
	s10 =	smul.u32 $0x13C000, s6  }
0xa: {  	_ =	strace $0x80000047;
	s6 =	ssub.s32 $0x2, s6;
	s9 =	smul.u32 $0x500, s8  }
0xb: {  	s26 =	sshrl.u32 s6, $0x1;
	s8 =	smul.u32 $0x2800, s8;
	s28 =	sshrl.u32 s25, $0x2  }
0xc: {  	s10 =	sadd.s32 s11, s10;
	s14 =	ssub.s32 s6, s26;
	s15 =	sadd.s32 s28, s3  }
0xd: {  	s6 =	sor.u32 $0x1C03, s29;
	s12 =	sadd.s32 s9, s7;
	s10 =	sshrl.u32 s10, $0x3  }
0xe: {  	s30 =	sshrl.u32 s8, $0x3;
	s8 =	sadd.s32 s13, s9;
	s11 =	smax.u32 s14, $0x1  }
0xf: {  	s14 =	simm.s32 $0x80;
	s10 =	sadd.s32 s10, s7;
	s7 =	sadd.s32 $0x3A00, s12  }
0x10: {  	s31 =	sadd.s32 s13, s30;
	s12 =	sshrl.u32 s15, $0x3;
	s13 =	simm.s32 $0x3  }
0x11: {  	s15 =	simm.s32 $0x3C00;
	s9 =	sadd.s32 $0x280, s31;
	s10 =	sadd.s32 $0x1A200, s10  }
.LBB2_1:
0x12: {  	[spmem:s12], [sflag:s6] =	dma.local [hbm:s5], $0x2780  }
0x13: {  	_ =	swait.ge [sflag:s13], $0x2780  }
0x14: {  	[sflag:s13] =	ssyncset.done $0x0  }
0x15: {  	[sflag:s13] =	ssyncadd.s32 $0xFFFFD880  }
0x16: {  	[bflag:$0x0] =	sbarrier.arrive $0xFFFF  }
0x17: {  	[tilespmem:s4], [sflag:$0x3] =	stream.linear.gather [hbm4b:s7+s4], $0x2800, $0x38;
	[tilespmem:$0x1F800] =	vst v63  }
0x18: {  	_ =	swait.ge [sflag:s13], $0x2800  }
0x19: {  	[sflag:s13] =	ssyncset.done $0x0  }
0x1a: {  	[sflag:s13] =	ssyncadd.s32 $0xFFFFD800  }
0x1b: {  	[tilespmem:s15], [sflag:$0x1] =	stream.indirect.gather [hbm4b:s1+s14], $0x80, s4, s14, $0xb8;
	[tilespmem:$0x1F800] =	vst v63  }
0x1c: {  	_ = 	snop  }
0x1d: {  	[tilespmem:s16], [sflag:$0x3] =	stream.linear.gather [hbm4b:s8+s4], $0x1400, $0x38;
	[tilespmem:$0x1F800] =	vst v63  }
0x1e: {  	_ =	swait.ge [sflag:s13], $0x1400  }
0x1f: {  	[sflag:s13] =	ssyncset.done $0x0  }
0x20: {  	s24 =	simm.s32 $0x80;
	[sflag:s13] =	ssyncadd.s32 $0xFFFFEC00  }
0x21: {  	[tilespmem:s17], [sflag:$0x2] =	stream.indirect.gather [hbm4b:s1+s14], $0x80, s24, s14, $0xb8;
	[tilespmem:$0x1F800] =	vst v63  }
0x22: {  	_ =	swait.ge [sflag:s18], $0x4000  }
0x23: {  	[sflag:s18] =	ssyncset.done $0x0  }
0x24: {  	s29 =	simm.s32 $0x2800;
	[sflag:s18] =	ssyncadd.s32 $0xFFFFC000  }
0x25: {  	[spmem:s3] =	stream.indirect.scatter.add.f32 [tilespmem:s15], [sflag:$0x3], $0x80, s29, s14, $0xb8;
	[tilespmem:$0x1F800] =	vst v63  }
0x26: {  	_ =	swait.ge [sflag:s13], $0x4000  }
0x27: {  	[sflag:s13] =	ssyncset.done $0x0  }
0x28: {  	s30 =	simm.s32 $0x100;
	[sflag:s13] =	ssyncadd.s32 $0xFFFFC000  }
0x29: {  	[tilespmem:s15], [sflag:$0x1] =	stream.indirect.gather [hbm4b:s1+s14], $0x80, s30, s14, $0xb8;
	[tilespmem:$0x1F800] =	vst v63  }
0x2a: {  	_ =	swait.ge [sflag:s19], $0x4000  }
0x2b: {  	[sflag:s19] =	ssyncset.done $0x0  }
0x2c: {  	s31 =	simm.s32 $0x2880;
	[sflag:s19] =	ssyncadd.s32 $0xFFFFC000  }
0x2d: {  	[spmem:s3] =	stream.indirect.scatter.add.f32 [tilespmem:s17], [sflag:$0x3], $0x80, s31, s14, $0xb8;
	[tilespmem:$0x1F800] =	vst v63  }
0x2e: {  	_ =	swait.ge [sflag:s13], $0x4000  }
0x2f: {  	s25 =	simm.s32 $0x800;
	s24 =	simm.s32 $0x100;
	[sflag:s13] =	ssyncset.done $0x0  }
.LBB2_2:
0x30: {  	s26 =	sadd.s32 $0x80, s24  }
0x31: {  	[sflag:s13] =	ssyncadd.s32 $0xFFFFC000;
	s28 =	smov.u32 s25;
	s29 =	sadd.s32 $0x400, s25  }
0x32: {  	[tilespmem:s17], [sflag:$0x2] =	stream.indirect.gather [hbm4b:s1+s14], $0x80, s26, s14, $0xb8;
	[tilespmem:$0x1F800] =	vst v63  }
0x33: {  	p0 =	sne.s32 s25, $0x4C00;
	_ =	swait.ge [sflag:s18], $0x4000  }
0x34: {  	[sflag:s18] =	ssyncset.done $0x0  }
0x35: {  	s25 =	sadd.s32 $0x2800, s24;
	[sflag:s18] =	ssyncadd.s32 $0xFFFFC000  }
0x36: {  	[spmem:s3] =	stream.indirect.scatter.add.f32 [tilespmem:s15], [sflag:$0x3], $0x80, s25, s14, $0xb8;
	[tilespmem:$0x1F800] =	vst v63  }
0x37: {  	_ =	swait.ge [sflag:s13], $0x4000  }
0x38: {  	[sflag:s13] =	ssyncset.done $0x0  }
0x39: {  	s25 =	sadd.s32 $0x100, s24;
	[sflag:s13] =	ssyncadd.s32 $0xFFFFC000  }
0x3a: {  	[tilespmem:s15], [sflag:$0x1] =	stream.indirect.gather [hbm4b:s1+s14], $0x80, s25, s14, $0xb8;
	[tilespmem:$0x1F800] =	vst v63  }
0x3b: {  	_ =	swait.ge [sflag:s19], $0x4000  }
.Ltmp0:
0x3c: {  	[sflag:s19] =	ssyncset.done $0x0;
	(pc) =	sbr.rel @p0 .LBB2_2-.Ltmp0, $4  }
0x3d: {  	s24 =	sadd.s32 $0x2880, s24;
	[sflag:s19] =	ssyncadd.s32 $0xFFFFC000  }
0x3e: {  	[spmem:s3] =	stream.indirect.scatter.add.f32 [tilespmem:s17], [sflag:$0x3], $0x80, s24, s14, $0xb8;
	[tilespmem:$0x1F800] =	vst v63  }
0x3f: {  	_ =	swait.ge [sflag:s13], $0x4000  }
0x40: {  	s25 =	smov.u32 s29;
	s24 =	sshra.s32 s28, $0x2;
	[sflag:s13] =	ssyncset.done $0x0  }
0x41: {  	s25 =	sadd.s32 $0x80, s24;
	[sflag:s13] =	ssyncadd.s32 $0xFFFFC000  }
0x42: {  	[tilespmem:s17], [sflag:$0x2] =	stream.indirect.gather [hbm4b:s1+s14], $0x80, s25, s14, $0xb8;
	[tilespmem:$0x1F800] =	vst v63  }
0x43: {  	_ =	swait.ge [sflag:s18], $0x4000  }
0x44: {  	[sflag:s18] =	ssyncset.done $0x0  }
0x45: {  	s30 =	sadd.s32 $0x2800, s24;
	[sflag:s18] =	ssyncadd.s32 $0xFFFFC000  }
0x46: {  	[spmem:s3] =	stream.indirect.scatter.add.f32 [tilespmem:s15], [sflag:$0x3], $0x80, s30, s14, $0xb8;
	[tilespmem:$0x1F800] =	vst v63  }
0x47: {  	_ =	swait.ge [sflag:s13], $0x4000  }
0x48: {  	[sflag:s13] =	ssyncset.done $0x0  }
0x49: {  	s31 =	sadd.s32 $0x100, s24;
	[sflag:s13] =	ssyncadd.s32 $0xFFFFC000  }
0x4a: {  	[tilespmem:s15], [sflag:$0x1] =	stream.indirect.gather [hbm4b:s1+s14], $0x80, s31, s14, $0xb8;
	[tilespmem:$0x1F800] =	vst v63  }
0x4b: {  	_ =	swait.ge [sflag:s19], $0x4000  }
0x4c: {  	[sflag:s19] =	ssyncset.done $0x0  }
0x4d: {  	s25 =	sadd.s32 $0x2880, s24;
	[sflag:s19] =	ssyncadd.s32 $0xFFFFC000  }
0x4e: {  	[spmem:s3] =	stream.indirect.scatter.add.f32 [tilespmem:s17], [sflag:$0x3], $0x80, s25, s14, $0xb8;
	[tilespmem:$0x1F800] =	vst v63  }
0x4f: {  	_ =	swait.ge [sflag:s13], $0x4000  }
0x50: {  	[sflag:s13] =	ssyncset.done $0x0  }
0x51: {  	s26 =	simm.s32 $0x0;
	[sflag:s13] =	ssyncadd.s32 $0xFFFFC000  }
0x52: {  	[tilespmem:s16], [sflag:$0x3] =	stream.linear.gather [hbm4b:s9+s26], $0x1400, $0x38;
	[tilespmem:$0x1F800] =	vst v63  }
0x53: {  	_ =	swait.ge [sflag:s13], $0x1400  }
0x54: {  	[sflag:s13] =	ssyncset.done $0x0  }
0x55: {  	s28 =	simm.s32 $0x1480;
	[sflag:s13] =	ssyncadd.s32 $0xFFFFEC00  }
0x56: {  	[tilespmem:s17], [sflag:$0x2] =	stream.indirect.gather [hbm4b:s1+s14], $0x80, s28, s14, $0xb8;
	[tilespmem:$0x1F800] =	vst v63  }
0x57: {  	_ =	swait.ge [sflag:s18], $0x4000  }
0x58: {  	[sflag:s18] =	ssyncset.done $0x0  }
0x59: {  	s29 =	simm.s32 $0x2800;
	[sflag:s18] =	ssyncadd.s32 $0xFFFFC000  }
0x5a: {  	[spmem:s3] =	stream.indirect.scatter.add.f32 [tilespmem:s15], [sflag:$0x3], $0x80, s29, s14, $0xb8;
	[tilespmem:$0x1F800] =	vst v63  }
0x5b: {  	_ =	swait.ge [sflag:s13], $0x4000  }
0x5c: {  	[sflag:s13] =	ssyncset.done $0x0  }
0x5d: {  	s30 =	simm.s32 $0x1500;
	[sflag:s13] =	ssyncadd.s32 $0xFFFFC000  }
0x5e: {  	[tilespmem:s15], [sflag:$0x1] =	stream.indirect.gather [hbm4b:s1+s14], $0x80, s30, s14, $0xb8;
	[tilespmem:$0x1F800] =	vst v63  }
0x5f: {  	_ =	swait.ge [sflag:s19], $0x4000  }
0x60: {  	[sflag:s19] =	ssyncset.done $0x0  }
0x61: {  	s31 =	simm.s32 $0x2880;
	[sflag:s19] =	ssyncadd.s32 $0xFFFFC000  }
0x62: {  	[spmem:s3] =	stream.indirect.scatter.add.f32 [tilespmem:s17], [sflag:$0x3], $0x80, s31, s14, $0xb8;
	[tilespmem:$0x1F800] =	vst v63  }
0x63: {  	_ =	swait.ge [sflag:s13], $0x4000  }
0x64: {  	s24 =	simm.s32 $0x100;
	s25 =	simm.s32 $0x800;
	[sflag:s13] =	ssyncset.done $0x0  }
.LBB2_4:
0x65: {  	s26 =	sadd.s32 $0x1480, s24  }
0x66: {  	[sflag:s13] =	ssyncadd.s32 $0xFFFFC000;
	s28 =	smov.u32 s25;
	s29 =	sadd.s32 $0x400, s25  }
0x67: {  	[tilespmem:s17], [sflag:$0x2] =	stream.indirect.gather [hbm4b:s1+s14], $0x80, s26, s14, $0xb8;
	[tilespmem:$0x1F800] =	vst v63  }
0x68: {  	p0 =	sne.s32 s25, $0x4800;
	_ =	swait.ge [sflag:s18], $0x4000  }
0x69: {  	[sflag:s18] =	ssyncset.done $0x0  }
0x6a: {  	s25 =	sadd.s32 $0x2800, s24;
	[sflag:s18] =	ssyncadd.s32 $0xFFFFC000  }
0x6b: {  	[spmem:s3] =	stream.indirect.scatter.add.f32 [tilespmem:s15], [sflag:$0x3], $0x80, s25, s14, $0xb8;
	[tilespmem:$0x1F800] =	vst v63  }
0x6c: {  	_ =	swait.ge [sflag:s13], $0x4000  }
0x6d: {  	[sflag:s13] =	ssyncset.done $0x0  }
0x6e: {  	s25 =	sadd.s32 $0x1500, s24;
	[sflag:s13] =	ssyncadd.s32 $0xFFFFC000  }
0x6f: {  	[tilespmem:s15], [sflag:$0x1] =	stream.indirect.gather [hbm4b:s1+s14], $0x80, s25, s14, $0xb8;
	[tilespmem:$0x1F800] =	vst v63  }
0x70: {  	_ =	swait.ge [sflag:s19], $0x4000  }
.Ltmp1:
0x71: {  	[sflag:s19] =	ssyncset.done $0x0;
	(pc) =	sbr.rel @p0 .LBB2_4-.Ltmp1, $4  }
0x72: {  	s24 =	sadd.s32 $0x2880, s24;
	[sflag:s19] =	ssyncadd.s32 $0xFFFFC000  }
0x73: {  	[spmem:s3] =	stream.indirect.scatter.add.f32 [tilespmem:s17], [sflag:$0x3], $0x80, s24, s14, $0xb8;
	[tilespmem:$0x1F800] =	vst v63  }
0x74: {  	_ =	swait.ge [sflag:s13], $0x4000  }
0x75: {  	s25 =	smov.u32 s29;
	s24 =	sshra.s32 s28, $0x2;
	[sflag:s13] =	ssyncset.done $0x0  }
0x76: {  	s25 =	sadd.s32 $0x1480, s24;
	[sflag:s13] =	ssyncadd.s32 $0xFFFFC000  }
0x77: {  	[tilespmem:s17], [sflag:$0x2] =	stream.indirect.gather [hbm4b:s1+s14], $0x80, s25, s14, $0xb8;
	[tilespmem:$0x1F800] =	vst v63  }
0x78: {  	_ =	swait.ge [sflag:s18], $0x4000  }
0x79: {  	[sflag:s18] =	ssyncset.done $0x0  }
0x7a: {  	s29 =	sadd.s32 $0x2800, s24;
	[sflag:s18] =	ssyncadd.s32 $0xFFFFC000  }
0x7b: {  	[spmem:s3] =	stream.indirect.scatter.add.f32 [tilespmem:s15], [sflag:$0x3], $0x80, s29, s14, $0xb8;
	[tilespmem:$0x1F800] =	vst v63  }
0x7c: {  	_ =	swait.ge [sflag:s13], $0x4000  }
0x7d: {  	[sflag:s13] =	ssyncset.done $0x0  }
0x7e: {  	s30 =	sadd.s32 $0x1500, s24;
	[sflag:s13] =	ssyncadd.s32 $0xFFFFC000  }
0x7f: {  	[tilespmem:s15], [sflag:$0x1] =	stream.indirect.gather [hbm4b:s1+s14], $0x80, s30, s14, $0xb8;
	[tilespmem:$0x1F800] =	vst v63  }
0x80: {  	_ =	swait.ge [sflag:s19], $0x4000  }
0x81: {  	[sflag:s19] =	ssyncset.done $0x0  }
0x82: {  	s31 =	sadd.s32 $0x2880, s24;
	[sflag:s19] =	ssyncadd.s32 $0xFFFFC000  }
0x83: {  	[spmem:s3] =	stream.indirect.scatter.add.f32 [tilespmem:s17], [sflag:$0x3], $0x80, s31, s14, $0xb8;
	[tilespmem:$0x1F800] =	vst v63  }
0x84: {  	_ =	swait.ge [sflag:s13], $0x4000  }
0x85: {  	[sflag:s13] =	ssyncset.done $0x0  }
0x86: {  	[sflag:s13] =	ssyncadd.s32 $0xFFFFC000  }
0x87: {  	[tilespmem:s17], [sflag:$0x2] =	stream.indirect.gather [hbm4b:s1+s14], $0x80, s20, s14, $0xb8;
	[tilespmem:$0x1F800] =	vst v63  }
0x88: {  	_ =	swait.ge [sflag:s18], $0x4000  }
0x89: {  	[sflag:s18] =	ssyncset.done $0x0  }
0x8a: {  	[sflag:s18] =	ssyncadd.s32 $0xFFFFC000  }
0x8b: {  	[spmem:s3] =	stream.indirect.scatter.add.f32 [tilespmem:s15], [sflag:$0x3], $0x80, s21, s14, $0xb8;
	[tilespmem:$0x1F800] =	vst v63  }
0x8c: {  	_ =	swait.ge [sflag:s13], $0x4000  }
0x8d: {  	[sflag:s13] =	ssyncset.done $0x0  }
0x8e: {  	[sflag:s13] =	ssyncadd.s32 $0xFFFFC000  }
0x8f: {  	_ =	swait.ge [sflag:s19], $0x4000  }
0x90: {  	[sflag:s19] =	ssyncset.done $0x0  }
0x91: {  	[sflag:s19] =	ssyncadd.s32 $0xFFFFC000  }
0x92: {  	[spmem:s3] =	stream.indirect.scatter.add.f32 [tilespmem:s17], [sflag:$0x3], $0x80, s22, s14, $0xb8;
	[tilespmem:$0x1F800] =	vst v63  }
0x93: {  	_ =	swait.ge [sflag:s13], $0x4000  }
0x94: {  	s23 =	sadd.s32 $0x1, s23;
	[sflag:s13] =	ssyncset.done $0x0  }
0x95: {  	p0 =	sne.s32 s23, s11;
	[sflag:s13] =	ssyncadd.s32 $0xFFFFC000  }
.Ltmp2:
0x96: {  	[bflag:$0x0] =	sbarrier.arrive $0xFFFF;
	(pc) =	sbr.rel @p0 .LBB2_1-.Ltmp2, $4  }
0x97: {  	[hbm:s10], [sflag:s6] =	dma.local [spmem:s12], $0x2780  }
0x98: {  	_ =	swait.ge [sflag:s13], $0x2780  }
0x99: {  	[sflag:s13] =	ssyncset.done $0x0  }
0x9a: {  	[sflag:s13] =	ssyncadd.s32 $0xFFFFD880  }
0x9b: {  	_ =	sfence.sel $0x180000  }
0x9c: {  	[bflag:$0x0] =	sbarrier.arrive $0xFFFF  }
0x9d: {  	p0 =	sne.s32 s0, $0x0;
	_ =	strace $0x90000047  }
0x9e: {  	s0 =	sadd.s32 @!p0 $0x100000, s2;
	[bflag:$0x2] =	sbarrier.arrive $0xFFFF  }
0x9f: {  	[sflag:s0] =	ssyncadd.tile.s32 @!p0 $0x1;
	_ =	shalt  }
.Lfunc_end2:
_tile_overlayer_lowered:
.L_overlay_start_2:
0xa0: {  	(tag) =	ssettag $0x2  }
0xa1: {  	s0 =	rddreg [dreg:$0x0];
	s2 =	stileid.u32  }
0xa2: {  	s1 =	rddreg [dreg:$0x1];
	p0 =	sne.s32 s2, $0x0  }
0xa3: {  	s3 =	rddreg [dreg:$0x2];
	[bflag:$0x3] =	sbarrier.arrive $0xFFFF;
	s2 =	simm.s32 @!p0 $0x1C03  }
0xa4: {  	[timem:s3], [sflag:s2] =	dma.local @!p0 [hbm:s0], s1  }
0xa5: {  	s0 =	simm.s32 @!p0 $0x3  }
0xa6: {  	_ =	swait.ge @!p0 [sflag:s0], s1  }
0xa7: {  	s1 =	ssub.s32 @!p0 $0x0, s1;
	[sflag:s0] =	ssyncset.done @!p0 $0x0  }
0xa8: {  	[sflag:s0] =	ssyncadd.s32 @!p0 s1  }
0xa9: {  	[bflag:$0x3] =	sbarrier.arrive $0xFFFF  }
0xaa: {  	_ =	shalt  }

// kernel: kernel.18.cloned.1.call-start
scs
__scs_entry_jumppad:
0x0: {  	(pc) =	sbr.rel $0x88, $3  }
0x1: {  	(tag) =	ssettag $0x0;
	lr =	simm.s32 $0x1  }
0x2: {  	[smem:$0x3F93] =	sst lr;
	_ =	strace $0xD0000000  }
0x3: {  	_ = 	snop  }
0x4: {  	_ = 	snop  }
0x5: {  	_ = 	snop  }
0x6: {  	_ = 	snop  }
0x7: {  	_ = 	snop  }
__scs_overlays_trampoline_lowered:
0x8: {  	[smem:$0x3FA2] =	sst s0  }
0x9: {  	[smem:$0x3FA3] =	sst s1  }
0xa: {  	[smem:$0x3FA4] =	sst s2  }
0xb: {  	[smem:$0x3FA5] =	sst s3  }
0xc: {  	[smem:$0x3FA6] =	sst s4  }
0xd: {  	[smem:$0x3FA7] =	sst s5  }
0xe: {  	[smem:$0x3FA8] =	sst s6  }
0xf: {  	[smem:$0x3FA9] =	sst s7  }
0x10: {  	[smem:$0x3FAA] =	sst s8  }
0x11: {  	[smem:$0x3FAB] =	sst s9;
	s0 =	simm.s32 @!p0 $0x0  }
0x12: {  	s1 =	sld [smem:$0x3F91];
	s0 =	simm.s32 @p0 $0x1  }
0x13: {  	[smem:$0x3FAC] =	sst s0;
	s0 =	simm.s32 @!p1 $0x0  }
0x14: {  	s2 =	sld [smem:$0x3F90];
	s0 =	simm.s32 @p1 $0x1  }
0x15: {  	[smem:$0x3FAD] =	sst s0;
	s0 =	simm.s32 @!p2 $0x0  }
0x16: {  	s3 =	sld [smem:$0x3FDB];
	s0 =	simm.s32 @p2 $0x1  }
0x17: {  	s4 =	simm.s32 $0x1BF5;
	[smem:$0x3FAF] =	sst s0  }
0x18: {  	s0 =	sld [smem:$0x3F92];
	_ =	swait.ge [sflag:s4], $0x0  }
0x19: {  	s7 =	sld [smem:$0x3F93]  }
0x1a: {  	s8 =	sadd.s32 $0xFFFFE003, lr  }
0x1b: {  	s9 =	sadd.s32 $0xFFFFFEF7, lr;
	s5 =	simm.s32 $0xFFFFFFFF;
	p2 =	slt.u32 s8, $0xFFFFF086  }
0x1c: {  	p1 =	slt.u32 s9, $0xF7A;
	s5 =	simm.s32 @!p2 $0x0  }
0x1d: {  	s5 =	simm.s32 @p1 $0x1;
	p0 =	seq.s32 s7, s2  }
0x1e: {  	s7 =	smul.u32 @!p0 $0xF7A, s2;
	p2 =	seq.s32 @!p0 s5, $0x0  }
0x1f: {  	s9 =	smul.u32 $0xF7A, s1;
	s8 =	simm.s32 @!p0 $0x1BF5;
	p2 =	por !p2, p0  }
0x20: {  	[sflag:s8] =	ssyncset.s32 @!p0 $0xFFFFF086;
	s6 =	sadd.s32 @!p0 s3, s7;
	s7 =	simm.s32 @!p0 $0x108  }
0x21: {  	s3 =	sadd.s32 s3, s9;
	s6 =	sadd.s32 @!p0 $0x88, s6;
	s7 =	simm.s32 @p2 $0x1082  }
0x22: {  	[simem:s7], [sflag:s8] =	dma.local @!p0 [hbm:s6], $0xF7A  }
0x23: {  	s9 =	sor.u32 $0xD0000000, s2;
	s6 =	simm.s32 $0x108;
	_ =	swait.ge @!p0 [sflag:s8], $0x0  }
0x24: {  	s3 =	sadd.s32 $0x88, s3;
	s6 =	simm.s32 @!p1 $0x1082;
	[sflag:s4] =	ssyncset.s32 $0xFFFFF086  }
0x25: {  	[simem:s6], [sflag:s4] =	dma.local [hbm:s3], $0xF7A  }
0x26: {  	[smem:$0x3F93] =	sst s1;
	(tag) =	ssettag s2;
	_ =	strace s9  }
0x27: {  	s1 =	sld [smem:$0x3FA3]  }
0x28: {  	s2 =	sld [smem:$0x3FA4]  }
0x29: {  	s4 =	sld [smem:$0x3FA6]  }
0x2a: {  	p0 =	seq.s32 s5, $0x0;
	s5 =	sld [smem:$0x3FA7]  }
0x2b: {  	s6 =	sld [smem:$0x3FA8]  }
0x2c: {  	s7 =	sld [smem:$0x3FA9]  }
0x2d: {  	s3 =	simm.s32 $0x108;
	s8 =	sld [smem:$0x3FAA]  }
0x2e: {  	s3 =	simm.s32 @!p0 $0x1082;
	s9 =	sld [smem:$0x3FAB]  }
0x2f: {  	lr =	sadd.s32 s0, s3;
	s0 =	sld [smem:$0x3FA2]  }
0x30: {  	s3 =	sld [smem:$0x3FA5]  }
0x31: {  	[smem:$0x3FAE] =	sst s10  }
0x32: {  	s10 =	sld [smem:$0x3FAC];
	_ =	sdelay $0x3  }
0x33: {  	p0 =	seq.s32 s10, $0x1;
	s10 =	sld [smem:$0x3FAE];
	_ =	sdelay $0x3  }
0x34: {  	[smem:$0x3FAE] =	sst s10  }
0x35: {  	s10 =	sld [smem:$0x3FAD];
	_ =	sdelay $0x3  }
0x36: {  	p1 =	seq.s32 s10, $0x1;
	s10 =	sld [smem:$0x3FAE];
	_ =	sdelay $0x3  }
0x37: {  	[smem:$0x3FAE] =	sst s10  }
0x38: {  	s10 =	sld [smem:$0x3FAF]  }
0x39: {  	_ = 	snop;
	(pc) =	sbr.ind lr, $3  }
0x3a: {  	_ = 	snop  }
0x3b: {  	_ = 	snop  }
0x3c: {  	p2 =	seq.s32 s10, $0x1;
	s10 =	sld [smem:$0x3FAE]  }
0x3d: {  	_ =	shalt  }
0x3e: {  	_ =	shalt  }
0x3f: {  	_ =	shalt  }
0x40: {  	_ =	shalt  }
0x41: {  	_ =	shalt  }
0x42: {  	_ =	shalt  }
0x43: {  	_ =	shalt  }
0x44: {  	_ =	shalt  }
0x45: {  	_ =	shalt  }
0x46: {  	_ =	shalt  }
0x47: {  	_ =	shalt  }
0x48: {  	_ =	shalt  }
0x49: {  	_ =	shalt  }
0x4a: {  	_ =	shalt  }
0x4b: {  	_ =	shalt  }
0x4c: {  	_ =	shalt  }
0x4d: {  	_ =	shalt  }
0x4e: {  	_ =	shalt  }
0x4f: {  	_ =	shalt  }
0x50: {  	_ =	shalt  }
0x51: {  	_ =	shalt  }
0x52: {  	_ =	shalt  }
0x53: {  	_ =	shalt  }
0x54: {  	_ =	shalt  }
0x55: {  	_ =	shalt  }
0x56: {  	_ =	shalt  }
0x57: {  	_ =	shalt  }
0x58: {  	_ =	shalt  }
0x59: {  	_ =	shalt  }
0x5a: {  	_ =	shalt  }
0x5b: {  	_ =	shalt  }
0x5c: {  	_ =	shalt  }
0x5d: {  	_ =	shalt  }
0x5e: {  	_ =	shalt  }
0x5f: {  	_ =	shalt  }
0x60: {  	_ =	shalt  }
0x61: {  	_ =	shalt  }
0x62: {  	_ =	shalt  }
0x63: {  	_ =	shalt  }
0x64: {  	_ =	shalt  }
0x65: {  	_ =	shalt  }
0x66: {  	_ =	shalt  }
0x67: {  	_ =	shalt  }
0x68: {  	_ =	shalt  }
0x69: {  	_ =	shalt  }
0x6a: {  	_ =	shalt  }
0x6b: {  	_ =	shalt  }
0x6c: {  	_ =	shalt  }
0x6d: {  	_ =	shalt  }
0x6e: {  	_ =	shalt  }
0x6f: {  	_ =	shalt  }
0x70: {  	_ =	shalt  }
0x71: {  	_ =	shalt  }
0x72: {  	_ =	shalt  }
0x73: {  	_ =	shalt  }
0x74: {  	_ =	shalt  }
0x75: {  	_ =	shalt  }
0x76: {  	_ =	shalt  }
0x77: {  	_ =	shalt  }
0x78: {  	_ =	shalt  }
0x79: {  	_ =	shalt  }
0x7a: {  	_ =	shalt  }
0x7b: {  	_ =	shalt  }
0x7c: {  	_ =	shalt  }
0x7d: {  	_ =	shalt  }
0x7e: {  	_ =	shalt  }
0x7f: {  	_ =	shalt  }
0x80: {  	_ =	shalt  }
0x81: {  	_ =	shalt  }
0x82: {  	_ =	shalt  }
0x83: {  	_ =	shalt  }
0x84: {  	_ =	shalt  }
0x85: {  	_ =	shalt  }
0x86: {  	_ =	shalt  }
0x87: {  	_ =	shalt  }
.Lfunc_end0:
.L_simem_size_0:
called_computation.2_lowered:
.L_overlay_start_0:
0x88: {  	s2 =	sld [smem:$0x3FD9]  }
0x89: {  	s3 =	sld [smem:$0x3FFE];
	_ =	sdelay $0x1  }
0x8a: {  	s1 =	srdreg.scid  }
0x8b: {  	s0 =	sand.u32 $0x1, s1  }
0x8c: {  	s17 =	sshll.u32 s0, $0xA;
	s2 =	sadd.s32 s3, s2  }
0x8d: {  	s2 =	sadd.s32 s2, s17  }
0x8e: {  	[smem:$0x3FBA] =	sst s2  }
0x8f: {  	_ = 	snop  }
0x90: {  	s2 =	sld [smem:$0x3FD0];
	(tm) =	ssettm $0x1  }
0x91: {  	s18 =	sld [smem:$0x3FFB];
	_ =	sdelay $0x3  }
0x92: {  	_ =	strace s18  }
0x93: {  	s3 =	sld [smem:$0x3FFC];
	_ =	sdelay $0x3  }
0x94: {  	_ =	strace s3  }
0x95: {  	s3 =	sld [smem:$0x3FFD];
	_ =	sdelay $0x3  }
0x96: {  	_ =	strace s3  }
0x97: {  	_ =	strace $0x8FFFFFFF  }
0x98: {  	s19 =	sld [smem:$0x3FDB];
	_ =	sdelay $0x1  }
0x99: {  	s4 =	simm.s32 $_scs_section_size  }
0x9a: {  	s5 =	simm.s32 $_size__tile_overlayer_lowered;
	s6 =	simm.s32 $_tile_overlayer_lowered  }
0x9b: {  	s22 =	simm.s32 $0x1BFF;
	s21 =	sshll.u32 s6, $0x1;
	s3 =	sadd.s32 s4, s19  }
0x9c: {  	s7 =	simm.s32 $0x0;
	s20 =	sshll.u32 s5, $0x1;
	s5 =	sadd.s32 s21, s3  }
0x9d: {  	[timem:s7], [sflag:s22] =	dma.local [hbm:s5], s20  }
0x9e: {  	_ =	swait.ge [sflag:s22], s20  }
0x9f: {  	s4 =	ssub.s32 $0x0, s20;
	[sflag:s22] =	ssyncset.done $0x0  }
0xa0: {  	[sflag:s22] =	ssyncadd.s32 s4;
	_ =	sdelay $0x1  }
0xa1: {  	s23 =	simm.s32 $0x1B8B  }
0xa2: {  	_ =	swait.ge [sflag:s23], $0x1  }
0xa3: {  	[sflag:s23] =	ssyncset.done $0x0  }
0xa4: {  	s25 =	simm.s32 $0x1B8E;
	s24 =	sld [smem:$0x3FFE];
	[sflag:s23] =	ssyncadd.s32 $0xFFFFFFFF  }
0xa5: {  	s26 =	simm.s32 $execute0_lowered;
	[smem:$0x3FD2] =	sst s25  }
0xa6: {  	s5 =	sshll.u32 s26, $0x1;
	_ =	strace $0x8000004C;
	[dreg:$0x1] =	wrdreg $0xFFFFFFFF  }
0xa7: {  	s28 =	simm.s32 $_size_execute0_lowered;
	s3 =	sadd.s32 s3, s5;
	[dreg:$0x0] =	wrdreg $0x0  }
0xa8: {  	s5 =	sshll.u32 s28, $0x1;
	[dreg:$0x2] =	wrdreg s3  }
0xa9: {  	[dreg:$0x3] =	wrdreg s5  }
0xaa: {  	[dreg:$0x4] =	wrdreg $0xC0  }
0xab: {  	_ =	task [dreg:s7], $0x5FFFF  }
0xac: {  	[dreg:$0x1] =	wrdreg $0xFFFFFFFF  }
0xad: {  	[dreg:$0x0] =	wrdreg $0x60  }
0xae: {  	[dreg:$0x2] =	wrdreg s2  }
0xaf: {  	[dreg:$0x3] =	wrdreg s24  }
0xb0: {  	[dreg:$0x4] =	wrdreg $0xBC000  }
0xb1: {  	[dreg:$0x5] =	wrdreg $0x9  }
0xb2: {  	_ =	task.clear_ibuf [dreg:s7], $0x6FFFF;
	_ =	strace $0x9000004C  }
0xb3: {  	s29 =	simm.s32 $0x9;
	_ =	strace $0x8000004E  }
0xb4: {  	_ =	swait.ge [sflag:s29], $0x1  }
0xb5: {  	[sflag:s29] =	ssyncadd.s32 $0xFFFFFFFF  }
0xb6: {  	_ =	strace $0x9000004E  }
0xb7: {  	_ =	sfence  }
0xb8: {  	s30 =	sld [smem:$0x0];
	_ =	sdelay $0x2  }
0xb9: {  	s31 =	sshll.u32 s1, $0xD;
	s1 =	sshrl.u32 s1, $0x2  }
0xba: {  	s3 =	sand.u32 $0x4000, s31;
	s1 =	sadd.s32 s1, s30  }
0xbb: {  	s0 =	sor.u32 s3, s0;
	s1 =	sshll.u32 s1, $0x11  }
0xbc: {  	s0 =	sor.u32 s1, s0  }
0xbd: {  	s0 =	sadd.s32 $0x8F2B, s0  }
0xbe: {  	[sflag:s0] =	ssyncadd.remote.s32 $0x1  }
0xbf: {  	_ =	sfence.sel $0xFFFF  }
0xc0: {  	[dreg:$0x0] =	wrdreg $0xFFFFFFFF;
	(pc) =	sbr.abs _section_cstart, $3  }
0xc1: {  	[dreg:$0x1] =	wrdreg $0xFFFFFFFF  }
0xc2: {  	_ =	task.clear_ibuf [dreg:s7], $0x2FFFF;
	_ =	strace $0x9FFFFFFF  }
0xc3: {  	(tm) =	ssettm $0x7FFFFFFF  }
tec
execute0_lowered:
.L_overlay_start_1:
0x0: {  	(tag) =	ssettag $0x1  }
0x1: {  	s2 =	srdreg.scid;
	s1 =	rddreg [dreg:$0x0]  }
0x2: {  	s0 =	stileid.u32;
	s7 =	rddreg [dreg:$0x1]  }
0x3: {  	s3 =	rddreg [dreg:$0x2];
	s4 =	simm.s32 $0x0;
	s16 =	simm.s32 $0x2800  }
0x4: {  	s17 =	simm.s32 $0x7C00;
	s18 =	simm.s32 $0x1;
	s19 =	simm.s32 $0x2  }
0x5: {  	s20 =	simm.s32 $0x2780;
	s21 =	simm.s32 $0x3B00;
	s22 =	simm.s32 $0x3B80  }
0x6: {  	s23 =	simm.s32 $0x0;
	s6 =	sand.u32 $0x1, s2;
	s2 =	rddreg [dreg:$0x3]  }
0x7: {  	s24 =	sshll.u32 s0, $0x1;
	[smem:$0x7FF] =	sst s4;
	s11 =	smul.u32 $0x13C00, s0  }
0x8: {  	s13 =	sadd.s32 $0xDA00, s7;
	s5 =	sadd.s32 $0x17A00, s7;
	s25 =	smul.u32 $0x4F000, s0  }
0x9: {  	s29 =	sshll.u32 s0, $0x6;
	s8 =	sor.u32 s6, s24;
	s10 =	smul.u32 $0x13C000, s6  }
0xa: {  	_ =	strace $0x8000004D;
	s6 =	ssub.s32 $0x2, s6;
	s9 =	smul.u32 $0x500, s8  }
0xb: {  	s26 =	sshrl.u32 s6, $0x1;
	s8 =	smul.u32 $0x2800, s8;
	s28 =	sshrl.u32 s25, $0x2  }
0xc: {  	s10 =	sadd.s32 s11, s10;
	s14 =	ssub.s32 s6, s26;
	s15 =	sadd.s32 s28, s3  }
0xd: {  	s6 =	sor.u32 $0x1C03, s29;
	s12 =	sadd.s32 s9, s7;
	s10 =	sshrl.u32 s10, $0x3  }
0xe: {  	s30 =	sshrl.u32 s8, $0x3;
	s8 =	sadd.s32 s13, s9;
	s11 =	smax.u32 s14, $0x1  }
0xf: {  	s14 =	simm.s32 $0x80;
	s10 =	sadd.s32 s10, s7;
	s7 =	sadd.s32 $0x3A00, s12  }
0x10: {  	s31 =	sadd.s32 s13, s30;
	s12 =	sshrl.u32 s15, $0x3;
	s13 =	simm.s32 $0x3  }
0x11: {  	s15 =	simm.s32 $0x3C00;
	s9 =	sadd.s32 $0x280, s31;
	s10 =	sadd.s32 $0x1A200, s10  }
.LBB2_1:
0x12: {  	[spmem:s12], [sflag:s6] =	dma.local [hbm:s5], $0x2780  }
0x13: {  	_ =	swait.ge [sflag:s13], $0x2780  }
0x14: {  	[sflag:s13] =	ssyncset.done $0x0  }
0x15: {  	[sflag:s13] =	ssyncadd.s32 $0xFFFFD880  }
0x16: {  	[bflag:$0x0] =	sbarrier.arrive $0xFFFF  }
0x17: {  	[tilespmem:s4], [sflag:$0x3] =	stream.linear.gather [hbm4b:s7+s4], $0x2800, $0x38;
	[tilespmem:$0x1F800] =	vst v63  }
0x18: {  	_ =	swait.ge [sflag:s13], $0x2800  }
0x19: {  	[sflag:s13] =	ssyncset.done $0x0  }
0x1a: {  	[sflag:s13] =	ssyncadd.s32 $0xFFFFD800  }
0x1b: {  	[tilespmem:s15], [sflag:$0x1] =	stream.indirect.gather [hbm4b:s1+s14], $0x80, s4, s14, $0xb8;
	[tilespmem:$0x1F800] =	vst v63  }
0x1c: {  	_ = 	snop  }
0x1d: {  	[tilespmem:s16], [sflag:$0x3] =	stream.linear.gather [hbm4b:s8+s4], $0x1400, $0x38;
	[tilespmem:$0x1F800] =	vst v63  }
0x1e: {  	_ =	swait.ge [sflag:s13], $0x1400  }
0x1f: {  	[sflag:s13] =	ssyncset.done $0x0  }
0x20: {  	s24 =	simm.s32 $0x80;
	[sflag:s13] =	ssyncadd.s32 $0xFFFFEC00  }
0x21: {  	[tilespmem:s17], [sflag:$0x2] =	stream.indirect.gather [hbm4b:s1+s14], $0x80, s24, s14, $0xb8;
	[tilespmem:$0x1F800] =	vst v63  }
0x22: {  	_ =	swait.ge [sflag:s18], $0x4000  }
0x23: {  	[sflag:s18] =	ssyncset.done $0x0  }
0x24: {  	s29 =	simm.s32 $0x2800;
	[sflag:s18] =	ssyncadd.s32 $0xFFFFC000  }
0x25: {  	[spmem:s3] =	stream.indirect.scatter.add.f32 [tilespmem:s15], [sflag:$0x3], $0x80, s29, s14, $0xb8;
	[tilespmem:$0x1F800] =	vst v63  }
0x26: {  	_ =	swait.ge [sflag:s13], $0x4000  }
0x27: {  	[sflag:s13] =	ssyncset.done $0x0  }
0x28: {  	s30 =	simm.s32 $0x100;
	[sflag:s13] =	ssyncadd.s32 $0xFFFFC000  }
0x29: {  	[tilespmem:s15], [sflag:$0x1] =	stream.indirect.gather [hbm4b:s1+s14], $0x80, s30, s14, $0xb8;
	[tilespmem:$0x1F800] =	vst v63  }
0x2a: {  	_ =	swait.ge [sflag:s19], $0x4000  }
0x2b: {  	[sflag:s19] =	ssyncset.done $0x0  }
0x2c: {  	s31 =	simm.s32 $0x2880;
	[sflag:s19] =	ssyncadd.s32 $0xFFFFC000  }
0x2d: {  	[spmem:s3] =	stream.indirect.scatter.add.f32 [tilespmem:s17], [sflag:$0x3], $0x80, s31, s14, $0xb8;
	[tilespmem:$0x1F800] =	vst v63  }
0x2e: {  	_ =	swait.ge [sflag:s13], $0x4000  }
0x2f: {  	s25 =	simm.s32 $0x800;
	s24 =	simm.s32 $0x100;
	[sflag:s13] =	ssyncset.done $0x0  }
.LBB2_2:
0x30: {  	s26 =	sadd.s32 $0x80, s24  }
0x31: {  	[sflag:s13] =	ssyncadd.s32 $0xFFFFC000;
	s28 =	smov.u32 s25;
	s29 =	sadd.s32 $0x400, s25  }
0x32: {  	[tilespmem:s17], [sflag:$0x2] =	stream.indirect.gather [hbm4b:s1+s14], $0x80, s26, s14, $0xb8;
	[tilespmem:$0x1F800] =	vst v63  }
0x33: {  	p0 =	sne.s32 s25, $0x4C00;
	_ =	swait.ge [sflag:s18], $0x4000  }
0x34: {  	[sflag:s18] =	ssyncset.done $0x0  }
0x35: {  	s25 =	sadd.s32 $0x2800, s24;
	[sflag:s18] =	ssyncadd.s32 $0xFFFFC000  }
0x36: {  	[spmem:s3] =	stream.indirect.scatter.add.f32 [tilespmem:s15], [sflag:$0x3], $0x80, s25, s14, $0xb8;
	[tilespmem:$0x1F800] =	vst v63  }
0x37: {  	_ =	swait.ge [sflag:s13], $0x4000  }
0x38: {  	[sflag:s13] =	ssyncset.done $0x0  }
0x39: {  	s25 =	sadd.s32 $0x100, s24;
	[sflag:s13] =	ssyncadd.s32 $0xFFFFC000  }
0x3a: {  	[tilespmem:s15], [sflag:$0x1] =	stream.indirect.gather [hbm4b:s1+s14], $0x80, s25, s14, $0xb8;
	[tilespmem:$0x1F800] =	vst v63  }
0x3b: {  	_ =	swait.ge [sflag:s19], $0x4000  }
.Ltmp0:
0x3c: {  	[sflag:s19] =	ssyncset.done $0x0;
	(pc) =	sbr.rel @p0 .LBB2_2-.Ltmp0, $4  }
0x3d: {  	s24 =	sadd.s32 $0x2880, s24;
	[sflag:s19] =	ssyncadd.s32 $0xFFFFC000  }
0x3e: {  	[spmem:s3] =	stream.indirect.scatter.add.f32 [tilespmem:s17], [sflag:$0x3], $0x80, s24, s14, $0xb8;
	[tilespmem:$0x1F800] =	vst v63  }
0x3f: {  	_ =	swait.ge [sflag:s13], $0x4000  }
0x40: {  	s25 =	smov.u32 s29;
	s24 =	sshra.s32 s28, $0x2;
	[sflag:s13] =	ssyncset.done $0x0  }
0x41: {  	s25 =	sadd.s32 $0x80, s24;
	[sflag:s13] =	ssyncadd.s32 $0xFFFFC000  }
0x42: {  	[tilespmem:s17], [sflag:$0x2] =	stream.indirect.gather [hbm4b:s1+s14], $0x80, s25, s14, $0xb8;
	[tilespmem:$0x1F800] =	vst v63  }
0x43: {  	_ =	swait.ge [sflag:s18], $0x4000  }
0x44: {  	[sflag:s18] =	ssyncset.done $0x0  }
0x45: {  	s30 =	sadd.s32 $0x2800, s24;
	[sflag:s18] =	ssyncadd.s32 $0xFFFFC000  }
0x46: {  	[spmem:s3] =	stream.indirect.scatter.add.f32 [tilespmem:s15], [sflag:$0x3], $0x80, s30, s14, $0xb8;
	[tilespmem:$0x1F800] =	vst v63  }
0x47: {  	_ =	swait.ge [sflag:s13], $0x4000  }
0x48: {  	[sflag:s13] =	ssyncset.done $0x0  }
0x49: {  	s31 =	sadd.s32 $0x100, s24;
	[sflag:s13] =	ssyncadd.s32 $0xFFFFC000  }
0x4a: {  	[tilespmem:s15], [sflag:$0x1] =	stream.indirect.gather [hbm4b:s1+s14], $0x80, s31, s14, $0xb8;
	[tilespmem:$0x1F800] =	vst v63  }
0x4b: {  	_ =	swait.ge [sflag:s19], $0x4000  }
0x4c: {  	[sflag:s19] =	ssyncset.done $0x0  }
0x4d: {  	s25 =	sadd.s32 $0x2880, s24;
	[sflag:s19] =	ssyncadd.s32 $0xFFFFC000  }
0x4e: {  	[spmem:s3] =	stream.indirect.scatter.add.f32 [tilespmem:s17], [sflag:$0x3], $0x80, s25, s14, $0xb8;
	[tilespmem:$0x1F800] =	vst v63  }
0x4f: {  	_ =	swait.ge [sflag:s13], $0x4000  }
0x50: {  	[sflag:s13] =	ssyncset.done $0x0  }
0x51: {  	s26 =	simm.s32 $0x0;
	[sflag:s13] =	ssyncadd.s32 $0xFFFFC000  }
0x52: {  	[tilespmem:s16], [sflag:$0x3] =	stream.linear.gather [hbm4b:s9+s26], $0x1400, $0x38;
	[tilespmem:$0x1F800] =	vst v63  }
0x53: {  	_ =	swait.ge [sflag:s13], $0x1400  }
0x54: {  	[sflag:s13] =	ssyncset.done $0x0  }
0x55: {  	s28 =	simm.s32 $0x1480;
	[sflag:s13] =	ssyncadd.s32 $0xFFFFEC00  }
0x56: {  	[tilespmem:s17], [sflag:$0x2] =	stream.indirect.gather [hbm4b:s1+s14], $0x80, s28, s14, $0xb8;
	[tilespmem:$0x1F800] =	vst v63  }
0x57: {  	_ =	swait.ge [sflag:s18], $0x4000  }
0x58: {  	[sflag:s18] =	ssyncset.done $0x0  }
0x59: {  	s29 =	simm.s32 $0x2800;
	[sflag:s18] =	ssyncadd.s32 $0xFFFFC000  }
0x5a: {  	[spmem:s3] =	stream.indirect.scatter.add.f32 [tilespmem:s15], [sflag:$0x3], $0x80, s29, s14, $0xb8;
	[tilespmem:$0x1F800] =	vst v63  }
0x5b: {  	_ =	swait.ge [sflag:s13], $0x4000  }
0x5c: {  	[sflag:s13] =	ssyncset.done $0x0  }
0x5d: {  	s30 =	simm.s32 $0x1500;
	[sflag:s13] =	ssyncadd.s32 $0xFFFFC000  }
0x5e: {  	[tilespmem:s15], [sflag:$0x1] =	stream.indirect.gather [hbm4b:s1+s14], $0x80, s30, s14, $0xb8;
	[tilespmem:$0x1F800] =	vst v63  }
0x5f: {  	_ =	swait.ge [sflag:s19], $0x4000  }
0x60: {  	[sflag:s19] =	ssyncset.done $0x0  }
0x61: {  	s31 =	simm.s32 $0x2880;
	[sflag:s19] =	ssyncadd.s32 $0xFFFFC000  }
0x62: {  	[spmem:s3] =	stream.indirect.scatter.add.f32 [tilespmem:s17], [sflag:$0x3], $0x80, s31, s14, $0xb8;
	[tilespmem:$0x1F800] =	vst v63  }
0x63: {  	_ =	swait.ge [sflag:s13], $0x4000  }
0x64: {  	s24 =	simm.s32 $0x100;
	s25 =	simm.s32 $0x800;
	[sflag:s13] =	ssyncset.done $0x0  }
.LBB2_4:
0x65: {  	s26 =	sadd.s32 $0x1480, s24  }
0x66: {  	[sflag:s13] =	ssyncadd.s32 $0xFFFFC000;
	s28 =	smov.u32 s25;
	s29 =	sadd.s32 $0x400, s25  }
0x67: {  	[tilespmem:s17], [sflag:$0x2] =	stream.indirect.gather [hbm4b:s1+s14], $0x80, s26, s14, $0xb8;
	[tilespmem:$0x1F800] =	vst v63  }
0x68: {  	p0 =	sne.s32 s25, $0x4800;
	_ =	swait.ge [sflag:s18], $0x4000  }
0x69: {  	[sflag:s18] =	ssyncset.done $0x0  }
0x6a: {  	s25 =	sadd.s32 $0x2800, s24;
	[sflag:s18] =	ssyncadd.s32 $0xFFFFC000  }
0x6b: {  	[spmem:s3] =	stream.indirect.scatter.add.f32 [tilespmem:s15], [sflag:$0x3], $0x80, s25, s14, $0xb8;
	[tilespmem:$0x1F800] =	vst v63  }
0x6c: {  	_ =	swait.ge [sflag:s13], $0x4000  }
0x6d: {  	[sflag:s13] =	ssyncset.done $0x0  }
0x6e: {  	s25 =	sadd.s32 $0x1500, s24;
	[sflag:s13] =	ssyncadd.s32 $0xFFFFC000  }
0x6f: {  	[tilespmem:s15], [sflag:$0x1] =	stream.indirect.gather [hbm4b:s1+s14], $0x80, s25, s14, $0xb8;
	[tilespmem:$0x1F800] =	vst v63  }
0x70: {  	_ =	swait.ge [sflag:s19], $0x4000  }
.Ltmp1:
0x71: {  	[sflag:s19] =	ssyncset.done $0x0;
	(pc) =	sbr.rel @p0 .LBB2_4-.Ltmp1, $4  }
0x72: {  	s24 =	sadd.s32 $0x2880, s24;
	[sflag:s19] =	ssyncadd.s32 $0xFFFFC000  }
0x73: {  	[spmem:s3] =	stream.indirect.scatter.add.f32 [tilespmem:s17], [sflag:$0x3], $0x80, s24, s14, $0xb8;
	[tilespmem:$0x1F800] =	vst v63  }
0x74: {  	_ =	swait.ge [sflag:s13], $0x4000  }
0x75: {  	s25 =	smov.u32 s29;
	s24 =	sshra.s32 s28, $0x2;
	[sflag:s13] =	ssyncset.done $0x0  }
0x76: {  	s25 =	sadd.s32 $0x1480, s24;
	[sflag:s13] =	ssyncadd.s32 $0xFFFFC000  }
0x77: {  	[tilespmem:s17], [sflag:$0x2] =	stream.indirect.gather [hbm4b:s1+s14], $0x80, s25, s14, $0xb8;
	[tilespmem:$0x1F800] =	vst v63  }
0x78: {  	_ =	swait.ge [sflag:s18], $0x4000  }
0x79: {  	[sflag:s18] =	ssyncset.done $0x0  }
0x7a: {  	s29 =	sadd.s32 $0x2800, s24;
	[sflag:s18] =	ssyncadd.s32 $0xFFFFC000  }
0x7b: {  	[spmem:s3] =	stream.indirect.scatter.add.f32 [tilespmem:s15], [sflag:$0x3], $0x80, s29, s14, $0xb8;
	[tilespmem:$0x1F800] =	vst v63  }
0x7c: {  	_ =	swait.ge [sflag:s13], $0x4000  }
0x7d: {  	[sflag:s13] =	ssyncset.done $0x0  }
0x7e: {  	s30 =	sadd.s32 $0x1500, s24;
	[sflag:s13] =	ssyncadd.s32 $0xFFFFC000  }
0x7f: {  	[tilespmem:s15], [sflag:$0x1] =	stream.indirect.gather [hbm4b:s1+s14], $0x80, s30, s14, $0xb8;
	[tilespmem:$0x1F800] =	vst v63  }
0x80: {  	_ =	swait.ge [sflag:s19], $0x4000  }
0x81: {  	[sflag:s19] =	ssyncset.done $0x0  }
0x82: {  	s31 =	sadd.s32 $0x2880, s24;
	[sflag:s19] =	ssyncadd.s32 $0xFFFFC000  }
0x83: {  	[spmem:s3] =	stream.indirect.scatter.add.f32 [tilespmem:s17], [sflag:$0x3], $0x80, s31, s14, $0xb8;
	[tilespmem:$0x1F800] =	vst v63  }
0x84: {  	_ =	swait.ge [sflag:s13], $0x4000  }
0x85: {  	[sflag:s13] =	ssyncset.done $0x0  }
0x86: {  	[sflag:s13] =	ssyncadd.s32 $0xFFFFC000  }
0x87: {  	[tilespmem:s17], [sflag:$0x2] =	stream.indirect.gather [hbm4b:s1+s14], $0x80, s20, s14, $0xb8;
	[tilespmem:$0x1F800] =	vst v63  }
0x88: {  	_ =	swait.ge [sflag:s18], $0x4000  }
0x89: {  	[sflag:s18] =	ssyncset.done $0x0  }
0x8a: {  	[sflag:s18] =	ssyncadd.s32 $0xFFFFC000  }
0x8b: {  	[spmem:s3] =	stream.indirect.scatter.add.f32 [tilespmem:s15], [sflag:$0x3], $0x80, s21, s14, $0xb8;
	[tilespmem:$0x1F800] =	vst v63  }
0x8c: {  	_ =	swait.ge [sflag:s13], $0x4000  }
0x8d: {  	[sflag:s13] =	ssyncset.done $0x0  }
0x8e: {  	[sflag:s13] =	ssyncadd.s32 $0xFFFFC000  }
0x8f: {  	_ =	swait.ge [sflag:s19], $0x4000  }
0x90: {  	[sflag:s19] =	ssyncset.done $0x0  }
0x91: {  	[sflag:s19] =	ssyncadd.s32 $0xFFFFC000  }
0x92: {  	[spmem:s3] =	stream.indirect.scatter.add.f32 [tilespmem:s17], [sflag:$0x3], $0x80, s22, s14, $0xb8;
	[tilespmem:$0x1F800] =	vst v63  }
0x93: {  	_ =	swait.ge [sflag:s13], $0x4000  }
0x94: {  	s23 =	sadd.s32 $0x1, s23;
	[sflag:s13] =	ssyncset.done $0x0  }
0x95: {  	p0 =	sne.s32 s23, s11;
	[sflag:s13] =	ssyncadd.s32 $0xFFFFC000  }
.Ltmp2:
0x96: {  	[bflag:$0x0] =	sbarrier.arrive $0xFFFF;
	(pc) =	sbr.rel @p0 .LBB2_1-.Ltmp2, $4  }
0x97: {  	[hbm:s10], [sflag:s6] =	dma.local [spmem:s12], $0x2780  }
0x98: {  	_ =	swait.ge [sflag:s13], $0x2780  }
0x99: {  	[sflag:s13] =	ssyncset.done $0x0  }
0x9a: {  	[sflag:s13] =	ssyncadd.s32 $0xFFFFD880  }
0x9b: {  	_ =	sfence.sel $0x180000  }
0x9c: {  	[bflag:$0x0] =	sbarrier.arrive $0xFFFF  }
0x9d: {  	p0 =	sne.s32 s0, $0x0;
	_ =	strace $0x9000004D  }
0x9e: {  	s0 =	sadd.s32 @!p0 $0x100000, s2;
	[bflag:$0x2] =	sbarrier.arrive $0xFFFF  }
0x9f: {  	[sflag:s0] =	ssyncadd.tile.s32 @!p0 $0x1;
	_ =	shalt  }
.Lfunc_end2:
_tile_overlayer_lowered:
.L_overlay_start_2:
0xa0: {  	(tag) =	ssettag $0x2  }
0xa1: {  	s0 =	rddreg [dreg:$0x0];
	s2 =	stileid.u32  }
0xa2: {  	s1 =	rddreg [dreg:$0x1];
	p0 =	sne.s32 s2, $0x0  }
0xa3: {  	s3 =	rddreg [dreg:$0x2];
	[bflag:$0x3] =	sbarrier.arrive $0xFFFF;
	s2 =	simm.s32 @!p0 $0x1C03  }
0xa4: {  	[timem:s3], [sflag:s2] =	dma.local @!p0 [hbm:s0], s1  }
0xa5: {  	s0 =	simm.s32 @!p0 $0x3  }
0xa6: {  	_ =	swait.ge @!p0 [sflag:s0], s1  }
0xa7: {  	s1 =	ssub.s32 @!p0 $0x0, s1;
	[sflag:s0] =	ssyncset.done @!p0 $0x0  }
0xa8: {  	[sflag:s0] =	ssyncadd.s32 @!p0 s1  }
0xa9: {  	[bflag:$0x3] =	sbarrier.arrive $0xFFFF  }
0xaa: {  	_ =	shalt  }

// kernel: kernel.21.cloned.1.call-start
scs
__scs_entry_jumppad:
0x0: {  	(pc) =	sbr.rel $0x88, $3  }
0x1: {  	(tag) =	ssettag $0x0;
	lr =	simm.s32 $0x1  }
0x2: {  	[smem:$0x3F93] =	sst lr;
	_ =	strace $0xD0000000  }
0x3: {  	_ = 	snop  }
0x4: {  	_ = 	snop  }
0x5: {  	_ = 	snop  }
0x6: {  	_ = 	snop  }
0x7: {  	_ = 	snop  }
__scs_overlays_trampoline_lowered:
0x8: {  	[smem:$0x3FA2] =	sst s0  }
0x9: {  	[smem:$0x3FA3] =	sst s1  }
0xa: {  	[smem:$0x3FA4] =	sst s2  }
0xb: {  	[smem:$0x3FA5] =	sst s3  }
0xc: {  	[smem:$0x3FA6] =	sst s4  }
0xd: {  	[smem:$0x3FA7] =	sst s5  }
0xe: {  	[smem:$0x3FA8] =	sst s6  }
0xf: {  	[smem:$0x3FA9] =	sst s7  }
0x10: {  	[smem:$0x3FAA] =	sst s8  }
0x11: {  	[smem:$0x3FAB] =	sst s9;
	s0 =	simm.s32 @!p0 $0x0  }
0x12: {  	s1 =	sld [smem:$0x3F91];
	s0 =	simm.s32 @p0 $0x1  }
0x13: {  	[smem:$0x3FAC] =	sst s0;
	s0 =	simm.s32 @!p1 $0x0  }
0x14: {  	s2 =	sld [smem:$0x3F90];
	s0 =	simm.s32 @p1 $0x1  }
0x15: {  	[smem:$0x3FAD] =	sst s0;
	s0 =	simm.s32 @!p2 $0x0  }
0x16: {  	s3 =	sld [smem:$0x3FDB];
	s0 =	simm.s32 @p2 $0x1  }
0x17: {  	s4 =	simm.s32 $0x1BF5;
	[smem:$0x3FAF] =	sst s0  }
0x18: {  	s0 =	sld [smem:$0x3F92];
	_ =	swait.ge [sflag:s4], $0x0  }
0x19: {  	s7 =	sld [smem:$0x3F93]  }
0x1a: {  	s8 =	sadd.s32 $0xFFFFE003, lr  }
0x1b: {  	s9 =	sadd.s32 $0xFFFFFEF7, lr;
	s5 =	simm.s32 $0xFFFFFFFF;
	p2 =	slt.u32 s8, $0xFFFFF086  }
0x1c: {  	p1 =	slt.u32 s9, $0xF7A;
	s5 =	simm.s32 @!p2 $0x0  }
0x1d: {  	s5 =	simm.s32 @p1 $0x1;
	p0 =	seq.s32 s7, s2  }
0x1e: {  	s7 =	smul.u32 @!p0 $0xF7A, s2;
	p2 =	seq.s32 @!p0 s5, $0x0  }
0x1f: {  	s9 =	smul.u32 $0xF7A, s1;
	s8 =	simm.s32 @!p0 $0x1BF5;
	p2 =	por !p2, p0  }
0x20: {  	[sflag:s8] =	ssyncset.s32 @!p0 $0xFFFFF086;
	s6 =	sadd.s32 @!p0 s3, s7;
	s7 =	simm.s32 @!p0 $0x108  }
0x21: {  	s3 =	sadd.s32 s3, s9;
	s6 =	sadd.s32 @!p0 $0x88, s6;
	s7 =	simm.s32 @p2 $0x1082  }
0x22: {  	[simem:s7], [sflag:s8] =	dma.local @!p0 [hbm:s6], $0xF7A  }
0x23: {  	s9 =	sor.u32 $0xD0000000, s2;
	s6 =	simm.s32 $0x108;
	_ =	swait.ge @!p0 [sflag:s8], $0x0  }
0x24: {  	s3 =	sadd.s32 $0x88, s3;
	s6 =	simm.s32 @!p1 $0x1082;
	[sflag:s4] =	ssyncset.s32 $0xFFFFF086  }
0x25: {  	[simem:s6], [sflag:s4] =	dma.local [hbm:s3], $0xF7A  }
0x26: {  	[smem:$0x3F93] =	sst s1;
	(tag) =	ssettag s2;
	_ =	strace s9  }
0x27: {  	s1 =	sld [smem:$0x3FA3]  }
0x28: {  	s2 =	sld [smem:$0x3FA4]  }
0x29: {  	s4 =	sld [smem:$0x3FA6]  }
0x2a: {  	p0 =	seq.s32 s5, $0x0;
	s5 =	sld [smem:$0x3FA7]  }
0x2b: {  	s6 =	sld [smem:$0x3FA8]  }
0x2c: {  	s7 =	sld [smem:$0x3FA9]  }
0x2d: {  	s3 =	simm.s32 $0x108;
	s8 =	sld [smem:$0x3FAA]  }
0x2e: {  	s3 =	simm.s32 @!p0 $0x1082;
	s9 =	sld [smem:$0x3FAB]  }
0x2f: {  	lr =	sadd.s32 s0, s3;
	s0 =	sld [smem:$0x3FA2]  }
0x30: {  	s3 =	sld [smem:$0x3FA5]  }
0x31: {  	[smem:$0x3FAE] =	sst s10  }
0x32: {  	s10 =	sld [smem:$0x3FAC];
	_ =	sdelay $0x3  }
0x33: {  	p0 =	seq.s32 s10, $0x1;
	s10 =	sld [smem:$0x3FAE];
	_ =	sdelay $0x3  }
0x34: {  	[smem:$0x3FAE] =	sst s10  }
0x35: {  	s10 =	sld [smem:$0x3FAD];
	_ =	sdelay $0x3  }
0x36: {  	p1 =	seq.s32 s10, $0x1;
	s10 =	sld [smem:$0x3FAE];
	_ =	sdelay $0x3  }
0x37: {  	[smem:$0x3FAE] =	sst s10  }
0x38: {  	s10 =	sld [smem:$0x3FAF]  }
0x39: {  	_ = 	snop;
	(pc) =	sbr.ind lr, $3  }
0x3a: {  	_ = 	snop  }
0x3b: {  	_ = 	snop  }
0x3c: {  	p2 =	seq.s32 s10, $0x1;
	s10 =	sld [smem:$0x3FAE]  }
0x3d: {  	_ =	shalt  }
0x3e: {  	_ =	shalt  }
0x3f: {  	_ =	shalt  }
0x40: {  	_ =	shalt  }
0x41: {  	_ =	shalt  }
0x42: {  	_ =	shalt  }
0x43: {  	_ =	shalt  }
0x44: {  	_ =	shalt  }
0x45: {  	_ =	shalt  }
0x46: {  	_ =	shalt  }
0x47: {  	_ =	shalt  }
0x48: {  	_ =	shalt  }
0x49: {  	_ =	shalt  }
0x4a: {  	_ =	shalt  }
0x4b: {  	_ =	shalt  }
0x4c: {  	_ =	shalt  }
0x4d: {  	_ =	shalt  }
0x4e: {  	_ =	shalt  }
0x4f: {  	_ =	shalt  }
0x50: {  	_ =	shalt  }
0x51: {  	_ =	shalt  }
0x52: {  	_ =	shalt  }
0x53: {  	_ =	shalt  }
0x54: {  	_ =	shalt  }
0x55: {  	_ =	shalt  }
0x56: {  	_ =	shalt  }
0x57: {  	_ =	shalt  }
0x58: {  	_ =	shalt  }
0x59: {  	_ =	shalt  }
0x5a: {  	_ =	shalt  }
0x5b: {  	_ =	shalt  }
0x5c: {  	_ =	shalt  }
0x5d: {  	_ =	shalt  }
0x5e: {  	_ =	shalt  }
0x5f: {  	_ =	shalt  }
0x60: {  	_ =	shalt  }
0x61: {  	_ =	shalt  }
0x62: {  	_ =	shalt  }
0x63: {  	_ =	shalt  }
0x64: {  	_ =	shalt  }
0x65: {  	_ =	shalt  }
0x66: {  	_ =	shalt  }
0x67: {  	_ =	shalt  }
0x68: {  	_ =	shalt  }
0x69: {  	_ =	shalt  }
0x6a: {  	_ =	shalt  }
0x6b: {  	_ =	shalt  }
0x6c: {  	_ =	shalt  }
0x6d: {  	_ =	shalt  }
0x6e: {  	_ =	shalt  }
0x6f: {  	_ =	shalt  }
0x70: {  	_ =	shalt  }
0x71: {  	_ =	shalt  }
0x72: {  	_ =	shalt  }
0x73: {  	_ =	shalt  }
0x74: {  	_ =	shalt  }
0x75: {  	_ =	shalt  }
0x76: {  	_ =	shalt  }
0x77: {  	_ =	shalt  }
0x78: {  	_ =	shalt  }
0x79: {  	_ =	shalt  }
0x7a: {  	_ =	shalt  }
0x7b: {  	_ =	shalt  }
0x7c: {  	_ =	shalt  }
0x7d: {  	_ =	shalt  }
0x7e: {  	_ =	shalt  }
0x7f: {  	_ =	shalt  }
0x80: {  	_ =	shalt  }
0x81: {  	_ =	shalt  }
0x82: {  	_ =	shalt  }
0x83: {  	_ =	shalt  }
0x84: {  	_ =	shalt  }
0x85: {  	_ =	shalt  }
0x86: {  	_ =	shalt  }
0x87: {  	_ =	shalt  }
.Lfunc_end0:
.L_simem_size_0:
called_computation.3_lowered:
.L_overlay_start_0:
0x88: {  	s2 =	sld [smem:$0x3FD9]  }
0x89: {  	s3 =	sld [smem:$0x3FFE];
	_ =	sdelay $0x1  }
0x8a: {  	s1 =	srdreg.scid  }
0x8b: {  	s0 =	sand.u32 $0x1, s1  }
0x8c: {  	s17 =	sshll.u32 s0, $0xA;
	s2 =	sadd.s32 s3, s2  }
0x8d: {  	s2 =	sadd.s32 s2, s17  }
0x8e: {  	[smem:$0x3FBA] =	sst s2  }
0x8f: {  	_ = 	snop  }
0x90: {  	s2 =	sld [smem:$0x3FD0];
	(tm) =	ssettm $0x1  }
0x91: {  	s18 =	sld [smem:$0x3FFB];
	_ =	sdelay $0x3  }
0x92: {  	_ =	strace s18  }
0x93: {  	s3 =	sld [smem:$0x3FFC];
	_ =	sdelay $0x3  }
0x94: {  	_ =	strace s3  }
0x95: {  	s3 =	sld [smem:$0x3FFD];
	_ =	sdelay $0x3  }
0x96: {  	_ =	strace s3  }
0x97: {  	_ =	strace $0x8FFFFFFF  }
0x98: {  	s19 =	sld [smem:$0x3FDB];
	_ =	sdelay $0x1  }
0x99: {  	s4 =	simm.s32 $_scs_section_size  }
0x9a: {  	s5 =	simm.s32 $_size__tile_overlayer_lowered;
	s6 =	simm.s32 $_tile_overlayer_lowered  }
0x9b: {  	s22 =	simm.s32 $0x1BFF;
	s21 =	sshll.u32 s6, $0x1;
	s3 =	sadd.s32 s4, s19  }
0x9c: {  	s7 =	simm.s32 $0x0;
	s20 =	sshll.u32 s5, $0x1;
	s5 =	sadd.s32 s21, s3  }
0x9d: {  	[timem:s7], [sflag:s22] =	dma.local [hbm:s5], s20  }
0x9e: {  	_ =	swait.ge [sflag:s22], s20  }
0x9f: {  	s4 =	ssub.s32 $0x0, s20;
	[sflag:s22] =	ssyncset.done $0x0  }
0xa0: {  	[sflag:s22] =	ssyncadd.s32 s4;
	_ =	sdelay $0x1  }
0xa1: {  	s23 =	simm.s32 $0x1B8B  }
0xa2: {  	_ =	swait.ge [sflag:s23], $0x1  }
0xa3: {  	[sflag:s23] =	ssyncset.done $0x0  }
0xa4: {  	s25 =	simm.s32 $0x1B8E;
	s24 =	sld [smem:$0x3FFE];
	[sflag:s23] =	ssyncadd.s32 $0xFFFFFFFF  }
0xa5: {  	s26 =	simm.s32 $execute0_lowered;
	[smem:$0x3FD2] =	sst s25  }
0xa6: {  	s5 =	sshll.u32 s26, $0x1;
	_ =	strace $0x8000004F;
	[dreg:$0x1] =	wrdreg $0xFFFFFFFF  }
0xa7: {  	s28 =	simm.s32 $_size_execute0_lowered;
	s3 =	sadd.s32 s3, s5;
	[dreg:$0x0] =	wrdreg $0x0  }
0xa8: {  	s5 =	sshll.u32 s28, $0x1;
	[dreg:$0x2] =	wrdreg s3  }
0xa9: {  	[dreg:$0x3] =	wrdreg s5  }
0xaa: {  	[dreg:$0x4] =	wrdreg $0xC0  }
0xab: {  	_ =	task [dreg:s7], $0x5FFFF  }
0xac: {  	[dreg:$0x1] =	wrdreg $0xFFFFFFFF  }
0xad: {  	[dreg:$0x0] =	wrdreg $0x60  }
0xae: {  	[dreg:$0x2] =	wrdreg s2  }
0xaf: {  	[dreg:$0x3] =	wrdreg s24  }
0xb0: {  	[dreg:$0x4] =	wrdreg $0xBC000  }
0xb1: {  	[dreg:$0x5] =	wrdreg $0x9  }
0xb2: {  	_ =	task.clear_ibuf [dreg:s7], $0x6FFFF;
	_ =	strace $0x9000004F  }
0xb3: {  	s29 =	simm.s32 $0x9;
	_ =	strace $0x80000051  }
0xb4: {  	_ =	swait.ge [sflag:s29], $0x1  }
0xb5: {  	[sflag:s29] =	ssyncadd.s32 $0xFFFFFFFF  }
0xb6: {  	_ =	strace $0x90000051  }
0xb7: {  	_ =	sfence  }
0xb8: {  	s30 =	sld [smem:$0x0];
	_ =	sdelay $0x2  }
0xb9: {  	s31 =	sshll.u32 s1, $0xD;
	s1 =	sshrl.u32 s1, $0x2  }
0xba: {  	s3 =	sand.u32 $0x4000, s31;
	s1 =	sadd.s32 s1, s30  }
0xbb: {  	s0 =	sor.u32 s3, s0;
	s1 =	sshll.u32 s1, $0x11  }
0xbc: {  	s0 =	sor.u32 s1, s0  }
0xbd: {  	s0 =	sadd.s32 $0x8F2B, s0  }
0xbe: {  	[sflag:s0] =	ssyncadd.remote.s32 $0x1  }
0xbf: {  	_ =	sfence.sel $0xFFFF  }
0xc0: {  	[dreg:$0x0] =	wrdreg $0xFFFFFFFF;
	(pc) =	sbr.abs _section_cstart, $3  }
0xc1: {  	[dreg:$0x1] =	wrdreg $0xFFFFFFFF  }
0xc2: {  	_ =	task.clear_ibuf [dreg:s7], $0x2FFFF;
	_ =	strace $0x9FFFFFFF  }
0xc3: {  	(tm) =	ssettm $0x7FFFFFFF  }
tec
execute0_lowered:
.L_overlay_start_1:
0x0: {  	(tag) =	ssettag $0x1  }
0x1: {  	s2 =	srdreg.scid;
	s1 =	rddreg [dreg:$0x0]  }
0x2: {  	s0 =	stileid.u32;
	s7 =	rddreg [dreg:$0x1]  }
0x3: {  	s3 =	rddreg [dreg:$0x2];
	s4 =	simm.s32 $0x0;
	s16 =	simm.s32 $0x2800  }
0x4: {  	s17 =	simm.s32 $0x7C00;
	s18 =	simm.s32 $0x1;
	s19 =	simm.s32 $0x2  }
0x5: {  	s20 =	simm.s32 $0x2780;
	s21 =	simm.s32 $0x3B00;
	s22 =	simm.s32 $0x3B80  }
0x6: {  	s23 =	simm.s32 $0x0;
	s6 =	sand.u32 $0x1, s2;
	s2 =	rddreg [dreg:$0x3]  }
0x7: {  	s24 =	sshll.u32 s0, $0x1;
	[smem:$0x7FF] =	sst s4;
	s11 =	smul.u32 $0x13C00, s0  }
0x8: {  	s13 =	sadd.s32 $0xDA00, s7;
	s5 =	sadd.s32 $0x17A00, s7;
	s25 =	smul.u32 $0x4F000, s0  }
0x9: {  	s29 =	sshll.u32 s0, $0x6;
	s8 =	sor.u32 s6, s24;
	s10 =	smul.u32 $0x13C000, s6  }
0xa: {  	_ =	strace $0x80000050;
	s6 =	ssub.s32 $0x2, s6;
	s9 =	smul.u32 $0x500, s8  }
0xb: {  	s26 =	sshrl.u32 s6, $0x1;
	s8 =	smul.u32 $0x2800, s8;
	s28 =	sshrl.u32 s25, $0x2  }
0xc: {  	s10 =	sadd.s32 s11, s10;
	s14 =	ssub.s32 s6, s26;
	s15 =	sadd.s32 s28, s3  }
0xd: {  	s6 =	sor.u32 $0x1C03, s29;
	s12 =	sadd.s32 s9, s7;
	s10 =	sshrl.u32 s10, $0x3  }
0xe: {  	s30 =	sshrl.u32 s8, $0x3;
	s8 =	sadd.s32 s13, s9;
	s11 =	smax.u32 s14, $0x1  }
0xf: {  	s14 =	simm.s32 $0x80;
	s10 =	sadd.s32 s10, s7;
	s7 =	sadd.s32 $0x3A00, s12  }
0x10: {  	s31 =	sadd.s32 s13, s30;
	s12 =	sshrl.u32 s15, $0x3;
	s13 =	simm.s32 $0x3  }
0x11: {  	s15 =	simm.s32 $0x3C00;
	s9 =	sadd.s32 $0x280, s31;
	s10 =	sadd.s32 $0x1A200, s10  }
.LBB2_1:
0x12: {  	[spmem:s12], [sflag:s6] =	dma.local [hbm:s5], $0x2780  }
0x13: {  	_ =	swait.ge [sflag:s13], $0x2780  }
0x14: {  	[sflag:s13] =	ssyncset.done $0x0  }
0x15: {  	[sflag:s13] =	ssyncadd.s32 $0xFFFFD880  }
0x16: {  	[bflag:$0x0] =	sbarrier.arrive $0xFFFF  }
0x17: {  	[tilespmem:s4], [sflag:$0x3] =	stream.linear.gather [hbm4b:s7+s4], $0x2800, $0x38;
	[tilespmem:$0x1F800] =	vst v63  }
0x18: {  	_ =	swait.ge [sflag:s13], $0x2800  }
0x19: {  	[sflag:s13] =	ssyncset.done $0x0  }
0x1a: {  	[sflag:s13] =	ssyncadd.s32 $0xFFFFD800  }
0x1b: {  	[tilespmem:s15], [sflag:$0x1] =	stream.indirect.gather [hbm4b:s1+s14], $0x80, s4, s14, $0xb8;
	[tilespmem:$0x1F800] =	vst v63  }
0x1c: {  	_ = 	snop  }
0x1d: {  	[tilespmem:s16], [sflag:$0x3] =	stream.linear.gather [hbm4b:s8+s4], $0x1400, $0x38;
	[tilespmem:$0x1F800] =	vst v63  }
0x1e: {  	_ =	swait.ge [sflag:s13], $0x1400  }
0x1f: {  	[sflag:s13] =	ssyncset.done $0x0  }
0x20: {  	s24 =	simm.s32 $0x80;
	[sflag:s13] =	ssyncadd.s32 $0xFFFFEC00  }
0x21: {  	[tilespmem:s17], [sflag:$0x2] =	stream.indirect.gather [hbm4b:s1+s14], $0x80, s24, s14, $0xb8;
	[tilespmem:$0x1F800] =	vst v63  }
0x22: {  	_ =	swait.ge [sflag:s18], $0x4000  }
0x23: {  	[sflag:s18] =	ssyncset.done $0x0  }
0x24: {  	s29 =	simm.s32 $0x2800;
	[sflag:s18] =	ssyncadd.s32 $0xFFFFC000  }
0x25: {  	[spmem:s3] =	stream.indirect.scatter.add.f32 [tilespmem:s15], [sflag:$0x3], $0x80, s29, s14, $0xb8;
	[tilespmem:$0x1F800] =	vst v63  }
0x26: {  	_ =	swait.ge [sflag:s13], $0x4000  }
0x27: {  	[sflag:s13] =	ssyncset.done $0x0  }
0x28: {  	s30 =	simm.s32 $0x100;
	[sflag:s13] =	ssyncadd.s32 $0xFFFFC000  }
0x29: {  	[tilespmem:s15], [sflag:$0x1] =	stream.indirect.gather [hbm4b:s1+s14], $0x80, s30, s14, $0xb8;
	[tilespmem:$0x1F800] =	vst v63  }
0x2a: {  	_ =	swait.ge [sflag:s19], $0x4000  }
0x2b: {  	[sflag:s19] =	ssyncset.done $0x0  }
0x2c: {  	s31 =	simm.s32 $0x2880;
	[sflag:s19] =	ssyncadd.s32 $0xFFFFC000  }
0x2d: {  	[spmem:s3] =	stream.indirect.scatter.add.f32 [tilespmem:s17], [sflag:$0x3], $0x80, s31, s14, $0xb8;
	[tilespmem:$0x1F800] =	vst v63  }
0x2e: {  	_ =	swait.ge [sflag:s13], $0x4000  }
0x2f: {  	s25 =	simm.s32 $0x800;
	s24 =	simm.s32 $0x100;
	[sflag:s13] =	ssyncset.done $0x0  }
.LBB2_2:
0x30: {  	s26 =	sadd.s32 $0x80, s24  }
0x31: {  	[sflag:s13] =	ssyncadd.s32 $0xFFFFC000;
	s28 =	smov.u32 s25;
	s29 =	sadd.s32 $0x400, s25  }
0x32: {  	[tilespmem:s17], [sflag:$0x2] =	stream.indirect.gather [hbm4b:s1+s14], $0x80, s26, s14, $0xb8;
	[tilespmem:$0x1F800] =	vst v63  }
0x33: {  	p0 =	sne.s32 s25, $0x4C00;
	_ =	swait.ge [sflag:s18], $0x4000  }
0x34: {  	[sflag:s18] =	ssyncset.done $0x0  }
0x35: {  	s25 =	sadd.s32 $0x2800, s24;
	[sflag:s18] =	ssyncadd.s32 $0xFFFFC000  }
0x36: {  	[spmem:s3] =	stream.indirect.scatter.add.f32 [tilespmem:s15], [sflag:$0x3], $0x80, s25, s14, $0xb8;
	[tilespmem:$0x1F800] =	vst v63  }
0x37: {  	_ =	swait.ge [sflag:s13], $0x4000  }
0x38: {  	[sflag:s13] =	ssyncset.done $0x0  }
0x39: {  	s25 =	sadd.s32 $0x100, s24;
	[sflag:s13] =	ssyncadd.s32 $0xFFFFC000  }
0x3a: {  	[tilespmem:s15], [sflag:$0x1] =	stream.indirect.gather [hbm4b:s1+s14], $0x80, s25, s14, $0xb8;
	[tilespmem:$0x1F800] =	vst v63  }
0x3b: {  	_ =	swait.ge [sflag:s19], $0x4000  }
.Ltmp0:
0x3c: {  	[sflag:s19] =	ssyncset.done $0x0;
	(pc) =	sbr.rel @p0 .LBB2_2-.Ltmp0, $4  }
0x3d: {  	s24 =	sadd.s32 $0x2880, s24;
	[sflag:s19] =	ssyncadd.s32 $0xFFFFC000  }
0x3e: {  	[spmem:s3] =	stream.indirect.scatter.add.f32 [tilespmem:s17], [sflag:$0x3], $0x80, s24, s14, $0xb8;
	[tilespmem:$0x1F800] =	vst v63  }
0x3f: {  	_ =	swait.ge [sflag:s13], $0x4000  }
0x40: {  	s25 =	smov.u32 s29;
	s24 =	sshra.s32 s28, $0x2;
	[sflag:s13] =	ssyncset.done $0x0  }
0x41: {  	s25 =	sadd.s32 $0x80, s24;
	[sflag:s13] =	ssyncadd.s32 $0xFFFFC000  }
0x42: {  	[tilespmem:s17], [sflag:$0x2] =	stream.indirect.gather [hbm4b:s1+s14], $0x80, s25, s14, $0xb8;
	[tilespmem:$0x1F800] =	vst v63  }
0x43: {  	_ =	swait.ge [sflag:s18], $0x4000  }
0x44: {  	[sflag:s18] =	ssyncset.done $0x0  }
0x45: {  	s30 =	sadd.s32 $0x2800, s24;
	[sflag:s18] =	ssyncadd.s32 $0xFFFFC000  }
0x46: {  	[spmem:s3] =	stream.indirect.scatter.add.f32 [tilespmem:s15], [sflag:$0x3], $0x80, s30, s14, $0xb8;
	[tilespmem:$0x1F800] =	vst v63  }
0x47: {  	_ =	swait.ge [sflag:s13], $0x4000  }
0x48: {  	[sflag:s13] =	ssyncset.done $0x0  }
0x49: {  	s31 =	sadd.s32 $0x100, s24;
	[sflag:s13] =	ssyncadd.s32 $0xFFFFC000  }
0x4a: {  	[tilespmem:s15], [sflag:$0x1] =	stream.indirect.gather [hbm4b:s1+s14], $0x80, s31, s14, $0xb8;
	[tilespmem:$0x1F800] =	vst v63  }
0x4b: {  	_ =	swait.ge [sflag:s19], $0x4000  }
0x4c: {  	[sflag:s19] =	ssyncset.done $0x0  }
0x4d: {  	s25 =	sadd.s32 $0x2880, s24;
	[sflag:s19] =	ssyncadd.s32 $0xFFFFC000  }
0x4e: {  	[spmem:s3] =	stream.indirect.scatter.add.f32 [tilespmem:s17], [sflag:$0x3], $0x80, s25, s14, $0xb8;
	[tilespmem:$0x1F800] =	vst v63  }
0x4f: {  	_ =	swait.ge [sflag:s13], $0x4000  }
0x50: {  	[sflag:s13] =	ssyncset.done $0x0  }
0x51: {  	s26 =	simm.s32 $0x0;
	[sflag:s13] =	ssyncadd.s32 $0xFFFFC000  }
0x52: {  	[tilespmem:s16], [sflag:$0x3] =	stream.linear.gather [hbm4b:s9+s26], $0x1400, $0x38;
	[tilespmem:$0x1F800] =	vst v63  }
0x53: {  	_ =	swait.ge [sflag:s13], $0x1400  }
0x54: {  	[sflag:s13] =	ssyncset.done $0x0  }
0x55: {  	s28 =	simm.s32 $0x1480;
	[sflag:s13] =	ssyncadd.s32 $0xFFFFEC00  }
0x56: {  	[tilespmem:s17], [sflag:$0x2] =	stream.indirect.gather [hbm4b:s1+s14], $0x80, s28, s14, $0xb8;
	[tilespmem:$0x1F800] =	vst v63  }
0x57: {  	_ =	swait.ge [sflag:s18], $0x4000  }
0x58: {  	[sflag:s18] =	ssyncset.done $0x0  }
0x59: {  	s29 =	simm.s32 $0x2800;
	[sflag:s18] =	ssyncadd.s32 $0xFFFFC000  }
0x5a: {  	[spmem:s3] =	stream.indirect.scatter.add.f32 [tilespmem:s15], [sflag:$0x3], $0x80, s29, s14, $0xb8;
	[tilespmem:$0x1F800] =	vst v63  }
0x5b: {  	_ =	swait.ge [sflag:s13], $0x4000  }
0x5c: {  	[sflag:s13] =	ssyncset.done $0x0  }
0x5d: {  	s30 =	simm.s32 $0x1500;
	[sflag:s13] =	ssyncadd.s32 $0xFFFFC000  }
0x5e: {  	[tilespmem:s15], [sflag:$0x1] =	stream.indirect.gather [hbm4b:s1+s14], $0x80, s30, s14, $0xb8;
	[tilespmem:$0x1F800] =	vst v63  }
0x5f: {  	_ =	swait.ge [sflag:s19], $0x4000  }
0x60: {  	[sflag:s19] =	ssyncset.done $0x0  }
0x61: {  	s31 =	simm.s32 $0x2880;
	[sflag:s19] =	ssyncadd.s32 $0xFFFFC000  }
0x62: {  	[spmem:s3] =	stream.indirect.scatter.add.f32 [tilespmem:s17], [sflag:$0x3], $0x80, s31, s14, $0xb8;
	[tilespmem:$0x1F800] =	vst v63  }
0x63: {  	_ =	swait.ge [sflag:s13], $0x4000  }
0x64: {  	s24 =	simm.s32 $0x100;
	s25 =	simm.s32 $0x800;
	[sflag:s13] =	ssyncset.done $0x0  }
.LBB2_4:
0x65: {  	s26 =	sadd.s32 $0x1480, s24  }
0x66: {  	[sflag:s13] =	ssyncadd.s32 $0xFFFFC000;
	s28 =	smov.u32 s25;
	s29 =	sadd.s32 $0x400, s25  }
0x67: {  	[tilespmem:s17], [sflag:$0x2] =	stream.indirect.gather [hbm4b:s1+s14], $0x80, s26, s14, $0xb8;
	[tilespmem:$0x1F800] =	vst v63  }
0x68: {  	p0 =	sne.s32 s25, $0x4800;
	_ =	swait.ge [sflag:s18], $0x4000  }
0x69: {  	[sflag:s18] =	ssyncset.done $0x0  }
0x6a: {  	s25 =	sadd.s32 $0x2800, s24;
	[sflag:s18] =	ssyncadd.s32 $0xFFFFC000  }
0x6b: {  	[spmem:s3] =	stream.indirect.scatter.add.f32 [tilespmem:s15], [sflag:$0x3], $0x80, s25, s14, $0xb8;
	[tilespmem:$0x1F800] =	vst v63  }
0x6c: {  	_ =	swait.ge [sflag:s13], $0x4000  }
0x6d: {  	[sflag:s13] =	ssyncset.done $0x0  }
0x6e: {  	s25 =	sadd.s32 $0x1500, s24;
	[sflag:s13] =	ssyncadd.s32 $0xFFFFC000  }
0x6f: {  	[tilespmem:s15], [sflag:$0x1] =	stream.indirect.gather [hbm4b:s1+s14], $0x80, s25, s14, $0xb8;
	[tilespmem:$0x1F800] =	vst v63  }
0x70: {  	_ =	swait.ge [sflag:s19], $0x4000  }
.Ltmp1:
0x71: {  	[sflag:s19] =	ssyncset.done $0x0;
	(pc) =	sbr.rel @p0 .LBB2_4-.Ltmp1, $4  }
0x72: {  	s24 =	sadd.s32 $0x2880, s24;
	[sflag:s19] =	ssyncadd.s32 $0xFFFFC000  }
0x73: {  	[spmem:s3] =	stream.indirect.scatter.add.f32 [tilespmem:s17], [sflag:$0x3], $0x80, s24, s14, $0xb8;
	[tilespmem:$0x1F800] =	vst v63  }
0x74: {  	_ =	swait.ge [sflag:s13], $0x4000  }
0x75: {  	s25 =	smov.u32 s29;
	s24 =	sshra.s32 s28, $0x2;
	[sflag:s13] =	ssyncset.done $0x0  }
0x76: {  	s25 =	sadd.s32 $0x1480, s24;
	[sflag:s13] =	ssyncadd.s32 $0xFFFFC000  }
0x77: {  	[tilespmem:s17], [sflag:$0x2] =	stream.indirect.gather [hbm4b:s1+s14], $0x80, s25, s14, $0xb8;
	[tilespmem:$0x1F800] =	vst v63  }
0x78: {  	_ =	swait.ge [sflag:s18], $0x4000  }
0x79: {  	[sflag:s18] =	ssyncset.done $0x0  }
0x7a: {  	s29 =	sadd.s32 $0x2800, s24;
	[sflag:s18] =	ssyncadd.s32 $0xFFFFC000  }
0x7b: {  	[spmem:s3] =	stream.indirect.scatter.add.f32 [tilespmem:s15], [sflag:$0x3], $0x80, s29, s14, $0xb8;
	[tilespmem:$0x1F800] =	vst v63  }
0x7c: {  	_ =	swait.ge [sflag:s13], $0x4000  }
0x7d: {  	[sflag:s13] =	ssyncset.done $0x0  }
0x7e: {  	s30 =	sadd.s32 $0x1500, s24;
	[sflag:s13] =	ssyncadd.s32 $0xFFFFC000  }
0x7f: {  	[tilespmem:s15], [sflag:$0x1] =	stream.indirect.gather [hbm4b:s1+s14], $0x80, s30, s14, $0xb8;
	[tilespmem:$0x1F800] =	vst v63  }
0x80: {  	_ =	swait.ge [sflag:s19], $0x4000  }
0x81: {  	[sflag:s19] =	ssyncset.done $0x0  }
0x82: {  	s31 =	sadd.s32 $0x2880, s24;
	[sflag:s19] =	ssyncadd.s32 $0xFFFFC000  }
0x83: {  	[spmem:s3] =	stream.indirect.scatter.add.f32 [tilespmem:s17], [sflag:$0x3], $0x80, s31, s14, $0xb8;
	[tilespmem:$0x1F800] =	vst v63  }
0x84: {  	_ =	swait.ge [sflag:s13], $0x4000  }
0x85: {  	[sflag:s13] =	ssyncset.done $0x0  }
0x86: {  	[sflag:s13] =	ssyncadd.s32 $0xFFFFC000  }
0x87: {  	[tilespmem:s17], [sflag:$0x2] =	stream.indirect.gather [hbm4b:s1+s14], $0x80, s20, s14, $0xb8;
	[tilespmem:$0x1F800] =	vst v63  }
0x88: {  	_ =	swait.ge [sflag:s18], $0x4000  }
0x89: {  	[sflag:s18] =	ssyncset.done $0x0  }
0x8a: {  	[sflag:s18] =	ssyncadd.s32 $0xFFFFC000  }
0x8b: {  	[spmem:s3] =	stream.indirect.scatter.add.f32 [tilespmem:s15], [sflag:$0x3], $0x80, s21, s14, $0xb8;
	[tilespmem:$0x1F800] =	vst v63  }
0x8c: {  	_ =	swait.ge [sflag:s13], $0x4000  }
0x8d: {  	[sflag:s13] =	ssyncset.done $0x0  }
0x8e: {  	[sflag:s13] =	ssyncadd.s32 $0xFFFFC000  }
0x8f: {  	_ =	swait.ge [sflag:s19], $0x4000  }
0x90: {  	[sflag:s19] =	ssyncset.done $0x0  }
0x91: {  	[sflag:s19] =	ssyncadd.s32 $0xFFFFC000  }
0x92: {  	[spmem:s3] =	stream.indirect.scatter.add.f32 [tilespmem:s17], [sflag:$0x3], $0x80, s22, s14, $0xb8;
	[tilespmem:$0x1F800] =	vst v63  }
0x93: {  	_ =	swait.ge [sflag:s13], $0x4000  }
0x94: {  	s23 =	sadd.s32 $0x1, s23;
	[sflag:s13] =	ssyncset.done $0x0  }
0x95: {  	p0 =	sne.s32 s23, s11;
	[sflag:s13] =	ssyncadd.s32 $0xFFFFC000  }
.Ltmp2:
0x96: {  	[bflag:$0x0] =	sbarrier.arrive $0xFFFF;
	(pc) =	sbr.rel @p0 .LBB2_1-.Ltmp2, $4  }
0x97: {  	[hbm:s10], [sflag:s6] =	dma.local [spmem:s12], $0x2780  }
0x98: {  	_ =	swait.ge [sflag:s13], $0x2780  }
0x99: {  	[sflag:s13] =	ssyncset.done $0x0  }
0x9a: {  	[sflag:s13] =	ssyncadd.s32 $0xFFFFD880  }
0x9b: {  	_ =	sfence.sel $0x180000  }
0x9c: {  	[bflag:$0x0] =	sbarrier.arrive $0xFFFF  }
0x9d: {  	p0 =	sne.s32 s0, $0x0;
	_ =	strace $0x90000050  }
0x9e: {  	s0 =	sadd.s32 @!p0 $0x100000, s2;
	[bflag:$0x2] =	sbarrier.arrive $0xFFFF  }
0x9f: {  	[sflag:s0] =	ssyncadd.tile.s32 @!p0 $0x1;
	_ =	shalt  }
.Lfunc_end2:
_tile_overlayer_lowered:
.L_overlay_start_2:
0xa0: {  	(tag) =	ssettag $0x2  }
0xa1: {  	s0 =	rddreg [dreg:$0x0];
	s2 =	stileid.u32  }
0xa2: {  	s1 =	rddreg [dreg:$0x1];
	p0 =	sne.s32 s2, $0x0  }
0xa3: {  	s3 =	rddreg [dreg:$0x2];
	[bflag:$0x3] =	sbarrier.arrive $0xFFFF;
	s2 =	simm.s32 @!p0 $0x1C03  }
0xa4: {  	[timem:s3], [sflag:s2] =	dma.local @!p0 [hbm:s0], s1  }
0xa5: {  	s0 =	simm.s32 @!p0 $0x3  }
0xa6: {  	_ =	swait.ge @!p0 [sflag:s0], s1  }
0xa7: {  	s1 =	ssub.s32 @!p0 $0x0, s1;
	[sflag:s0] =	ssyncset.done @!p0 $0x0  }
0xa8: {  	[sflag:s0] =	ssyncadd.s32 @!p0 s1  }
0xa9: {  	[bflag:$0x3] =	sbarrier.arrive $0xFFFF  }
0xaa: {  	_ =	shalt  }

// kernel: kernel.24.cloned.1.call-start
scs
__scs_entry_jumppad:
0x0: {  	(pc) =	sbr.rel $0x88, $3  }
0x1: {  	(tag) =	ssettag $0x0;
	lr =	simm.s32 $0x1  }
0x2: {  	[smem:$0x3F93] =	sst lr;
	_ =	strace $0xD0000000  }
0x3: {  	_ = 	snop  }
0x4: {  	_ = 	snop  }
0x5: {  	_ = 	snop  }
0x6: {  	_ = 	snop  }
0x7: {  	_ = 	snop  }
__scs_overlays_trampoline_lowered:
0x8: {  	[smem:$0x3FA2] =	sst s0  }
0x9: {  	[smem:$0x3FA3] =	sst s1  }
0xa: {  	[smem:$0x3FA4] =	sst s2  }
0xb: {  	[smem:$0x3FA5] =	sst s3  }
0xc: {  	[smem:$0x3FA6] =	sst s4  }
0xd: {  	[smem:$0x3FA7] =	sst s5  }
0xe: {  	[smem:$0x3FA8] =	sst s6  }
0xf: {  	[smem:$0x3FA9] =	sst s7  }
0x10: {  	[smem:$0x3FAA] =	sst s8  }
0x11: {  	[smem:$0x3FAB] =	sst s9;
	s0 =	simm.s32 @!p0 $0x0  }
0x12: {  	s1 =	sld [smem:$0x3F91];
	s0 =	simm.s32 @p0 $0x1  }
0x13: {  	[smem:$0x3FAC] =	sst s0;
	s0 =	simm.s32 @!p1 $0x0  }
0x14: {  	s2 =	sld [smem:$0x3F90];
	s0 =	simm.s32 @p1 $0x1  }
0x15: {  	[smem:$0x3FAD] =	sst s0;
	s0 =	simm.s32 @!p2 $0x0  }
0x16: {  	s3 =	sld [smem:$0x3FDB];
	s0 =	simm.s32 @p2 $0x1  }
0x17: {  	s4 =	simm.s32 $0x1BF5;
	[smem:$0x3FAF] =	sst s0  }
0x18: {  	s0 =	sld [smem:$0x3F92];
	_ =	swait.ge [sflag:s4], $0x0  }
0x19: {  	s7 =	sld [smem:$0x3F93]  }
0x1a: {  	s8 =	sadd.s32 $0xFFFFE003, lr  }
0x1b: {  	s9 =	sadd.s32 $0xFFFFFEF7, lr;
	s5 =	simm.s32 $0xFFFFFFFF;
	p2 =	slt.u32 s8, $0xFFFFF086  }
0x1c: {  	p1 =	slt.u32 s9, $0xF7A;
	s5 =	simm.s32 @!p2 $0x0  }
0x1d: {  	s5 =	simm.s32 @p1 $0x1;
	p0 =	seq.s32 s7, s2  }
0x1e: {  	s7 =	smul.u32 @!p0 $0xF7A, s2;
	p2 =	seq.s32 @!p0 s5, $0x0  }
0x1f: {  	s9 =	smul.u32 $0xF7A, s1;
	s8 =	simm.s32 @!p0 $0x1BF5;
	p2 =	por !p2, p0  }
0x20: {  	[sflag:s8] =	ssyncset.s32 @!p0 $0xFFFFF086;
	s6 =	sadd.s32 @!p0 s3, s7;
	s7 =	simm.s32 @!p0 $0x108  }
0x21: {  	s3 =	sadd.s32 s3, s9;
	s6 =	sadd.s32 @!p0 $0x88, s6;
	s7 =	simm.s32 @p2 $0x1082  }
0x22: {  	[simem:s7], [sflag:s8] =	dma.local @!p0 [hbm:s6], $0xF7A  }
0x23: {  	s9 =	sor.u32 $0xD0000000, s2;
	s6 =	simm.s32 $0x108;
	_ =	swait.ge @!p0 [sflag:s8], $0x0  }
0x24: {  	s3 =	sadd.s32 $0x88, s3;
	s6 =	simm.s32 @!p1 $0x1082;
	[sflag:s4] =	ssyncset.s32 $0xFFFFF086  }
0x25: {  	[simem:s6], [sflag:s4] =	dma.local [hbm:s3], $0xF7A  }
0x26: {  	[smem:$0x3F93] =	sst s1;
	(tag) =	ssettag s2;
	_ =	strace s9  }
0x27: {  	s1 =	sld [smem:$0x3FA3]  }
0x28: {  	s2 =	sld [smem:$0x3FA4]  }
0x29: {  	s4 =	sld [smem:$0x3FA6]  }
0x2a: {  	p0 =	seq.s32 s5, $0x0;
	s5 =	sld [smem:$0x3FA7]  }
0x2b: {  	s6 =	sld [smem:$0x3FA8]  }
0x2c: {  	s7 =	sld [smem:$0x3FA9]  }
0x2d: {  	s3 =	simm.s32 $0x108;
	s8 =	sld [smem:$0x3FAA]  }
0x2e: {  	s3 =	simm.s32 @!p0 $0x1082;
	s9 =	sld [smem:$0x3FAB]  }
0x2f: {  	lr =	sadd.s32 s0, s3;
	s0 =	sld [smem:$0x3FA2]  }
0x30: {  	s3 =	sld [smem:$0x3FA5]  }
0x31: {  	[smem:$0x3FAE] =	sst s10  }
0x32: {  	s10 =	sld [smem:$0x3FAC];
	_ =	sdelay $0x3  }
0x33: {  	p0 =	seq.s32 s10, $0x1;
	s10 =	sld [smem:$0x3FAE];
	_ =	sdelay $0x3  }
0x34: {  	[smem:$0x3FAE] =	sst s10  }
0x35: {  	s10 =	sld [smem:$0x3FAD];
	_ =	sdelay $0x3  }
0x36: {  	p1 =	seq.s32 s10, $0x1;
	s10 =	sld [smem:$0x3FAE];
	_ =	sdelay $0x3  }
0x37: {  	[smem:$0x3FAE] =	sst s10  }
0x38: {  	s10 =	sld [smem:$0x3FAF]  }
0x39: {  	_ = 	snop;
	(pc) =	sbr.ind lr, $3  }
0x3a: {  	_ = 	snop  }
0x3b: {  	_ = 	snop  }
0x3c: {  	p2 =	seq.s32 s10, $0x1;
	s10 =	sld [smem:$0x3FAE]  }
0x3d: {  	_ =	shalt  }
0x3e: {  	_ =	shalt  }
0x3f: {  	_ =	shalt  }
0x40: {  	_ =	shalt  }
0x41: {  	_ =	shalt  }
0x42: {  	_ =	shalt  }
0x43: {  	_ =	shalt  }
0x44: {  	_ =	shalt  }
0x45: {  	_ =	shalt  }
0x46: {  	_ =	shalt  }
0x47: {  	_ =	shalt  }
0x48: {  	_ =	shalt  }
0x49: {  	_ =	shalt  }
0x4a: {  	_ =	shalt  }
0x4b: {  	_ =	shalt  }
0x4c: {  	_ =	shalt  }
0x4d: {  	_ =	shalt  }
0x4e: {  	_ =	shalt  }
0x4f: {  	_ =	shalt  }
0x50: {  	_ =	shalt  }
0x51: {  	_ =	shalt  }
0x52: {  	_ =	shalt  }
0x53: {  	_ =	shalt  }
0x54: {  	_ =	shalt  }
0x55: {  	_ =	shalt  }
0x56: {  	_ =	shalt  }
0x57: {  	_ =	shalt  }
0x58: {  	_ =	shalt  }
0x59: {  	_ =	shalt  }
0x5a: {  	_ =	shalt  }
0x5b: {  	_ =	shalt  }
0x5c: {  	_ =	shalt  }
0x5d: {  	_ =	shalt  }
0x5e: {  	_ =	shalt  }
0x5f: {  	_ =	shalt  }
0x60: {  	_ =	shalt  }
0x61: {  	_ =	shalt  }
0x62: {  	_ =	shalt  }
0x63: {  	_ =	shalt  }
0x64: {  	_ =	shalt  }
0x65: {  	_ =	shalt  }
0x66: {  	_ =	shalt  }
0x67: {  	_ =	shalt  }
0x68: {  	_ =	shalt  }
0x69: {  	_ =	shalt  }
0x6a: {  	_ =	shalt  }
0x6b: {  	_ =	shalt  }
0x6c: {  	_ =	shalt  }
0x6d: {  	_ =	shalt  }
0x6e: {  	_ =	shalt  }
0x6f: {  	_ =	shalt  }
0x70: {  	_ =	shalt  }
0x71: {  	_ =	shalt  }
0x72: {  	_ =	shalt  }
0x73: {  	_ =	shalt  }
0x74: {  	_ =	shalt  }
0x75: {  	_ =	shalt  }
0x76: {  	_ =	shalt  }
0x77: {  	_ =	shalt  }
0x78: {  	_ =	shalt  }
0x79: {  	_ =	shalt  }
0x7a: {  	_ =	shalt  }
0x7b: {  	_ =	shalt  }
0x7c: {  	_ =	shalt  }
0x7d: {  	_ =	shalt  }
0x7e: {  	_ =	shalt  }
0x7f: {  	_ =	shalt  }
0x80: {  	_ =	shalt  }
0x81: {  	_ =	shalt  }
0x82: {  	_ =	shalt  }
0x83: {  	_ =	shalt  }
0x84: {  	_ =	shalt  }
0x85: {  	_ =	shalt  }
0x86: {  	_ =	shalt  }
0x87: {  	_ =	shalt  }
.Lfunc_end0:
.L_simem_size_0:
called_computation.4_lowered:
.L_overlay_start_0:
0x88: {  	s2 =	sld [smem:$0x3FD9]  }
0x89: {  	s3 =	sld [smem:$0x3FFE];
	_ =	sdelay $0x1  }
0x8a: {  	s1 =	srdreg.scid  }
0x8b: {  	s0 =	sand.u32 $0x1, s1  }
0x8c: {  	s17 =	sshll.u32 s0, $0xA;
	s2 =	sadd.s32 s3, s2  }
0x8d: {  	s2 =	sadd.s32 s2, s17  }
0x8e: {  	[smem:$0x3FBA] =	sst s2  }
0x8f: {  	_ = 	snop  }
0x90: {  	s2 =	sld [smem:$0x3FD0];
	(tm) =	ssettm $0x1  }
0x91: {  	s18 =	sld [smem:$0x3FFB];
	_ =	sdelay $0x3  }
0x92: {  	_ =	strace s18  }
0x93: {  	s3 =	sld [smem:$0x3FFC];
	_ =	sdelay $0x3  }
0x94: {  	_ =	strace s3  }
0x95: {  	s3 =	sld [smem:$0x3FFD];
	_ =	sdelay $0x3  }
0x96: {  	_ =	strace s3  }
0x97: {  	_ =	strace $0x8FFFFFFF  }
0x98: {  	s19 =	sld [smem:$0x3FDB];
	_ =	sdelay $0x1  }
0x99: {  	s4 =	simm.s32 $_scs_section_size  }
0x9a: {  	s5 =	simm.s32 $_size__tile_overlayer_lowered;
	s6 =	simm.s32 $_tile_overlayer_lowered  }
0x9b: {  	s22 =	simm.s32 $0x1BFF;
	s21 =	sshll.u32 s6, $0x1;
	s3 =	sadd.s32 s4, s19  }
0x9c: {  	s7 =	simm.s32 $0x0;
	s20 =	sshll.u32 s5, $0x1;
	s5 =	sadd.s32 s21, s3  }
0x9d: {  	[timem:s7], [sflag:s22] =	dma.local [hbm:s5], s20  }
0x9e: {  	_ =	swait.ge [sflag:s22], s20  }
0x9f: {  	s4 =	ssub.s32 $0x0, s20;
	[sflag:s22] =	ssyncset.done $0x0  }
0xa0: {  	[sflag:s22] =	ssyncadd.s32 s4;
	_ =	sdelay $0x1  }
0xa1: {  	s23 =	simm.s32 $0x1B8B  }
0xa2: {  	_ =	swait.ge [sflag:s23], $0x1  }
0xa3: {  	[sflag:s23] =	ssyncset.done $0x0  }
0xa4: {  	s25 =	simm.s32 $0x1B8E;
	s24 =	sld [smem:$0x3FFE];
	[sflag:s23] =	ssyncadd.s32 $0xFFFFFFFF  }
0xa5: {  	s26 =	simm.s32 $execute0_lowered;
	[smem:$0x3FD2] =	sst s25  }
0xa6: {  	s5 =	sshll.u32 s26, $0x1;
	_ =	strace $0x80000052;
	[dreg:$0x1] =	wrdreg $0xFFFFFFFF  }
0xa7: {  	s28 =	simm.s32 $_size_execute0_lowered;
	s3 =	sadd.s32 s3, s5;
	[dreg:$0x0] =	wrdreg $0x0  }
0xa8: {  	s5 =	sshll.u32 s28, $0x1;
	[dreg:$0x2] =	wrdreg s3  }
0xa9: {  	[dreg:$0x3] =	wrdreg s5  }
0xaa: {  	[dreg:$0x4] =	wrdreg $0xC0  }
0xab: {  	_ =	task [dreg:s7], $0x5FFFF  }
0xac: {  	[dreg:$0x1] =	wrdreg $0xFFFFFFFF  }
0xad: {  	[dreg:$0x0] =	wrdreg $0x60  }
0xae: {  	[dreg:$0x2] =	wrdreg s2  }
0xaf: {  	[dreg:$0x3] =	wrdreg s24  }
0xb0: {  	[dreg:$0x4] =	wrdreg $0xBC000  }
0xb1: {  	[dreg:$0x5] =	wrdreg $0x9  }
0xb2: {  	_ =	task.clear_ibuf [dreg:s7], $0x6FFFF;
	_ =	strace $0x90000052  }
0xb3: {  	s29 =	simm.s32 $0x9;
	_ =	strace $0x80000054  }
0xb4: {  	_ =	swait.ge [sflag:s29], $0x1  }
0xb5: {  	[sflag:s29] =	ssyncadd.s32 $0xFFFFFFFF  }
0xb6: {  	_ =	strace $0x90000054  }
0xb7: {  	_ =	sfence  }
0xb8: {  	s30 =	sld [smem:$0x0];
	_ =	sdelay $0x2  }
0xb9: {  	s31 =	sshll.u32 s1, $0xD;
	s1 =	sshrl.u32 s1, $0x2  }
0xba: {  	s3 =	sand.u32 $0x4000, s31;
	s1 =	sadd.s32 s1, s30  }
0xbb: {  	s0 =	sor.u32 s3, s0;
	s1 =	sshll.u32 s1, $0x11  }
0xbc: {  	s0 =	sor.u32 s1, s0  }
0xbd: {  	s0 =	sadd.s32 $0x8F2B, s0  }
0xbe: {  	[sflag:s0] =	ssyncadd.remote.s32 $0x1  }
0xbf: {  	_ =	sfence.sel $0xFFFF  }
0xc0: {  	[dreg:$0x0] =	wrdreg $0xFFFFFFFF;
	(pc) =	sbr.abs _section_cstart, $3  }
0xc1: {  	[dreg:$0x1] =	wrdreg $0xFFFFFFFF  }
0xc2: {  	_ =	task.clear_ibuf [dreg:s7], $0x2FFFF;
	_ =	strace $0x9FFFFFFF  }
0xc3: {  	(tm) =	ssettm $0x7FFFFFFF  }
tec
execute0_lowered:
.L_overlay_start_1:
0x0: {  	(tag) =	ssettag $0x1  }
0x1: {  	s2 =	srdreg.scid;
	s1 =	rddreg [dreg:$0x0]  }
0x2: {  	s0 =	stileid.u32;
	s7 =	rddreg [dreg:$0x1]  }
0x3: {  	s3 =	rddreg [dreg:$0x2];
	s4 =	simm.s32 $0x0;
	s16 =	simm.s32 $0x2800  }
0x4: {  	s17 =	simm.s32 $0x7C00;
	s18 =	simm.s32 $0x1;
	s19 =	simm.s32 $0x2  }
0x5: {  	s20 =	simm.s32 $0x2780;
	s21 =	simm.s32 $0x3B00;
	s22 =	simm.s32 $0x3B80  }
0x6: {  	s23 =	simm.s32 $0x0;
	s6 =	sand.u32 $0x1, s2;
	s2 =	rddreg [dreg:$0x3]  }
0x7: {  	s24 =	sshll.u32 s0, $0x1;
	[smem:$0x7FF] =	sst s4;
	s11 =	smul.u32 $0x13C00, s0  }
0x8: {  	s13 =	sadd.s32 $0xDA00, s7;
	s5 =	sadd.s32 $0x17A00, s7;
	s25 =	smul.u32 $0x4F000, s0  }
0x9: {  	s29 =	sshll.u32 s0, $0x6;
	s8 =	sor.u32 s6, s24;
	s10 =	smul.u32 $0x13C000, s6  }
0xa: {  	_ =	strace $0x80000053;
	s6 =	ssub.s32 $0x2, s6;
	s9 =	smul.u32 $0x500, s8  }
0xb: {  	s26 =	sshrl.u32 s6, $0x1;
	s8 =	smul.u32 $0x2800, s8;
	s28 =	sshrl.u32 s25, $0x2  }
0xc: {  	s10 =	sadd.s32 s11, s10;
	s14 =	ssub.s32 s6, s26;
	s15 =	sadd.s32 s28, s3  }
0xd: {  	s6 =	sor.u32 $0x1C03, s29;
	s12 =	sadd.s32 s9, s7;
	s10 =	sshrl.u32 s10, $0x3  }
0xe: {  	s30 =	sshrl.u32 s8, $0x3;
	s8 =	sadd.s32 s13, s9;
	s11 =	smax.u32 s14, $0x1  }
0xf: {  	s14 =	simm.s32 $0x80;
	s10 =	sadd.s32 s10, s7;
	s7 =	sadd.s32 $0x3A00, s12  }
0x10: {  	s31 =	sadd.s32 s13, s30;
	s12 =	sshrl.u32 s15, $0x3;
	s13 =	simm.s32 $0x3  }
0x11: {  	s15 =	simm.s32 $0x3C00;
	s9 =	sadd.s32 $0x280, s31;
	s10 =	sadd.s32 $0x1A200, s10  }
.LBB2_1:
0x12: {  	[spmem:s12], [sflag:s6] =	dma.local [hbm:s5], $0x2780  }
0x13: {  	_ =	swait.ge [sflag:s13], $0x2780  }
0x14: {  	[sflag:s13] =	ssyncset.done $0x0  }
0x15: {  	[sflag:s13] =	ssyncadd.s32 $0xFFFFD880  }
0x16: {  	[bflag:$0x0] =	sbarrier.arrive $0xFFFF  }
0x17: {  	[tilespmem:s4], [sflag:$0x3] =	stream.linear.gather [hbm4b:s7+s4], $0x2800, $0x38;
	[tilespmem:$0x1F800] =	vst v63  }
0x18: {  	_ =	swait.ge [sflag:s13], $0x2800  }
0x19: {  	[sflag:s13] =	ssyncset.done $0x0  }
0x1a: {  	[sflag:s13] =	ssyncadd.s32 $0xFFFFD800  }
0x1b: {  	[tilespmem:s15], [sflag:$0x1] =	stream.indirect.gather [hbm4b:s1+s14], $0x80, s4, s14, $0xb8;
	[tilespmem:$0x1F800] =	vst v63  }
0x1c: {  	_ = 	snop  }
0x1d: {  	[tilespmem:s16], [sflag:$0x3] =	stream.linear.gather [hbm4b:s8+s4], $0x1400, $0x38;
	[tilespmem:$0x1F800] =	vst v63  }
0x1e: {  	_ =	swait.ge [sflag:s13], $0x1400  }
0x1f: {  	[sflag:s13] =	ssyncset.done $0x0  }
0x20: {  	s24 =	simm.s32 $0x80;
	[sflag:s13] =	ssyncadd.s32 $0xFFFFEC00  }
0x21: {  	[tilespmem:s17], [sflag:$0x2] =	stream.indirect.gather [hbm4b:s1+s14], $0x80, s24, s14, $0xb8;
	[tilespmem:$0x1F800] =	vst v63  }
0x22: {  	_ =	swait.ge [sflag:s18], $0x4000  }
0x23: {  	[sflag:s18] =	ssyncset.done $0x0  }
0x24: {  	s29 =	simm.s32 $0x2800;
	[sflag:s18] =	ssyncadd.s32 $0xFFFFC000  }
0x25: {  	[spmem:s3] =	stream.indirect.scatter.add.f32 [tilespmem:s15], [sflag:$0x3], $0x80, s29, s14, $0xb8;
	[tilespmem:$0x1F800] =	vst v63  }
0x26: {  	_ =	swait.ge [sflag:s13], $0x4000  }
0x27: {  	[sflag:s13] =	ssyncset.done $0x0  }
0x28: {  	s30 =	simm.s32 $0x100;
	[sflag:s13] =	ssyncadd.s32 $0xFFFFC000  }
0x29: {  	[tilespmem:s15], [sflag:$0x1] =	stream.indirect.gather [hbm4b:s1+s14], $0x80, s30, s14, $0xb8;
	[tilespmem:$0x1F800] =	vst v63  }
0x2a: {  	_ =	swait.ge [sflag:s19], $0x4000  }
0x2b: {  	[sflag:s19] =	ssyncset.done $0x0  }
0x2c: {  	s31 =	simm.s32 $0x2880;
	[sflag:s19] =	ssyncadd.s32 $0xFFFFC000  }
0x2d: {  	[spmem:s3] =	stream.indirect.scatter.add.f32 [tilespmem:s17], [sflag:$0x3], $0x80, s31, s14, $0xb8;
	[tilespmem:$0x1F800] =	vst v63  }
0x2e: {  	_ =	swait.ge [sflag:s13], $0x4000  }
0x2f: {  	s25 =	simm.s32 $0x800;
	s24 =	simm.s32 $0x100;
	[sflag:s13] =	ssyncset.done $0x0  }
.LBB2_2:
0x30: {  	s26 =	sadd.s32 $0x80, s24  }
0x31: {  	[sflag:s13] =	ssyncadd.s32 $0xFFFFC000;
	s28 =	smov.u32 s25;
	s29 =	sadd.s32 $0x400, s25  }
0x32: {  	[tilespmem:s17], [sflag:$0x2] =	stream.indirect.gather [hbm4b:s1+s14], $0x80, s26, s14, $0xb8;
	[tilespmem:$0x1F800] =	vst v63  }
0x33: {  	p0 =	sne.s32 s25, $0x4C00;
	_ =	swait.ge [sflag:s18], $0x4000  }
0x34: {  	[sflag:s18] =	ssyncset.done $0x0  }
0x35: {  	s25 =	sadd.s32 $0x2800, s24;
	[sflag:s18] =	ssyncadd.s32 $0xFFFFC000  }
0x36: {  	[spmem:s3] =	stream.indirect.scatter.add.f32 [tilespmem:s15], [sflag:$0x3], $0x80, s25, s14, $0xb8;
	[tilespmem:$0x1F800] =	vst v63  }
0x37: {  	_ =	swait.ge [sflag:s13], $0x4000  }
0x38: {  	[sflag:s13] =	ssyncset.done $0x0  }
0x39: {  	s25 =	sadd.s32 $0x100, s24;
	[sflag:s13] =	ssyncadd.s32 $0xFFFFC000  }
0x3a: {  	[tilespmem:s15], [sflag:$0x1] =	stream.indirect.gather [hbm4b:s1+s14], $0x80, s25, s14, $0xb8;
	[tilespmem:$0x1F800] =	vst v63  }
0x3b: {  	_ =	swait.ge [sflag:s19], $0x4000  }
.Ltmp0:
0x3c: {  	[sflag:s19] =	ssyncset.done $0x0;
	(pc) =	sbr.rel @p0 .LBB2_2-.Ltmp0, $4  }
0x3d: {  	s24 =	sadd.s32 $0x2880, s24;
	[sflag:s19] =	ssyncadd.s32 $0xFFFFC000  }
0x3e: {  	[spmem:s3] =	stream.indirect.scatter.add.f32 [tilespmem:s17], [sflag:$0x3], $0x80, s24, s14, $0xb8;
	[tilespmem:$0x1F800] =	vst v63  }
0x3f: {  	_ =	swait.ge [sflag:s13], $0x4000  }
0x40: {  	s25 =	smov.u32 s29;
	s24 =	sshra.s32 s28, $0x2;
	[sflag:s13] =	ssyncset.done $0x0  }
0x41: {  	s25 =	sadd.s32 $0x80, s24;
	[sflag:s13] =	ssyncadd.s32 $0xFFFFC000  }
0x42: {  	[tilespmem:s17], [sflag:$0x2] =	stream.indirect.gather [hbm4b:s1+s14], $0x80, s25, s14, $0xb8;
	[tilespmem:$0x1F800] =	vst v63  }
0x43: {  	_ =	swait.ge [sflag:s18], $0x4000  }
0x44: {  	[sflag:s18] =	ssyncset.done $0x0  }
0x45: {  	s30 =	sadd.s32 $0x2800, s24;
	[sflag:s18] =	ssyncadd.s32 $0xFFFFC000  }
0x46: {  	[spmem:s3] =	stream.indirect.scatter.add.f32 [tilespmem:s15], [sflag:$0x3], $0x80, s30, s14, $0xb8;
	[tilespmem:$0x1F800] =	vst v63  }
0x47: {  	_ =	swait.ge [sflag:s13], $0x4000  }
0x48: {  	[sflag:s13] =	ssyncset.done $0x0  }
0x49: {  	s31 =	sadd.s32 $0x100, s24;
	[sflag:s13] =	ssyncadd.s32 $0xFFFFC000  }
0x4a: {  	[tilespmem:s15], [sflag:$0x1] =	stream.indirect.gather [hbm4b:s1+s14], $0x80, s31, s14, $0xb8;
	[tilespmem:$0x1F800] =	vst v63  }
0x4b: {  	_ =	swait.ge [sflag:s19], $0x4000  }
0x4c: {  	[sflag:s19] =	ssyncset.done $0x0  }
0x4d: {  	s25 =	sadd.s32 $0x2880, s24;
	[sflag:s19] =	ssyncadd.s32 $0xFFFFC000  }
0x4e: {  	[spmem:s3] =	stream.indirect.scatter.add.f32 [tilespmem:s17], [sflag:$0x3], $0x80, s25, s14, $0xb8;
	[tilespmem:$0x1F800] =	vst v63  }
0x4f: {  	_ =	swait.ge [sflag:s13], $0x4000  }
0x50: {  	[sflag:s13] =	ssyncset.done $0x0  }
0x51: {  	s26 =	simm.s32 $0x0;
	[sflag:s13] =	ssyncadd.s32 $0xFFFFC000  }
0x52: {  	[tilespmem:s16], [sflag:$0x3] =	stream.linear.gather [hbm4b:s9+s26], $0x1400, $0x38;
	[tilespmem:$0x1F800] =	vst v63  }
0x53: {  	_ =	swait.ge [sflag:s13], $0x1400  }
0x54: {  	[sflag:s13] =	ssyncset.done $0x0  }
0x55: {  	s28 =	simm.s32 $0x1480;
	[sflag:s13] =	ssyncadd.s32 $0xFFFFEC00  }
0x56: {  	[tilespmem:s17], [sflag:$0x2] =	stream.indirect.gather [hbm4b:s1+s14], $0x80, s28, s14, $0xb8;
	[tilespmem:$0x1F800] =	vst v63  }
0x57: {  	_ =	swait.ge [sflag:s18], $0x4000  }
0x58: {  	[sflag:s18] =	ssyncset.done $0x0  }
0x59: {  	s29 =	simm.s32 $0x2800;
	[sflag:s18] =	ssyncadd.s32 $0xFFFFC000  }
0x5a: {  	[spmem:s3] =	stream.indirect.scatter.add.f32 [tilespmem:s15], [sflag:$0x3], $0x80, s29, s14, $0xb8;
	[tilespmem:$0x1F800] =	vst v63  }
0x5b: {  	_ =	swait.ge [sflag:s13], $0x4000  }
0x5c: {  	[sflag:s13] =	ssyncset.done $0x0  }
0x5d: {  	s30 =	simm.s32 $0x1500;
	[sflag:s13] =	ssyncadd.s32 $0xFFFFC000  }
0x5e: {  	[tilespmem:s15], [sflag:$0x1] =	stream.indirect.gather [hbm4b:s1+s14], $0x80, s30, s14, $0xb8;
	[tilespmem:$0x1F800] =	vst v63  }
0x5f: {  	_ =	swait.ge [sflag:s19], $0x4000  }
0x60: {  	[sflag:s19] =	ssyncset.done $0x0  }
0x61: {  	s31 =	simm.s32 $0x2880;
	[sflag:s19] =	ssyncadd.s32 $0xFFFFC000  }
0x62: {  	[spmem:s3] =	stream.indirect.scatter.add.f32 [tilespmem:s17], [sflag:$0x3], $0x80, s31, s14, $0xb8;
	[tilespmem:$0x1F800] =	vst v63  }
0x63: {  	_ =	swait.ge [sflag:s13], $0x4000  }
0x64: {  	s24 =	simm.s32 $0x100;
	s25 =	simm.s32 $0x800;
	[sflag:s13] =	ssyncset.done $0x0  }
.LBB2_4:
0x65: {  	s26 =	sadd.s32 $0x1480, s24  }
0x66: {  	[sflag:s13] =	ssyncadd.s32 $0xFFFFC000;
	s28 =	smov.u32 s25;
	s29 =	sadd.s32 $0x400, s25  }
0x67: {  	[tilespmem:s17], [sflag:$0x2] =	stream.indirect.gather [hbm4b:s1+s14], $0x80, s26, s14, $0xb8;
	[tilespmem:$0x1F800] =	vst v63  }
0x68: {  	p0 =	sne.s32 s25, $0x4800;
	_ =	swait.ge [sflag:s18], $0x4000  }
0x69: {  	[sflag:s18] =	ssyncset.done $0x0  }
0x6a: {  	s25 =	sadd.s32 $0x2800, s24;
	[sflag:s18] =	ssyncadd.s32 $0xFFFFC000  }
0x6b: {  	[spmem:s3] =	stream.indirect.scatter.add.f32 [tilespmem:s15], [sflag:$0x3], $0x80, s25, s14, $0xb8;
	[tilespmem:$0x1F800] =	vst v63  }
0x6c: {  	_ =	swait.ge [sflag:s13], $0x4000  }
0x6d: {  	[sflag:s13] =	ssyncset.done $0x0  }
0x6e: {  	s25 =	sadd.s32 $0x1500, s24;
	[sflag:s13] =	ssyncadd.s32 $0xFFFFC000  }
0x6f: {  	[tilespmem:s15], [sflag:$0x1] =	stream.indirect.gather [hbm4b:s1+s14], $0x80, s25, s14, $0xb8;
	[tilespmem:$0x1F800] =	vst v63  }
0x70: {  	_ =	swait.ge [sflag:s19], $0x4000  }
.Ltmp1:
0x71: {  	[sflag:s19] =	ssyncset.done $0x0;
	(pc) =	sbr.rel @p0 .LBB2_4-.Ltmp1, $4  }
0x72: {  	s24 =	sadd.s32 $0x2880, s24;
	[sflag:s19] =	ssyncadd.s32 $0xFFFFC000  }
0x73: {  	[spmem:s3] =	stream.indirect.scatter.add.f32 [tilespmem:s17], [sflag:$0x3], $0x80, s24, s14, $0xb8;
	[tilespmem:$0x1F800] =	vst v63  }
0x74: {  	_ =	swait.ge [sflag:s13], $0x4000  }
0x75: {  	s25 =	smov.u32 s29;
	s24 =	sshra.s32 s28, $0x2;
	[sflag:s13] =	ssyncset.done $0x0  }
0x76: {  	s25 =	sadd.s32 $0x1480, s24;
	[sflag:s13] =	ssyncadd.s32 $0xFFFFC000  }
0x77: {  	[tilespmem:s17], [sflag:$0x2] =	stream.indirect.gather [hbm4b:s1+s14], $0x80, s25, s14, $0xb8;
	[tilespmem:$0x1F800] =	vst v63  }
0x78: {  	_ =	swait.ge [sflag:s18], $0x4000  }
0x79: {  	[sflag:s18] =	ssyncset.done $0x0  }
0x7a: {  	s29 =	sadd.s32 $0x2800, s24;
	[sflag:s18] =	ssyncadd.s32 $0xFFFFC000  }
0x7b: {  	[spmem:s3] =	stream.indirect.scatter.add.f32 [tilespmem:s15], [sflag:$0x3], $0x80, s29, s14, $0xb8;
	[tilespmem:$0x1F800] =	vst v63  }
0x7c: {  	_ =	swait.ge [sflag:s13], $0x4000  }
0x7d: {  	[sflag:s13] =	ssyncset.done $0x0  }
0x7e: {  	s30 =	sadd.s32 $0x1500, s24;
	[sflag:s13] =	ssyncadd.s32 $0xFFFFC000  }
0x7f: {  	[tilespmem:s15], [sflag:$0x1] =	stream.indirect.gather [hbm4b:s1+s14], $0x80, s30, s14, $0xb8;
	[tilespmem:$0x1F800] =	vst v63  }
0x80: {  	_ =	swait.ge [sflag:s19], $0x4000  }
0x81: {  	[sflag:s19] =	ssyncset.done $0x0  }
0x82: {  	s31 =	sadd.s32 $0x2880, s24;
	[sflag:s19] =	ssyncadd.s32 $0xFFFFC000  }
0x83: {  	[spmem:s3] =	stream.indirect.scatter.add.f32 [tilespmem:s17], [sflag:$0x3], $0x80, s31, s14, $0xb8;
	[tilespmem:$0x1F800] =	vst v63  }
0x84: {  	_ =	swait.ge [sflag:s13], $0x4000  }
0x85: {  	[sflag:s13] =	ssyncset.done $0x0  }
0x86: {  	[sflag:s13] =	ssyncadd.s32 $0xFFFFC000  }
0x87: {  	[tilespmem:s17], [sflag:$0x2] =	stream.indirect.gather [hbm4b:s1+s14], $0x80, s20, s14, $0xb8;
	[tilespmem:$0x1F800] =	vst v63  }
0x88: {  	_ =	swait.ge [sflag:s18], $0x4000  }
0x89: {  	[sflag:s18] =	ssyncset.done $0x0  }
0x8a: {  	[sflag:s18] =	ssyncadd.s32 $0xFFFFC000  }
0x8b: {  	[spmem:s3] =	stream.indirect.scatter.add.f32 [tilespmem:s15], [sflag:$0x3], $0x80, s21, s14, $0xb8;
	[tilespmem:$0x1F800] =	vst v63  }
0x8c: {  	_ =	swait.ge [sflag:s13], $0x4000  }
0x8d: {  	[sflag:s13] =	ssyncset.done $0x0  }
0x8e: {  	[sflag:s13] =	ssyncadd.s32 $0xFFFFC000  }
0x8f: {  	_ =	swait.ge [sflag:s19], $0x4000  }
0x90: {  	[sflag:s19] =	ssyncset.done $0x0  }
0x91: {  	[sflag:s19] =	ssyncadd.s32 $0xFFFFC000  }
0x92: {  	[spmem:s3] =	stream.indirect.scatter.add.f32 [tilespmem:s17], [sflag:$0x3], $0x80, s22, s14, $0xb8;
	[tilespmem:$0x1F800] =	vst v63  }
0x93: {  	_ =	swait.ge [sflag:s13], $0x4000  }
0x94: {  	s23 =	sadd.s32 $0x1, s23;
	[sflag:s13] =	ssyncset.done $0x0  }
0x95: {  	p0 =	sne.s32 s23, s11;
	[sflag:s13] =	ssyncadd.s32 $0xFFFFC000  }
.Ltmp2:
0x96: {  	[bflag:$0x0] =	sbarrier.arrive $0xFFFF;
	(pc) =	sbr.rel @p0 .LBB2_1-.Ltmp2, $4  }
0x97: {  	[hbm:s10], [sflag:s6] =	dma.local [spmem:s12], $0x2780  }
0x98: {  	_ =	swait.ge [sflag:s13], $0x2780  }
0x99: {  	[sflag:s13] =	ssyncset.done $0x0  }
0x9a: {  	[sflag:s13] =	ssyncadd.s32 $0xFFFFD880  }
0x9b: {  	_ =	sfence.sel $0x180000  }
0x9c: {  	[bflag:$0x0] =	sbarrier.arrive $0xFFFF  }
0x9d: {  	p0 =	sne.s32 s0, $0x0;
	_ =	strace $0x90000053  }
0x9e: {  	s0 =	sadd.s32 @!p0 $0x100000, s2;
	[bflag:$0x2] =	sbarrier.arrive $0xFFFF  }
0x9f: {  	[sflag:s0] =	ssyncadd.tile.s32 @!p0 $0x1;
	_ =	shalt  }
.Lfunc_end2:
_tile_overlayer_lowered:
.L_overlay_start_2:
0xa0: {  	(tag) =	ssettag $0x2  }
0xa1: {  	s0 =	rddreg [dreg:$0x0];
	s2 =	stileid.u32  }
0xa2: {  	s1 =	rddreg [dreg:$0x1];
	p0 =	sne.s32 s2, $0x0  }
0xa3: {  	s3 =	rddreg [dreg:$0x2];
	[bflag:$0x3] =	sbarrier.arrive $0xFFFF;
	s2 =	simm.s32 @!p0 $0x1C03  }
0xa4: {  	[timem:s3], [sflag:s2] =	dma.local @!p0 [hbm:s0], s1  }
0xa5: {  	s0 =	simm.s32 @!p0 $0x3  }
0xa6: {  	_ =	swait.ge @!p0 [sflag:s0], s1  }
0xa7: {  	s1 =	ssub.s32 @!p0 $0x0, s1;
	[sflag:s0] =	ssyncset.done @!p0 $0x0  }
0xa8: {  	[sflag:s0] =	ssyncadd.s32 @!p0 s1  }
0xa9: {  	[bflag:$0x3] =	sbarrier.arrive $0xFFFF  }
0xaa: {  	_ =	shalt  }

</sc_bundles>
